<compile_context>
chip_gen: v7x
topology: tpu7x:2x2x1
jax: 0.10.2.dev20260603
libtpu: 0.0.44.dev20260713+nightly
codegen_flags: <defaults>
</compile_context>

<pallas_src>
import functools

import jax
import jax.numpy as jnp
from jax import lax
from jax.experimental import pallas as pl
from jax.experimental.pallas import tpu as pltpu
from jax.experimental.pallas import tpu_sc as plsc

E = 8
K = 2
D = 1024
FF = 2048
T = 4096
CAP = 1536
DUMMY = E * CAP
BUF_ROWS = DUMMY + 8
BM = 512
NB = CAP // BM

NC, NS = 2, 16
NW = NC * NS
BPW = T // NW
CHUNK = 32

def _routing_body(te_ref, w_ref, slot_ref, wm_ref, cnt_ref):
    te = te_ref[...]
    li = lax.broadcasted_iota(jnp.int32, (128, 128), 0)
    lj = lax.broadcasted_iota(jnp.int32, (128, 128), 1)
    incl = (li <= lj).astype(jnp.float32)
    ri = lax.broadcasted_iota(jnp.int32, (64, 64), 0)
    rj = lax.broadcasted_iota(jnp.int32, (64, 64), 1)
    strict = (rj < ri).astype(jnp.float32)

    slot = jnp.full((64, 128), DUMMY, jnp.int32)
    cnt_rows = []
    for e in range(E):
        m = te == e
        mf = m.astype(jnp.float32)
        rowinc = jnp.dot(mf, incl, preferred_element_type=jnp.float32)
        rowtot = jnp.sum(mf, axis=1, keepdims=True)
        prev = jnp.dot(strict, rowtot, preferred_element_type=jnp.float32)
        pos = (rowinc - mf + prev).astype(jnp.int32)
        ok = m & (pos < CAP)
        slot = jnp.where(ok, e * CAP + pos, slot)
        cnt_rows.append(jnp.full((1, 128), jnp.sum(mf).astype(jnp.int32),
                                 dtype=jnp.int32))
    slot_ref[...] = slot
    wm_ref[...] = jnp.where(slot != DUMMY, w_ref[...], 0.0)
    cnt_ref[...] = jnp.concatenate(cnt_rows, axis=0)


_routing = pl.pallas_call(
    _routing_body,
    out_shape=(
        jax.ShapeDtypeStruct((64, 128), jnp.int32),
        jax.ShapeDtypeStruct((64, 128), jnp.float32),
        jax.ShapeDtypeStruct((E, 128), jnp.int32),
    ),
)

_NCH_D = BPW // CHUNK
_APW = T * K // NW
_NCH_G = _APW // CHUNK


@functools.lru_cache(maxsize=None)
def _sc_kernels():
    mesh = plsc.VectorSubcoreMesh(core_axis_name="c", subcore_axis_name="s")

    @functools.partial(
        pl.kernel,
        mesh=mesh,
        out_type=jax.ShapeDtypeStruct((BUF_ROWS, D), jnp.float32),
        scratch_types=[
            [pltpu.VMEM((CHUNK,), jnp.int32)] * 2,
            [pltpu.VMEM((CHUNK,), jnp.int32)] * 2,
            [pltpu.VMEM((CHUNK, D), jnp.float32)] * 2,
            [pltpu.SemaphoreType.DMA] * 2,
            [pltpu.SemaphoreType.DMA] * 2,
        ],
    )
    def dispatch(x_hbm, ia_hbm, ib_hbm, buf_hbm,
                 ia_v, ib_v, rows, sem_x, sem_s):
        wid = lax.axis_index("s") * NC + lax.axis_index("c")
        base = wid * BPW

        def start_loads(c, b):
            off = base + c * CHUNK
            return [
                pltpu.async_copy(x_hbm.at[pl.ds(off, CHUNK)], rows[b], sem_x[b]),
                pltpu.async_copy(ia_hbm.at[pl.ds(off, CHUNK)], ia_v[b], sem_x[b]),
                pltpu.async_copy(ib_hbm.at[pl.ds(off, CHUNK)], ib_v[b], sem_x[b]),
            ]

        h_x = [None, None]
        h_s = [[], []]
        for c in range(_NCH_D):
            b = c & 1
            if c == 0:
                h_x[0] = start_loads(0, 0)
            if c + 1 < _NCH_D:
                nb = (c + 1) & 1
                for h in h_s[nb]:
                    h.wait()
                h_s[nb] = []
                h_x[nb] = start_loads(c + 1, nb)
            for h in h_s[b]:
                h.wait()
            h_s[b] = []
            for h in h_x[b]:
                h.wait()
            h_s[b] = [
                pltpu.async_copy(rows[b], buf_hbm.at[ia_v[b]], sem_s[b]),
                pltpu.async_copy(rows[b], buf_hbm.at[ib_v[b]], sem_s[b]),
            ]
        for hs in h_s:
            for h in hs:
                h.wait()

    @functools.partial(
        pl.kernel,
        mesh=mesh,
        out_type=(
            jax.ShapeDtypeStruct((T, D), jnp.float32),
            jax.ShapeDtypeStruct((T, D), jnp.float32),
        ),
        scratch_types=[
            pltpu.VMEM((BPW,), jnp.int32),
            pltpu.VMEM((BPW,), jnp.int32),
            [pltpu.VMEM((CHUNK, D), jnp.float32)] * 2,
            [pltpu.SemaphoreType.DMA] * 2,
            [pltpu.SemaphoreType.DMA] * 2,
        ],
    )
    def gather_back(ob_hbm, ia_hbm, ib_hbm, ya_hbm, yb_hbm,
                    ia_all, ib_all, rows, sem_g, sem_w):
        wid = lax.axis_index("s") * NC + lax.axis_index("c")
        base = wid * BPW
        pltpu.sync_copy(ia_hbm.at[pl.ds(base, BPW)], ia_all)
        pltpu.sync_copy(ib_hbm.at[pl.ds(base, BPW)], ib_all)

        def chunk_args(c):
            idx_all, y_hbm = (ia_all, ya_hbm) if c % 2 == 0 else (ib_all, yb_hbm)
            off = (c // 2) * CHUNK
            return idx_all.at[pl.ds(off, CHUNK)], y_hbm.at[pl.ds(base + off, CHUNK)]

        n = 2 * _NCH_D
        h_g = [None, None]
        h_w = [None, None]
        for c in range(n):
            b = c & 1
            if c == 0:
                src, _ = chunk_args(0)
                h_g[0] = pltpu.async_copy(ob_hbm.at[src], rows[0], sem_g[0])
            if c + 1 < n:
                nb = (c + 1) & 1
                if h_w[nb] is not None:
                    h_w[nb].wait()
                    h_w[nb] = None
                src, _ = chunk_args(c + 1)
                h_g[nb] = pltpu.async_copy(ob_hbm.at[src], rows[nb], sem_g[nb])
            h_g[b].wait()
            _, dst = chunk_args(c)
            h_w[b] = pltpu.async_copy(rows[b], dst, sem_w[b])
        for h in h_w:
            if h is not None:
                h.wait()

    return dispatch, gather_back


def _gemm_body(cnt_ref, buf_ref, w1_ref, w2_ref, out_ref):
    e = pl.program_id(0)
    cnt = cnt_ref[e]
    w1 = w1_ref[0]
    w2 = w2_ref[0]
    for rb in range(NB):
        @pl.when(rb * BM < cnt)
        def _():
            a = buf_ref[pl.ds(rb * BM, BM), :].astype(jnp.bfloat16)
            h = jnp.dot(a, w1, preferred_element_type=jnp.float32)
            h = jax.nn.gelu(h, approximate=True)
            out_ref[pl.ds(rb * BM, BM), :] = jnp.dot(
                h.astype(jnp.bfloat16), w2,
                preferred_element_type=jnp.float32)


_gemm = pl.pallas_call(
    _gemm_body,
    grid=(E,),
    in_specs=[
        pl.BlockSpec(memory_space=pltpu.MemorySpace.SMEM),
        pl.BlockSpec((CAP, D), lambda e: (e, 0)),
        pl.BlockSpec((1, D, FF), lambda e: (e, 0, 0)),
        pl.BlockSpec((1, FF, D), lambda e: (e, 0, 0)),
    ],
    out_specs=pl.BlockSpec((CAP, D), lambda e: (e, 0)),
    out_shape=jax.ShapeDtypeStruct((BUF_ROWS, D), jnp.float32),
    compiler_params=pltpu.CompilerParams(
        dimension_semantics=("parallel",),
        allow_input_fusion=[False, False, True, True],
        vmem_limit_bytes=100 * 1024 * 1024),
)


def _combine_body(ya_ref, yb_ref, wa_ref, wb_ref, o_ref):
    wa = wa_ref[...]
    wb = wb_ref[...]
    o_ref[...] = (jnp.where(wa != 0.0, wa * ya_ref[...], 0.0)
                  + jnp.where(wb != 0.0, wb * yb_ref[...], 0.0))


_CB = 512
_combine = pl.pallas_call(
    _combine_body,
    grid=(T // _CB,),
    in_specs=[
        pl.BlockSpec((_CB, D), lambda i: (i, 0)),
        pl.BlockSpec((_CB, D), lambda i: (i, 0)),
        pl.BlockSpec((_CB, 1), lambda i: (i, 0)),
        pl.BlockSpec((_CB, 1), lambda i: (i, 0)),
    ],
    out_specs=pl.BlockSpec((_CB, D), lambda i: (i, 0)),
    out_shape=jax.ShapeDtypeStruct((T, D), jnp.float32),
)


def kernel(x, scores, expert_weights, top_experts, W1, W2):
    del scores
    te128 = top_experts.astype(jnp.int32).reshape(64, 128)
    w128 = expert_weights.astype(jnp.float32).reshape(64, 128)
    slot, wm, cnt = _routing(te128, w128)

    slot2 = slot.reshape(T, K)
    ia = slot2[:, 0]
    ib = slot2[:, 1]
    wm2 = wm.reshape(T, K)
    wa = wm2[:, 0:1]
    wb = wm2[:, 1:2]
    counts = cnt[:, 0]

    dispatch, gather_back = _sc_kernels()
    buf = dispatch(x, ia, ib)
    out_buf = _gemm(counts, buf, W1.astype(jnp.bfloat16),
                    W2.astype(jnp.bfloat16))
    ya, yb = gather_back(out_buf, ia, ib)
    return _combine(ya, yb, wa, wb)

# --- scband reference (transcript-rebuilt; emitter-appended) ---
"""Pipeline reference for scband-parallel-dropless-mlp-2353642078238 (READ-ONLY COPY).

The authoritative reference and input builder live on the scoring server;
editing this copy changes nothing except your own understanding.
"""

import jax, jax.numpy as jnp
import numpy as np

E = 8
TOP_K = 2
D_MODEL = 1024
D_FF = 2048
TOKENS = 4096
CAPACITY = 1536  # ~1.5x mean tokens/expert; dropless in practice for uniform routing


def setup_inputs(seed: int = 0) -> dict:
    key = jax.random.key(seed)
    ks = jax.random.split(key, 6)
    x = jax.random.normal(ks[0], (TOKENS, D_MODEL), dtype=jnp.float32)
    scores = jax.random.uniform(ks[1], (TOKENS, E), dtype=jnp.float32)
    expert_weights = jax.random.uniform(ks[2], (TOKENS, TOP_K), dtype=jnp.float32)
    top_experts = jax.random.randint(ks[3], (TOKENS, TOP_K), 0, E)
    W1 = jax.random.normal(ks[4], (E, D_MODEL, D_FF), dtype=jnp.float32) * 0.02
    W2 = jax.random.normal(ks[5], (E, D_FF, D_MODEL), dtype=jnp.float32) * 0.02
    return {"x": x, "scores": scores, "expert_weights": expert_weights,
            "top_experts": top_experts, "W1": W1, "W2": W2}


def reference(x, scores, expert_weights, top_experts, W1, W2):
    # Faithful dropless-MoE forward (forward_once path, single expert group):
    # sort token-assignments by expert (ops.sort), histogram tokens per expert
    # (ops.histogram), inclusive cumsum for bins, padded gather into per-expert
    # buffers, per-expert MLP (w1 -> gelu(tanh) -> w2), weighted scatter back.
    T, d = x.shape
    k = top_experts.shape[1]
    flat = top_experts.reshape(-1).astype(jnp.int32)              # [T*k]
    order = jnp.argsort(flat)                                     # stable sort == ops.sort
    sorted_exp = flat[order]
    tpe = jnp.bincount(flat, length=E)                            # ops.histogram
    starts = jnp.cumsum(tpe) - tpe                                # exclusive cumsum (bins)
    pos = jnp.arange(flat.shape[0], dtype=jnp.int32) - starts[sorted_exp].astype(jnp.int32)
    tok = order // k
    valid = pos < CAPACITY
    pos_c = jnp.where(valid, pos, CAPACITY)                       # overflow slot (unused)
    # padded_gather: scatter tokens into [E, capacity, d] buffers
    buf = jnp.zeros((E, CAPACITY + 1, d), x.dtype).at[sorted_exp, pos_c].set(x[tok])
    # per-expert MLP: w1 -> gelu(tanh approx) -> w2 (grouped GEMM)
    h = jax.nn.gelu(jnp.einsum('ecd,edf->ecf', buf, W1), approximate=True)
    out_buf = jnp.einsum('ecf,efd->ecd', h, W2)
    # padded_scatter: gather back in sorted order, unsort, weight and combine
    gathered = out_buf[sorted_exp, pos_c] * valid[:, None].astype(x.dtype)
    y = jnp.zeros((flat.shape[0], d), x.dtype).at[order].set(gathered)
    w = expert_weights.reshape(-1)
    out = (y * w[:, None]).reshape(T, k, d).sum(axis=1)
    return out

if __name__ == "__main__":
    import jax
    _d = setup_inputs()
    print(jax.jit(kernel)(*tuple(_d.values())))

</pallas_src>

<mosaic_0001>
#map = affine_map<(d0, d1) -> (0, 0)>
#map1 = affine_map<(d0, d1) -> (0)>
module attributes {stable_mosaic.version = 14 : i64} {
  func.func @gather_back(%arg0: i32, %arg1: i32, %arg2: memref<12296x1024xf32, #tpu.memory_space<hbm>>, %arg3: memref<4096xi32, #tpu.memory_space<hbm>>, %arg4: memref<4096xi32, #tpu.memory_space<hbm>>, %arg5: memref<4096x1024xf32, #tpu.memory_space<hbm>>, %arg6: memref<4096x1024xf32, #tpu.memory_space<hbm>>, %arg7: memref<128xi32, #tpu.memory_space<vmem>>, %arg8: memref<128xi32, #tpu.memory_space<vmem>>, %arg9: memref<32x1024xf32, #tpu.memory_space<vmem>>, %arg10: memref<32x1024xf32, #tpu.memory_space<vmem>>, %arg11: memref<!tpu.dma_semaphore, #tpu.memory_space<semaphore_mem>>, %arg12: memref<!tpu.dma_semaphore, #tpu.memory_space<semaphore_mem>>, %arg13: memref<!tpu.dma_semaphore, #tpu.memory_space<semaphore_mem>>, %arg14: memref<!tpu.dma_semaphore, #tpu.memory_space<semaphore_mem>>) attributes {dimension_semantics = [#tpu.dimension_semantics<core_parallel>, #tpu.dimension_semantics<subcore_parallel>], iteration_bounds = array<i64: 2, 16>, scalar_prefetch = 0 : i64, scratch_operands = 8 : i64, tpu.core_type = #tpu.core_type<sc_vector_subcore>, window_params = [{transform_indices = #map}, {transform_indices = #map1}, {transform_indices = #map1}, {transform_indices = #map}, {transform_indices = #map}]} {
    %mul3A = arith.constant 2 : i32
    %mul3A_0 = arith.muli %arg1, %mul3A : i32
    %add3A = arith.addi %mul3A_0, %arg0 : i32
    %mul3A_1 = arith.constant 128 : i32
    %mul3A_2 = arith.muli %add3A, %mul3A_1 : i32
    "tpu.region"() ({
      %run_scoped3A = tpu.sem_alloc : memref<!tpu.dma_semaphore, #tpu.memory_space<semaphore_mem>>
      %dma_start3A_177 = tpu.memref_slice %arg3[%mul3A_2] : memref<4096xi32, #tpu.memory_space<hbm>> -> memref<128xi32, #tpu.memory_space<hbm>>
      %dma_start3A_178 = tpu.memref_slice %arg3[%mul3A_2] : memref<4096xi32, #tpu.memory_space<hbm>> -> memref<128xi32, #tpu.memory_space<hbm>>
      tpu.enqueue_dma source(%dma_start3A_178 : memref<128xi32, #tpu.memory_space<hbm>>) target(%arg7 : memref<128xi32, #tpu.memory_space<vmem>>) target_semaphore(%run_scoped3A : memref<!tpu.dma_semaphore, #tpu.memory_space<semaphore_mem>>)
      %dma_wait3A_179 = tpu.memref_slice %arg3[%mul3A_2] : memref<4096xi32, #tpu.memory_space<hbm>> -> memref<128xi32, #tpu.memory_space<hbm>>
      %dma_wait3A_180 = tpu.memref_slice %arg3[%mul3A_2] : memref<4096xi32, #tpu.memory_space<hbm>> -> memref<128xi32, #tpu.memory_space<hbm>>
      tpu.wait_dma2 semaphore(%run_scoped3A : memref<!tpu.dma_semaphore, #tpu.memory_space<semaphore_mem>>) src(%dma_wait3A_180 : memref<128xi32, #tpu.memory_space<hbm>>) dst(%arg7 : memref<128xi32, #tpu.memory_space<vmem>>)
      tpu.yield
    }) : () -> ()
    "tpu.region"() ({
      %run_scoped3A = tpu.sem_alloc : memref<!tpu.dma_semaphore, #tpu.memory_space<semaphore_mem>>
      %dma_start3A_177 = tpu.memref_slice %arg4[%mul3A_2] : memref<4096xi32, #tpu.memory_space<hbm>> -> memref<128xi32, #tpu.memory_space<hbm>>
      %dma_start3A_178 = tpu.memref_slice %arg4[%mul3A_2] : memref<4096xi32, #tpu.memory_space<hbm>> -> memref<128xi32, #tpu.memory_space<hbm>>
      tpu.enqueue_dma source(%dma_start3A_178 : memref<128xi32, #tpu.memory_space<hbm>>) target(%arg8 : memref<128xi32, #tpu.memory_space<vmem>>) target_semaphore(%run_scoped3A : memref<!tpu.dma_semaphore, #tpu.memory_space<semaphore_mem>>)
      %dma_wait3A_179 = tpu.memref_slice %arg4[%mul3A_2] : memref<4096xi32, #tpu.memory_space<hbm>> -> memref<128xi32, #tpu.memory_space<hbm>>
      %dma_wait3A_180 = tpu.memref_slice %arg4[%mul3A_2] : memref<4096xi32, #tpu.memory_space<hbm>> -> memref<128xi32, #tpu.memory_space<hbm>>
      tpu.wait_dma2 semaphore(%run_scoped3A : memref<!tpu.dma_semaphore, #tpu.memory_space<semaphore_mem>>) src(%dma_wait3A_180 : memref<128xi32, #tpu.memory_space<hbm>>) dst(%arg8 : memref<128xi32, #tpu.memory_space<vmem>>)
      tpu.yield
    }) : () -> ()
    %add3A_3 = arith.constant 0 : i32
    %add3A_4 = arith.addi %mul3A_2, %add3A_3 : i32
    %dma_start3A = arith.constant 0 : i32
    %dma_start3A_5 = tpu.memref_slice %arg7[%dma_start3A] : memref<128xi32, #tpu.memory_space<vmem>> -> memref<32xi32, #tpu.memory_space<vmem>>
    %dma_start3A_6 = arith.constant 0 : i32
    %dma_start3A_7 = arith.constant 0 : i32
    %dma_start3A_8 = tpu.memref_slice %arg2[%dma_start3A_6, %dma_start3A_7] : memref<12296x1024xf32, #tpu.memory_space<hbm>> -> memref<12296x1024xf32, #tpu.memory_space<hbm>>
    tpu.enqueue_indirect_dma source(%dma_start3A_8 : memref<12296x1024xf32, #tpu.memory_space<hbm>>) target(%arg9 : memref<32x1024xf32, #tpu.memory_space<vmem>>) offsets(%dma_start3A_5 : memref<32xi32, #tpu.memory_space<vmem>>) semaphore(%arg11 : memref<!tpu.dma_semaphore, #tpu.memory_space<semaphore_mem>>)
    %add3A_9 = arith.constant 0 : i32
    %add3A_10 = arith.addi %mul3A_2, %add3A_9 : i32
    %dma_start3A_11 = arith.constant 0 : i32
    %dma_start3A_12 = tpu.memref_slice %arg8[%dma_start3A_11] : memref<128xi32, #tpu.memory_space<vmem>> -> memref<32xi32, #tpu.memory_space<vmem>>
    %dma_start3A_13 = arith.constant 0 : i32
    %dma_start3A_14 = arith.constant 0 : i32
    %dma_start3A_15 = tpu.memref_slice %arg2[%dma_start3A_13, %dma_start3A_14] : memref<12296x1024xf32, #tpu.memory_space<hbm>> -> memref<12296x1024xf32, #tpu.memory_space<hbm>>
    tpu.enqueue_indirect_dma source(%dma_start3A_15 : memref<12296x1024xf32, #tpu.memory_space<hbm>>) target(%arg10 : memref<32x1024xf32, #tpu.memory_space<vmem>>) offsets(%dma_start3A_12 : memref<32xi32, #tpu.memory_space<vmem>>) semaphore(%arg12 : memref<!tpu.dma_semaphore, #tpu.memory_space<semaphore_mem>>)
    %dma_wait3A = arith.constant 0 : i32
    %dma_wait3A_16 = tpu.memref_slice %arg7[%dma_wait3A] : memref<128xi32, #tpu.memory_space<vmem>> -> memref<32xi32, #tpu.memory_space<vmem>>
    %dma_wait3A_17 = arith.constant 0 : i32
    %dma_wait3A_18 = arith.constant 0 : i32
    %dma_wait3A_19 = tpu.memref_slice %arg2[%dma_wait3A_17, %dma_wait3A_18] : memref<12296x1024xf32, #tpu.memory_space<hbm>> -> memref<12296x1024xf32, #tpu.memory_space<hbm>>
    tpu.wait_indirect_dma semaphore(%arg11 : memref<!tpu.dma_semaphore, #tpu.memory_space<semaphore_mem>>) src(%dma_wait3A_19 : memref<12296x1024xf32, #tpu.memory_space<hbm>>) dst(%arg9 : memref<32x1024xf32, #tpu.memory_space<vmem>>)
    %add3A_20 = arith.constant 0 : i32
    %add3A_21 = arith.addi %mul3A_2, %add3A_20 : i32
    %dma_start3A_22 = arith.constant 0 : i32
    %dma_start3A_23 = tpu.memref_slice %arg5[%add3A_21, %dma_start3A_22] : memref<4096x1024xf32, #tpu.memory_space<hbm>> -> memref<32x1024xf32, #tpu.memory_space<hbm>>
    %dma_start3A_24 = arith.constant 0 : i32
    %dma_start3A_25 = tpu.memref_slice %arg5[%add3A_21, %dma_start3A_24] : memref<4096x1024xf32, #tpu.memory_space<hbm>> -> memref<32x1024xf32, #tpu.memory_space<hbm>>
    tpu.enqueue_dma source(%arg9 : memref<32x1024xf32, #tpu.memory_space<vmem>>) target(%dma_start3A_25 : memref<32x1024xf32, #tpu.memory_space<hbm>>) target_semaphore(%arg13 : memref<!tpu.dma_semaphore, #tpu.memory_space<semaphore_mem>>)
    %dma_wait3A_26 = arith.constant 0 : i32
    %dma_wait3A_27 = tpu.memref_slice %arg5[%add3A_21, %dma_wait3A_26] : memref<4096x1024xf32, #tpu.memory_space<hbm>> -> memref<32x1024xf32, #tpu.memory_space<hbm>>
    %dma_wait3A_28 = arith.constant 0 : i32
    %dma_wait3A_29 = tpu.memref_slice %arg5[%add3A_21, %dma_wait3A_28] : memref<4096x1024xf32, #tpu.memory_space<hbm>> -> memref<32x1024xf32, #tpu.memory_space<hbm>>
    tpu.wait_dma2 semaphore(%arg13 : memref<!tpu.dma_semaphore, #tpu.memory_space<semaphore_mem>>) src(%arg9 : memref<32x1024xf32, #tpu.memory_space<vmem>>) dst(%dma_wait3A_29 : memref<32x1024xf32, #tpu.memory_space<hbm>>)
    %add3A_30 = arith.constant 32 : i32
    %add3A_31 = arith.addi %mul3A_2, %add3A_30 : i32
    %dma_start3A_32 = arith.constant 32 : i32
    %dma_start3A_33 = tpu.memref_slice %arg7[%dma_start3A_32] : memref<128xi32, #tpu.memory_space<vmem>> -> memref<32xi32, #tpu.memory_space<vmem>>
    %dma_start3A_34 = arith.constant 0 : i32
    %dma_start3A_35 = arith.constant 0 : i32
    %dma_start3A_36 = tpu.memref_slice %arg2[%dma_start3A_34, %dma_start3A_35] : memref<12296x1024xf32, #tpu.memory_space<hbm>> -> memref<12296x1024xf32, #tpu.memory_space<hbm>>
    tpu.enqueue_indirect_dma source(%dma_start3A_36 : memref<12296x1024xf32, #tpu.memory_space<hbm>>) target(%arg9 : memref<32x1024xf32, #tpu.memory_space<vmem>>) offsets(%dma_start3A_33 : memref<32xi32, #tpu.memory_space<vmem>>) semaphore(%arg11 : memref<!tpu.dma_semaphore, #tpu.memory_space<semaphore_mem>>)
    %dma_wait3A_37 = arith.constant 0 : i32
    %dma_wait3A_38 = tpu.memref_slice %arg8[%dma_wait3A_37] : memref<128xi32, #tpu.memory_space<vmem>> -> memref<32xi32, #tpu.memory_space<vmem>>
    %dma_wait3A_39 = arith.constant 0 : i32
    %dma_wait3A_40 = arith.constant 0 : i32
    %dma_wait3A_41 = tpu.memref_slice %arg2[%dma_wait3A_39, %dma_wait3A_40] : memref<12296x1024xf32, #tpu.memory_space<hbm>> -> memref<12296x1024xf32, #tpu.memory_space<hbm>>
    tpu.wait_indirect_dma semaphore(%arg12 : memref<!tpu.dma_semaphore, #tpu.memory_space<semaphore_mem>>) src(%dma_wait3A_41 : memref<12296x1024xf32, #tpu.memory_space<hbm>>) dst(%arg10 : memref<32x1024xf32, #tpu.memory_space<vmem>>)
    %add3A_42 = arith.constant 0 : i32
    %add3A_43 = arith.addi %mul3A_2, %add3A_42 : i32
    %dma_start3A_44 = arith.constant 0 : i32
    %dma_start3A_45 = tpu.memref_slice %arg6[%add3A_43, %dma_start3A_44] : memref<4096x1024xf32, #tpu.memory_space<hbm>> -> memref<32x1024xf32, #tpu.memory_space<hbm>>
    %dma_start3A_46 = arith.constant 0 : i32
    %dma_start3A_47 = tpu.memref_slice %arg6[%add3A_43, %dma_start3A_46] : memref<4096x1024xf32, #tpu.memory_space<hbm>> -> memref<32x1024xf32, #tpu.memory_space<hbm>>
    tpu.enqueue_dma source(%arg10 : memref<32x1024xf32, #tpu.memory_space<vmem>>) target(%dma_start3A_47 : memref<32x1024xf32, #tpu.memory_space<hbm>>) target_semaphore(%arg14 : memref<!tpu.dma_semaphore, #tpu.memory_space<semaphore_mem>>)
    %dma_wait3A_48 = arith.constant 0 : i32
    %dma_wait3A_49 = tpu.memref_slice %arg6[%add3A_43, %dma_wait3A_48] : memref<4096x1024xf32, #tpu.memory_space<hbm>> -> memref<32x1024xf32, #tpu.memory_space<hbm>>
    %dma_wait3A_50 = arith.constant 0 : i32
    %dma_wait3A_51 = tpu.memref_slice %arg6[%add3A_43, %dma_wait3A_50] : memref<4096x1024xf32, #tpu.memory_space<hbm>> -> memref<32x1024xf32, #tpu.memory_space<hbm>>
    tpu.wait_dma2 semaphore(%arg14 : memref<!tpu.dma_semaphore, #tpu.memory_space<semaphore_mem>>) src(%arg10 : memref<32x1024xf32, #tpu.memory_space<vmem>>) dst(%dma_wait3A_51 : memref<32x1024xf32, #tpu.memory_space<hbm>>)
    %add3A_52 = arith.constant 32 : i32
    %add3A_53 = arith.addi %mul3A_2, %add3A_52 : i32
    %dma_start3A_54 = arith.constant 32 : i32
    %dma_start3A_55 = tpu.memref_slice %arg8[%dma_start3A_54] : memref<128xi32, #tpu.memory_space<vmem>> -> memref<32xi32, #tpu.memory_space<vmem>>
    %dma_start3A_56 = arith.constant 0 : i32
    %dma_start3A_57 = arith.constant 0 : i32
    %dma_start3A_58 = tpu.memref_slice %arg2[%dma_start3A_56, %dma_start3A_57] : memref<12296x1024xf32, #tpu.memory_space<hbm>> -> memref<12296x1024xf32, #tpu.memory_space<hbm>>
    tpu.enqueue_indirect_dma source(%dma_start3A_58 : memref<12296x1024xf32, #tpu.memory_space<hbm>>) target(%arg10 : memref<32x1024xf32, #tpu.memory_space<vmem>>) offsets(%dma_start3A_55 : memref<32xi32, #tpu.memory_space<vmem>>) semaphore(%arg12 : memref<!tpu.dma_semaphore, #tpu.memory_space<semaphore_mem>>)
    %dma_wait3A_59 = arith.constant 32 : i32
    %dma_wait3A_60 = tpu.memref_slice %arg7[%dma_wait3A_59] : memref<128xi32, #tpu.memory_space<vmem>> -> memref<32xi32, #tpu.memory_space<vmem>>
    %dma_wait3A_61 = arith.constant 0 : i32
    %dma_wait3A_62 = arith.constant 0 : i32
    %dma_wait3A_63 = tpu.memref_slice %arg2[%dma_wait3A_61, %dma_wait3A_62] : memref<12296x1024xf32, #tpu.memory_space<hbm>> -> memref<12296x1024xf32, #tpu.memory_space<hbm>>
    tpu.wait_indirect_dma semaphore(%arg11 : memref<!tpu.dma_semaphore, #tpu.memory_space<semaphore_mem>>) src(%dma_wait3A_63 : memref<12296x1024xf32, #tpu.memory_space<hbm>>) dst(%arg9 : memref<32x1024xf32, #tpu.memory_space<vmem>>)
    %add3A_64 = arith.constant 32 : i32
    %add3A_65 = arith.addi %mul3A_2, %add3A_64 : i32
    %dma_start3A_66 = arith.constant 0 : i32
    %dma_start3A_67 = tpu.memref_slice %arg5[%add3A_65, %dma_start3A_66] : memref<4096x1024xf32, #tpu.memory_space<hbm>> -> memref<32x1024xf32, #tpu.memory_space<hbm>>
    %dma_start3A_68 = arith.constant 0 : i32
    %dma_start3A_69 = tpu.memref_slice %arg5[%add3A_65, %dma_start3A_68] : memref<4096x1024xf32, #tpu.memory_space<hbm>> -> memref<32x1024xf32, #tpu.memory_space<hbm>>
    tpu.enqueue_dma source(%arg9 : memref<32x1024xf32, #tpu.memory_space<vmem>>) target(%dma_start3A_69 : memref<32x1024xf32, #tpu.memory_space<hbm>>) target_semaphore(%arg13 : memref<!tpu.dma_semaphore, #tpu.memory_space<semaphore_mem>>)
    %dma_wait3A_70 = arith.constant 0 : i32
    %dma_wait3A_71 = tpu.memref_slice %arg5[%add3A_65, %dma_wait3A_70] : memref<4096x1024xf32, #tpu.memory_space<hbm>> -> memref<32x1024xf32, #tpu.memory_space<hbm>>
    %dma_wait3A_72 = arith.constant 0 : i32
    %dma_wait3A_73 = tpu.memref_slice %arg5[%add3A_65, %dma_wait3A_72] : memref<4096x1024xf32, #tpu.memory_space<hbm>> -> memref<32x1024xf32, #tpu.memory_space<hbm>>
    tpu.wait_dma2 semaphore(%arg13 : memref<!tpu.dma_semaphore, #tpu.memory_space<semaphore_mem>>) src(%arg9 : memref<32x1024xf32, #tpu.memory_space<vmem>>) dst(%dma_wait3A_73 : memref<32x1024xf32, #tpu.memory_space<hbm>>)
    %add3A_74 = arith.constant 64 : i32
    %add3A_75 = arith.addi %mul3A_2, %add3A_74 : i32
    %dma_start3A_76 = arith.constant 64 : i32
    %dma_start3A_77 = tpu.memref_slice %arg7[%dma_start3A_76] : memref<128xi32, #tpu.memory_space<vmem>> -> memref<32xi32, #tpu.memory_space<vmem>>
    %dma_start3A_78 = arith.constant 0 : i32
    %dma_start3A_79 = arith.constant 0 : i32
    %dma_start3A_80 = tpu.memref_slice %arg2[%dma_start3A_78, %dma_start3A_79] : memref<12296x1024xf32, #tpu.memory_space<hbm>> -> memref<12296x1024xf32, #tpu.memory_space<hbm>>
    tpu.enqueue_indirect_dma source(%dma_start3A_80 : memref<12296x1024xf32, #tpu.memory_space<hbm>>) target(%arg9 : memref<32x1024xf32, #tpu.memory_space<vmem>>) offsets(%dma_start3A_77 : memref<32xi32, #tpu.memory_space<vmem>>) semaphore(%arg11 : memref<!tpu.dma_semaphore, #tpu.memory_space<semaphore_mem>>)
    %dma_wait3A_81 = arith.constant 32 : i32
    %dma_wait3A_82 = tpu.memref_slice %arg8[%dma_wait3A_81] : memref<128xi32, #tpu.memory_space<vmem>> -> memref<32xi32, #tpu.memory_space<vmem>>
    %dma_wait3A_83 = arith.constant 0 : i32
    %dma_wait3A_84 = arith.constant 0 : i32
    %dma_wait3A_85 = tpu.memref_slice %arg2[%dma_wait3A_83, %dma_wait3A_84] : memref<12296x1024xf32, #tpu.memory_space<hbm>> -> memref<12296x1024xf32, #tpu.memory_space<hbm>>
    tpu.wait_indirect_dma semaphore(%arg12 : memref<!tpu.dma_semaphore, #tpu.memory_space<semaphore_mem>>) src(%dma_wait3A_85 : memref<12296x1024xf32, #tpu.memory_space<hbm>>) dst(%arg10 : memref<32x1024xf32, #tpu.memory_space<vmem>>)
    %add3A_86 = arith.constant 32 : i32
    %add3A_87 = arith.addi %mul3A_2, %add3A_86 : i32
    %dma_start3A_88 = arith.constant 0 : i32
    %dma_start3A_89 = tpu.memref_slice %arg6[%add3A_87, %dma_start3A_88] : memref<4096x1024xf32, #tpu.memory_space<hbm>> -> memref<32x1024xf32, #tpu.memory_space<hbm>>
    %dma_start3A_90 = arith.constant 0 : i32
    %dma_start3A_91 = tpu.memref_slice %arg6[%add3A_87, %dma_start3A_90] : memref<4096x1024xf32, #tpu.memory_space<hbm>> -> memref<32x1024xf32, #tpu.memory_space<hbm>>
    tpu.enqueue_dma source(%arg10 : memref<32x1024xf32, #tpu.memory_space<vmem>>) target(%dma_start3A_91 : memref<32x1024xf32, #tpu.memory_space<hbm>>) target_semaphore(%arg14 : memref<!tpu.dma_semaphore, #tpu.memory_space<semaphore_mem>>)
    %dma_wait3A_92 = arith.constant 0 : i32
    %dma_wait3A_93 = tpu.memref_slice %arg6[%add3A_87, %dma_wait3A_92] : memref<4096x1024xf32, #tpu.memory_space<hbm>> -> memref<32x1024xf32, #tpu.memory_space<hbm>>
    %dma_wait3A_94 = arith.constant 0 : i32
    %dma_wait3A_95 = tpu.memref_slice %arg6[%add3A_87, %dma_wait3A_94] : memref<4096x1024xf32, #tpu.memory_space<hbm>> -> memref<32x1024xf32, #tpu.memory_space<hbm>>
    tpu.wait_dma2 semaphore(%arg14 : memref<!tpu.dma_semaphore, #tpu.memory_space<semaphore_mem>>) src(%arg10 : memref<32x1024xf32, #tpu.memory_space<vmem>>) dst(%dma_wait3A_95 : memref<32x1024xf32, #tpu.memory_space<hbm>>)
    %add3A_96 = arith.constant 64 : i32
    %add3A_97 = arith.addi %mul3A_2, %add3A_96 : i32
    %dma_start3A_98 = arith.constant 64 : i32
    %dma_start3A_99 = tpu.memref_slice %arg8[%dma_start3A_98] : memref<128xi32, #tpu.memory_space<vmem>> -> memref<32xi32, #tpu.memory_space<vmem>>
    %dma_start3A_100 = arith.constant 0 : i32
    %dma_start3A_101 = arith.constant 0 : i32
    %dma_start3A_102 = tpu.memref_slice %arg2[%dma_start3A_100, %dma_start3A_101] : memref<12296x1024xf32, #tpu.memory_space<hbm>> -> memref<12296x1024xf32, #tpu.memory_space<hbm>>
    tpu.enqueue_indirect_dma source(%dma_start3A_102 : memref<12296x1024xf32, #tpu.memory_space<hbm>>) target(%arg10 : memref<32x1024xf32, #tpu.memory_space<vmem>>) offsets(%dma_start3A_99 : memref<32xi32, #tpu.memory_space<vmem>>) semaphore(%arg12 : memref<!tpu.dma_semaphore, #tpu.memory_space<semaphore_mem>>)
    %dma_wait3A_103 = arith.constant 64 : i32
    %dma_wait3A_104 = tpu.memref_slice %arg7[%dma_wait3A_103] : memref<128xi32, #tpu.memory_space<vmem>> -> memref<32xi32, #tpu.memory_space<vmem>>
    %dma_wait3A_105 = arith.constant 0 : i32
    %dma_wait3A_106 = arith.constant 0 : i32
    %dma_wait3A_107 = tpu.memref_slice %arg2[%dma_wait3A_105, %dma_wait3A_106] : memref<12296x1024xf32, #tpu.memory_space<hbm>> -> memref<12296x1024xf32, #tpu.memory_space<hbm>>
    tpu.wait_indirect_dma semaphore(%arg11 : memref<!tpu.dma_semaphore, #tpu.memory_space<semaphore_mem>>) src(%dma_wait3A_107 : memref<12296x1024xf32, #tpu.memory_space<hbm>>) dst(%arg9 : memref<32x1024xf32, #tpu.memory_space<vmem>>)
    %add3A_108 = arith.constant 64 : i32
    %add3A_109 = arith.addi %mul3A_2, %add3A_108 : i32
    %dma_start3A_110 = arith.constant 0 : i32
    %dma_start3A_111 = tpu.memref_slice %arg5[%add3A_109, %dma_start3A_110] : memref<4096x1024xf32, #tpu.memory_space<hbm>> -> memref<32x1024xf32, #tpu.memory_space<hbm>>
    %dma_start3A_112 = arith.constant 0 : i32
    %dma_start3A_113 = tpu.memref_slice %arg5[%add3A_109, %dma_start3A_112] : memref<4096x1024xf32, #tpu.memory_space<hbm>> -> memref<32x1024xf32, #tpu.memory_space<hbm>>
    tpu.enqueue_dma source(%arg9 : memref<32x1024xf32, #tpu.memory_space<vmem>>) target(%dma_start3A_113 : memref<32x1024xf32, #tpu.memory_space<hbm>>) target_semaphore(%arg13 : memref<!tpu.dma_semaphore, #tpu.memory_space<semaphore_mem>>)
    %dma_wait3A_114 = arith.constant 0 : i32
    %dma_wait3A_115 = tpu.memref_slice %arg5[%add3A_109, %dma_wait3A_114] : memref<4096x1024xf32, #tpu.memory_space<hbm>> -> memref<32x1024xf32, #tpu.memory_space<hbm>>
    %dma_wait3A_116 = arith.constant 0 : i32
    %dma_wait3A_117 = tpu.memref_slice %arg5[%add3A_109, %dma_wait3A_116] : memref<4096x1024xf32, #tpu.memory_space<hbm>> -> memref<32x1024xf32, #tpu.memory_space<hbm>>
    tpu.wait_dma2 semaphore(%arg13 : memref<!tpu.dma_semaphore, #tpu.memory_space<semaphore_mem>>) src(%arg9 : memref<32x1024xf32, #tpu.memory_space<vmem>>) dst(%dma_wait3A_117 : memref<32x1024xf32, #tpu.memory_space<hbm>>)
    %add3A_118 = arith.constant 96 : i32
    %add3A_119 = arith.addi %mul3A_2, %add3A_118 : i32
    %dma_start3A_120 = arith.constant 96 : i32
    %dma_start3A_121 = tpu.memref_slice %arg7[%dma_start3A_120] : memref<128xi32, #tpu.memory_space<vmem>> -> memref<32xi32, #tpu.memory_space<vmem>>
    %dma_start3A_122 = arith.constant 0 : i32
    %dma_start3A_123 = arith.constant 0 : i32
    %dma_start3A_124 = tpu.memref_slice %arg2[%dma_start3A_122, %dma_start3A_123] : memref<12296x1024xf32, #tpu.memory_space<hbm>> -> memref<12296x1024xf32, #tpu.memory_space<hbm>>
    tpu.enqueue_indirect_dma source(%dma_start3A_124 : memref<12296x1024xf32, #tpu.memory_space<hbm>>) target(%arg9 : memref<32x1024xf32, #tpu.memory_space<vmem>>) offsets(%dma_start3A_121 : memref<32xi32, #tpu.memory_space<vmem>>) semaphore(%arg11 : memref<!tpu.dma_semaphore, #tpu.memory_space<semaphore_mem>>)
    %dma_wait3A_125 = arith.constant 64 : i32
    %dma_wait3A_126 = tpu.memref_slice %arg8[%dma_wait3A_125] : memref<128xi32, #tpu.memory_space<vmem>> -> memref<32xi32, #tpu.memory_space<vmem>>
    %dma_wait3A_127 = arith.constant 0 : i32
    %dma_wait3A_128 = arith.constant 0 : i32
    %dma_wait3A_129 = tpu.memref_slice %arg2[%dma_wait3A_127, %dma_wait3A_128] : memref<12296x1024xf32, #tpu.memory_space<hbm>> -> memref<12296x1024xf32, #tpu.memory_space<hbm>>
    tpu.wait_indirect_dma semaphore(%arg12 : memref<!tpu.dma_semaphore, #tpu.memory_space<semaphore_mem>>) src(%dma_wait3A_129 : memref<12296x1024xf32, #tpu.memory_space<hbm>>) dst(%arg10 : memref<32x1024xf32, #tpu.memory_space<vmem>>)
    %add3A_130 = arith.constant 64 : i32
    %add3A_131 = arith.addi %mul3A_2, %add3A_130 : i32
    %dma_start3A_132 = arith.constant 0 : i32
    %dma_start3A_133 = tpu.memref_slice %arg6[%add3A_131, %dma_start3A_132] : memref<4096x1024xf32, #tpu.memory_space<hbm>> -> memref<32x1024xf32, #tpu.memory_space<hbm>>
    %dma_start3A_134 = arith.constant 0 : i32
    %dma_start3A_135 = tpu.memref_slice %arg6[%add3A_131, %dma_start3A_134] : memref<4096x1024xf32, #tpu.memory_space<hbm>> -> memref<32x1024xf32, #tpu.memory_space<hbm>>
    tpu.enqueue_dma source(%arg10 : memref<32x1024xf32, #tpu.memory_space<vmem>>) target(%dma_start3A_135 : memref<32x1024xf32, #tpu.memory_space<hbm>>) target_semaphore(%arg14 : memref<!tpu.dma_semaphore, #tpu.memory_space<semaphore_mem>>)
    %dma_wait3A_136 = arith.constant 0 : i32
    %dma_wait3A_137 = tpu.memref_slice %arg6[%add3A_131, %dma_wait3A_136] : memref<4096x1024xf32, #tpu.memory_space<hbm>> -> memref<32x1024xf32, #tpu.memory_space<hbm>>
    %dma_wait3A_138 = arith.constant 0 : i32
    %dma_wait3A_139 = tpu.memref_slice %arg6[%add3A_131, %dma_wait3A_138] : memref<4096x1024xf32, #tpu.memory_space<hbm>> -> memref<32x1024xf32, #tpu.memory_space<hbm>>
    tpu.wait_dma2 semaphore(%arg14 : memref<!tpu.dma_semaphore, #tpu.memory_space<semaphore_mem>>) src(%arg10 : memref<32x1024xf32, #tpu.memory_space<vmem>>) dst(%dma_wait3A_139 : memref<32x1024xf32, #tpu.memory_space<hbm>>)
    %add3A_140 = arith.constant 96 : i32
    %add3A_141 = arith.addi %mul3A_2, %add3A_140 : i32
    %dma_start3A_142 = arith.constant 96 : i32
    %dma_start3A_143 = tpu.memref_slice %arg8[%dma_start3A_142] : memref<128xi32, #tpu.memory_space<vmem>> -> memref<32xi32, #tpu.memory_space<vmem>>
    %dma_start3A_144 = arith.constant 0 : i32
    %dma_start3A_145 = arith.constant 0 : i32
    %dma_start3A_146 = tpu.memref_slice %arg2[%dma_start3A_144, %dma_start3A_145] : memref<12296x1024xf32, #tpu.memory_space<hbm>> -> memref<12296x1024xf32, #tpu.memory_space<hbm>>
    tpu.enqueue_indirect_dma source(%dma_start3A_146 : memref<12296x1024xf32, #tpu.memory_space<hbm>>) target(%arg10 : memref<32x1024xf32, #tpu.memory_space<vmem>>) offsets(%dma_start3A_143 : memref<32xi32, #tpu.memory_space<vmem>>) semaphore(%arg12 : memref<!tpu.dma_semaphore, #tpu.memory_space<semaphore_mem>>)
    %dma_wait3A_147 = arith.constant 96 : i32
    %dma_wait3A_148 = tpu.memref_slice %arg7[%dma_wait3A_147] : memref<128xi32, #tpu.memory_space<vmem>> -> memref<32xi32, #tpu.memory_space<vmem>>
    %dma_wait3A_149 = arith.constant 0 : i32
    %dma_wait3A_150 = arith.constant 0 : i32
    %dma_wait3A_151 = tpu.memref_slice %arg2[%dma_wait3A_149, %dma_wait3A_150] : memref<12296x1024xf32, #tpu.memory_space<hbm>> -> memref<12296x1024xf32, #tpu.memory_space<hbm>>
    tpu.wait_indirect_dma semaphore(%arg11 : memref<!tpu.dma_semaphore, #tpu.memory_space<semaphore_mem>>) src(%dma_wait3A_151 : memref<12296x1024xf32, #tpu.memory_space<hbm>>) dst(%arg9 : memref<32x1024xf32, #tpu.memory_space<vmem>>)
    %add3A_152 = arith.constant 96 : i32
    %add3A_153 = arith.addi %mul3A_2, %add3A_152 : i32
    %dma_start3A_154 = arith.constant 0 : i32
    %dma_start3A_155 = tpu.memref_slice %arg5[%add3A_153, %dma_start3A_154] : memref<4096x1024xf32, #tpu.memory_space<hbm>> -> memref<32x1024xf32, #tpu.memory_space<hbm>>
    %dma_start3A_156 = arith.constant 0 : i32
    %dma_start3A_157 = tpu.memref_slice %arg5[%add3A_153, %dma_start3A_156] : memref<4096x1024xf32, #tpu.memory_space<hbm>> -> memref<32x1024xf32, #tpu.memory_space<hbm>>
    tpu.enqueue_dma source(%arg9 : memref<32x1024xf32, #tpu.memory_space<vmem>>) target(%dma_start3A_157 : memref<32x1024xf32, #tpu.memory_space<hbm>>) target_semaphore(%arg13 : memref<!tpu.dma_semaphore, #tpu.memory_space<semaphore_mem>>)
    %dma_wait3A_158 = arith.constant 96 : i32
    %dma_wait3A_159 = tpu.memref_slice %arg8[%dma_wait3A_158] : memref<128xi32, #tpu.memory_space<vmem>> -> memref<32xi32, #tpu.memory_space<vmem>>
    %dma_wait3A_160 = arith.constant 0 : i32
    %dma_wait3A_161 = arith.constant 0 : i32
    %dma_wait3A_162 = tpu.memref_slice %arg2[%dma_wait3A_160, %dma_wait3A_161] : memref<12296x1024xf32, #tpu.memory_space<hbm>> -> memref<12296x1024xf32, #tpu.memory_space<hbm>>
    tpu.wait_indirect_dma semaphore(%arg12 : memref<!tpu.dma_semaphore, #tpu.memory_space<semaphore_mem>>) src(%dma_wait3A_162 : memref<12296x1024xf32, #tpu.memory_space<hbm>>) dst(%arg10 : memref<32x1024xf32, #tpu.memory_space<vmem>>)
    %add3A_163 = arith.constant 96 : i32
    %add3A_164 = arith.addi %mul3A_2, %add3A_163 : i32
    %dma_start3A_165 = arith.constant 0 : i32
    %dma_start3A_166 = tpu.memref_slice %arg6[%add3A_164, %dma_start3A_165] : memref<4096x1024xf32, #tpu.memory_space<hbm>> -> memref<32x1024xf32, #tpu.memory_space<hbm>>
    %dma_start3A_167 = arith.constant 0 : i32
    %dma_start3A_168 = tpu.memref_slice %arg6[%add3A_164, %dma_start3A_167] : memref<4096x1024xf32, #tpu.memory_space<hbm>> -> memref<32x1024xf32, #tpu.memory_space<hbm>>
    tpu.enqueue_dma source(%arg10 : memref<32x1024xf32, #tpu.memory_space<vmem>>) target(%dma_start3A_168 : memref<32x1024xf32, #tpu.memory_space<hbm>>) target_semaphore(%arg14 : memref<!tpu.dma_semaphore, #tpu.memory_space<semaphore_mem>>)
    %dma_wait3A_169 = arith.constant 0 : i32
    %dma_wait3A_170 = tpu.memref_slice %arg5[%add3A_153, %dma_wait3A_169] : memref<4096x1024xf32, #tpu.memory_space<hbm>> -> memref<32x1024xf32, #tpu.memory_space<hbm>>
    %dma_wait3A_171 = arith.constant 0 : i32
    %dma_wait3A_172 = tpu.memref_slice %arg5[%add3A_153, %dma_wait3A_171] : memref<4096x1024xf32, #tpu.memory_space<hbm>> -> memref<32x1024xf32, #tpu.memory_space<hbm>>
    tpu.wait_dma2 semaphore(%arg13 : memref<!tpu.dma_semaphore, #tpu.memory_space<semaphore_mem>>) src(%arg9 : memref<32x1024xf32, #tpu.memory_space<vmem>>) dst(%dma_wait3A_172 : memref<32x1024xf32, #tpu.memory_space<hbm>>)
    %dma_wait3A_173 = arith.constant 0 : i32
    %dma_wait3A_174 = tpu.memref_slice %arg6[%add3A_164, %dma_wait3A_173] : memref<4096x1024xf32, #tpu.memory_space<hbm>> -> memref<32x1024xf32, #tpu.memory_space<hbm>>
    %dma_wait3A_175 = arith.constant 0 : i32
    %dma_wait3A_176 = tpu.memref_slice %arg6[%add3A_164, %dma_wait3A_175] : memref<4096x1024xf32, #tpu.memory_space<hbm>> -> memref<32x1024xf32, #tpu.memory_space<hbm>>
    tpu.wait_dma2 semaphore(%arg14 : memref<!tpu.dma_semaphore, #tpu.memory_space<semaphore_mem>>) src(%arg10 : memref<32x1024xf32, #tpu.memory_space<vmem>>) dst(%dma_wait3A_176 : memref<32x1024xf32, #tpu.memory_space<hbm>>)
    return
  }
}

#map = affine_map<(d0, d1) -> (0, 0)>
#map1 = affine_map<(d0, d1) -> (0)>
module attributes {stable_mosaic.version = 14 : i64} {
  func.func @dispatch(%arg0: i32, %arg1: i32, %arg2: memref<4096x1024xf32, #tpu.memory_space<hbm>>, %arg3: memref<4096xi32, #tpu.memory_space<hbm>>, %arg4: memref<4096xi32, #tpu.memory_space<hbm>>, %arg5: memref<12296x1024xf32, #tpu.memory_space<hbm>>, %arg6: memref<32xi32, #tpu.memory_space<vmem>>, %arg7: memref<32xi32, #tpu.memory_space<vmem>>, %arg8: memref<32xi32, #tpu.memory_space<vmem>>, %arg9: memref<32xi32, #tpu.memory_space<vmem>>, %arg10: memref<32x1024xf32, #tpu.memory_space<vmem>>, %arg11: memref<32x1024xf32, #tpu.memory_space<vmem>>, %arg12: memref<!tpu.dma_semaphore, #tpu.memory_space<semaphore_mem>>, %arg13: memref<!tpu.dma_semaphore, #tpu.memory_space<semaphore_mem>>, %arg14: memref<!tpu.dma_semaphore, #tpu.memory_space<semaphore_mem>>, %arg15: memref<!tpu.dma_semaphore, #tpu.memory_space<semaphore_mem>>) attributes {dimension_semantics = [#tpu.dimension_semantics<core_parallel>, #tpu.dimension_semantics<subcore_parallel>], iteration_bounds = array<i64: 2, 16>, scalar_prefetch = 0 : i64, scratch_operands = 10 : i64, tpu.core_type = #tpu.core_type<sc_vector_subcore>, window_params = [{transform_indices = #map}, {transform_indices = #map1}, {transform_indices = #map1}, {transform_indices = #map}]} {
    %mul3A = arith.constant 2 : i32
    %mul3A_0 = arith.muli %arg1, %mul3A : i32
    %add3A = arith.addi %mul3A_0, %arg0 : i32
    %mul3A_1 = arith.constant 128 : i32
    %mul3A_2 = arith.muli %add3A, %mul3A_1 : i32
    %add3A_3 = arith.constant 0 : i32
    %add3A_4 = arith.addi %mul3A_2, %add3A_3 : i32
    %dma_start3A = arith.constant 0 : i32
    %dma_start3A_5 = tpu.memref_slice %arg2[%add3A_4, %dma_start3A] : memref<4096x1024xf32, #tpu.memory_space<hbm>> -> memref<32x1024xf32, #tpu.memory_space<hbm>>
    %dma_start3A_6 = arith.constant 0 : i32
    %dma_start3A_7 = tpu.memref_slice %arg2[%add3A_4, %dma_start3A_6] : memref<4096x1024xf32, #tpu.memory_space<hbm>> -> memref<32x1024xf32, #tpu.memory_space<hbm>>
    tpu.enqueue_dma source(%dma_start3A_7 : memref<32x1024xf32, #tpu.memory_space<hbm>>) target(%arg10 : memref<32x1024xf32, #tpu.memory_space<vmem>>) target_semaphore(%arg12 : memref<!tpu.dma_semaphore, #tpu.memory_space<semaphore_mem>>)
    %dma_start3A_8 = tpu.memref_slice %arg3[%add3A_4] : memref<4096xi32, #tpu.memory_space<hbm>> -> memref<32xi32, #tpu.memory_space<hbm>>
    %dma_start3A_9 = tpu.memref_slice %arg3[%add3A_4] : memref<4096xi32, #tpu.memory_space<hbm>> -> memref<32xi32, #tpu.memory_space<hbm>>
    tpu.enqueue_dma source(%dma_start3A_9 : memref<32xi32, #tpu.memory_space<hbm>>) target(%arg6 : memref<32xi32, #tpu.memory_space<vmem>>) target_semaphore(%arg12 : memref<!tpu.dma_semaphore, #tpu.memory_space<semaphore_mem>>)
    %dma_start3A_10 = tpu.memref_slice %arg4[%add3A_4] : memref<4096xi32, #tpu.memory_space<hbm>> -> memref<32xi32, #tpu.memory_space<hbm>>
    %dma_start3A_11 = tpu.memref_slice %arg4[%add3A_4] : memref<4096xi32, #tpu.memory_space<hbm>> -> memref<32xi32, #tpu.memory_space<hbm>>
    tpu.enqueue_dma source(%dma_start3A_11 : memref<32xi32, #tpu.memory_space<hbm>>) target(%arg8 : memref<32xi32, #tpu.memory_space<vmem>>) target_semaphore(%arg12 : memref<!tpu.dma_semaphore, #tpu.memory_space<semaphore_mem>>)
    %add3A_12 = arith.constant 32 : i32
    %add3A_13 = arith.addi %mul3A_2, %add3A_12 : i32
    %dma_start3A_14 = arith.constant 0 : i32
    %dma_start3A_15 = tpu.memref_slice %arg2[%add3A_13, %dma_start3A_14] : memref<4096x1024xf32, #tpu.memory_space<hbm>> -> memref<32x1024xf32, #tpu.memory_space<hbm>>
    %dma_start3A_16 = arith.constant 0 : i32
    %dma_start3A_17 = tpu.memref_slice %arg2[%add3A_13, %dma_start3A_16] : memref<4096x1024xf32, #tpu.memory_space<hbm>> -> memref<32x1024xf32, #tpu.memory_space<hbm>>
    tpu.enqueue_dma source(%dma_start3A_17 : memref<32x1024xf32, #tpu.memory_space<hbm>>) target(%arg11 : memref<32x1024xf32, #tpu.memory_space<vmem>>) target_semaphore(%arg13 : memref<!tpu.dma_semaphore, #tpu.memory_space<semaphore_mem>>)
    %dma_start3A_18 = tpu.memref_slice %arg3[%add3A_13] : memref<4096xi32, #tpu.memory_space<hbm>> -> memref<32xi32, #tpu.memory_space<hbm>>
    %dma_start3A_19 = tpu.memref_slice %arg3[%add3A_13] : memref<4096xi32, #tpu.memory_space<hbm>> -> memref<32xi32, #tpu.memory_space<hbm>>
    tpu.enqueue_dma source(%dma_start3A_19 : memref<32xi32, #tpu.memory_space<hbm>>) target(%arg7 : memref<32xi32, #tpu.memory_space<vmem>>) target_semaphore(%arg13 : memref<!tpu.dma_semaphore, #tpu.memory_space<semaphore_mem>>)
    %dma_start3A_20 = tpu.memref_slice %arg4[%add3A_13] : memref<4096xi32, #tpu.memory_space<hbm>> -> memref<32xi32, #tpu.memory_space<hbm>>
    %dma_start3A_21 = tpu.memref_slice %arg4[%add3A_13] : memref<4096xi32, #tpu.memory_space<hbm>> -> memref<32xi32, #tpu.memory_space<hbm>>
    tpu.enqueue_dma source(%dma_start3A_21 : memref<32xi32, #tpu.memory_space<hbm>>) target(%arg9 : memref<32xi32, #tpu.memory_space<vmem>>) target_semaphore(%arg13 : memref<!tpu.dma_semaphore, #tpu.memory_space<semaphore_mem>>)
    %dma_wait3A = arith.constant 0 : i32
    %dma_wait3A_22 = tpu.memref_slice %arg2[%add3A_4, %dma_wait3A] : memref<4096x1024xf32, #tpu.memory_space<hbm>> -> memref<32x1024xf32, #tpu.memory_space<hbm>>
    %dma_wait3A_23 = arith.constant 0 : i32
    %dma_wait3A_24 = tpu.memref_slice %arg2[%add3A_4, %dma_wait3A_23] : memref<4096x1024xf32, #tpu.memory_space<hbm>> -> memref<32x1024xf32, #tpu.memory_space<hbm>>
    tpu.wait_dma2 semaphore(%arg12 : memref<!tpu.dma_semaphore, #tpu.memory_space<semaphore_mem>>) src(%dma_wait3A_24 : memref<32x1024xf32, #tpu.memory_space<hbm>>) dst(%arg10 : memref<32x1024xf32, #tpu.memory_space<vmem>>)
    %dma_wait3A_25 = tpu.memref_slice %arg3[%add3A_4] : memref<4096xi32, #tpu.memory_space<hbm>> -> memref<32xi32, #tpu.memory_space<hbm>>
    %dma_wait3A_26 = tpu.memref_slice %arg3[%add3A_4] : memref<4096xi32, #tpu.memory_space<hbm>> -> memref<32xi32, #tpu.memory_space<hbm>>
    tpu.wait_dma2 semaphore(%arg12 : memref<!tpu.dma_semaphore, #tpu.memory_space<semaphore_mem>>) src(%dma_wait3A_26 : memref<32xi32, #tpu.memory_space<hbm>>) dst(%arg6 : memref<32xi32, #tpu.memory_space<vmem>>)
    %dma_wait3A_27 = tpu.memref_slice %arg4[%add3A_4] : memref<4096xi32, #tpu.memory_space<hbm>> -> memref<32xi32, #tpu.memory_space<hbm>>
    %dma_wait3A_28 = tpu.memref_slice %arg4[%add3A_4] : memref<4096xi32, #tpu.memory_space<hbm>> -> memref<32xi32, #tpu.memory_space<hbm>>
    tpu.wait_dma2 semaphore(%arg12 : memref<!tpu.dma_semaphore, #tpu.memory_space<semaphore_mem>>) src(%dma_wait3A_28 : memref<32xi32, #tpu.memory_space<hbm>>) dst(%arg8 : memref<32xi32, #tpu.memory_space<vmem>>)
    %dma_start3A_29 = arith.constant 0 : i32
    %dma_start3A_30 = arith.constant 0 : i32
    %dma_start3A_31 = tpu.memref_slice %arg5[%dma_start3A_29, %dma_start3A_30] : memref<12296x1024xf32, #tpu.memory_space<hbm>> -> memref<12296x1024xf32, #tpu.memory_space<hbm>>
    tpu.enqueue_indirect_dma source(%arg10 : memref<32x1024xf32, #tpu.memory_space<vmem>>) target(%dma_start3A_31 : memref<12296x1024xf32, #tpu.memory_space<hbm>>) offsets(%arg6 : memref<32xi32, #tpu.memory_space<vmem>>) semaphore(%arg14 : memref<!tpu.dma_semaphore, #tpu.memory_space<semaphore_mem>>)
    %dma_start3A_32 = arith.constant 0 : i32
    %dma_start3A_33 = arith.constant 0 : i32
    %dma_start3A_34 = tpu.memref_slice %arg5[%dma_start3A_32, %dma_start3A_33] : memref<12296x1024xf32, #tpu.memory_space<hbm>> -> memref<12296x1024xf32, #tpu.memory_space<hbm>>
    tpu.enqueue_indirect_dma source(%arg10 : memref<32x1024xf32, #tpu.memory_space<vmem>>) target(%dma_start3A_34 : memref<12296x1024xf32, #tpu.memory_space<hbm>>) offsets(%arg8 : memref<32xi32, #tpu.memory_space<vmem>>) semaphore(%arg14 : memref<!tpu.dma_semaphore, #tpu.memory_space<semaphore_mem>>)
    %dma_wait3A_35 = arith.constant 0 : i32
    %dma_wait3A_36 = arith.constant 0 : i32
    %dma_wait3A_37 = tpu.memref_slice %arg5[%dma_wait3A_35, %dma_wait3A_36] : memref<12296x1024xf32, #tpu.memory_space<hbm>> -> memref<12296x1024xf32, #tpu.memory_space<hbm>>
    tpu.wait_indirect_dma semaphore(%arg14 : memref<!tpu.dma_semaphore, #tpu.memory_space<semaphore_mem>>) src(%arg10 : memref<32x1024xf32, #tpu.memory_space<vmem>>) dst(%dma_wait3A_37 : memref<12296x1024xf32, #tpu.memory_space<hbm>>)
    %dma_wait3A_38 = arith.constant 0 : i32
    %dma_wait3A_39 = arith.constant 0 : i32
    %dma_wait3A_40 = tpu.memref_slice %arg5[%dma_wait3A_38, %dma_wait3A_39] : memref<12296x1024xf32, #tpu.memory_space<hbm>> -> memref<12296x1024xf32, #tpu.memory_space<hbm>>
    tpu.wait_indirect_dma semaphore(%arg14 : memref<!tpu.dma_semaphore, #tpu.memory_space<semaphore_mem>>) src(%arg10 : memref<32x1024xf32, #tpu.memory_space<vmem>>) dst(%dma_wait3A_40 : memref<12296x1024xf32, #tpu.memory_space<hbm>>)
    %add3A_41 = arith.constant 64 : i32
    %add3A_42 = arith.addi %mul3A_2, %add3A_41 : i32
    %dma_start3A_43 = arith.constant 0 : i32
    %dma_start3A_44 = tpu.memref_slice %arg2[%add3A_42, %dma_start3A_43] : memref<4096x1024xf32, #tpu.memory_space<hbm>> -> memref<32x1024xf32, #tpu.memory_space<hbm>>
    %dma_start3A_45 = arith.constant 0 : i32
    %dma_start3A_46 = tpu.memref_slice %arg2[%add3A_42, %dma_start3A_45] : memref<4096x1024xf32, #tpu.memory_space<hbm>> -> memref<32x1024xf32, #tpu.memory_space<hbm>>
    tpu.enqueue_dma source(%dma_start3A_46 : memref<32x1024xf32, #tpu.memory_space<hbm>>) target(%arg10 : memref<32x1024xf32, #tpu.memory_space<vmem>>) target_semaphore(%arg12 : memref<!tpu.dma_semaphore, #tpu.memory_space<semaphore_mem>>)
    %dma_start3A_47 = tpu.memref_slice %arg3[%add3A_42] : memref<4096xi32, #tpu.memory_space<hbm>> -> memref<32xi32, #tpu.memory_space<hbm>>
    %dma_start3A_48 = tpu.memref_slice %arg3[%add3A_42] : memref<4096xi32, #tpu.memory_space<hbm>> -> memref<32xi32, #tpu.memory_space<hbm>>
    tpu.enqueue_dma source(%dma_start3A_48 : memref<32xi32, #tpu.memory_space<hbm>>) target(%arg6 : memref<32xi32, #tpu.memory_space<vmem>>) target_semaphore(%arg12 : memref<!tpu.dma_semaphore, #tpu.memory_space<semaphore_mem>>)
    %dma_start3A_49 = tpu.memref_slice %arg4[%add3A_42] : memref<4096xi32, #tpu.memory_space<hbm>> -> memref<32xi32, #tpu.memory_space<hbm>>
    %dma_start3A_50 = tpu.memref_slice %arg4[%add3A_42] : memref<4096xi32, #tpu.memory_space<hbm>> -> memref<32xi32, #tpu.memory_space<hbm>>
    tpu.enqueue_dma source(%dma_start3A_50 : memref<32xi32, #tpu.memory_space<hbm>>) target(%arg8 : memref<32xi32, #tpu.memory_space<vmem>>) target_semaphore(%arg12 : memref<!tpu.dma_semaphore, #tpu.memory_space<semaphore_mem>>)
    %dma_wait3A_51 = arith.constant 0 : i32
    %dma_wait3A_52 = tpu.memref_slice %arg2[%add3A_13, %dma_wait3A_51] : memref<4096x1024xf32, #tpu.memory_space<hbm>> -> memref<32x1024xf32, #tpu.memory_space<hbm>>
    %dma_wait3A_53 = arith.constant 0 : i32
    %dma_wait3A_54 = tpu.memref_slice %arg2[%add3A_13, %dma_wait3A_53] : memref<4096x1024xf32, #tpu.memory_space<hbm>> -> memref<32x1024xf32, #tpu.memory_space<hbm>>
    tpu.wait_dma2 semaphore(%arg13 : memref<!tpu.dma_semaphore, #tpu.memory_space<semaphore_mem>>) src(%dma_wait3A_54 : memref<32x1024xf32, #tpu.memory_space<hbm>>) dst(%arg11 : memref<32x1024xf32, #tpu.memory_space<vmem>>)
    %dma_wait3A_55 = tpu.memref_slice %arg3[%add3A_13] : memref<4096xi32, #tpu.memory_space<hbm>> -> memref<32xi32, #tpu.memory_space<hbm>>
    %dma_wait3A_56 = tpu.memref_slice %arg3[%add3A_13] : memref<4096xi32, #tpu.memory_space<hbm>> -> memref<32xi32, #tpu.memory_space<hbm>>
    tpu.wait_dma2 semaphore(%arg13 : memref<!tpu.dma_semaphore, #tpu.memory_space<semaphore_mem>>) src(%dma_wait3A_56 : memref<32xi32, #tpu.memory_space<hbm>>) dst(%arg7 : memref<32xi32, #tpu.memory_space<vmem>>)
    %dma_wait3A_57 = tpu.memref_slice %arg4[%add3A_13] : memref<4096xi32, #tpu.memory_space<hbm>> -> memref<32xi32, #tpu.memory_space<hbm>>
    %dma_wait3A_58 = tpu.memref_slice %arg4[%add3A_13] : memref<4096xi32, #tpu.memory_space<hbm>> -> memref<32xi32, #tpu.memory_space<hbm>>
    tpu.wait_dma2 semaphore(%arg13 : memref<!tpu.dma_semaphore, #tpu.memory_space<semaphore_mem>>) src(%dma_wait3A_58 : memref<32xi32, #tpu.memory_space<hbm>>) dst(%arg9 : memref<32xi32, #tpu.memory_space<vmem>>)
    %dma_start3A_59 = arith.constant 0 : i32
    %dma_start3A_60 = arith.constant 0 : i32
    %dma_start3A_61 = tpu.memref_slice %arg5[%dma_start3A_59, %dma_start3A_60] : memref<12296x1024xf32, #tpu.memory_space<hbm>> -> memref<12296x1024xf32, #tpu.memory_space<hbm>>
    tpu.enqueue_indirect_dma source(%arg11 : memref<32x1024xf32, #tpu.memory_space<vmem>>) target(%dma_start3A_61 : memref<12296x1024xf32, #tpu.memory_space<hbm>>) offsets(%arg7 : memref<32xi32, #tpu.memory_space<vmem>>) semaphore(%arg15 : memref<!tpu.dma_semaphore, #tpu.memory_space<semaphore_mem>>)
    %dma_start3A_62 = arith.constant 0 : i32
    %dma_start3A_63 = arith.constant 0 : i32
    %dma_start3A_64 = tpu.memref_slice %arg5[%dma_start3A_62, %dma_start3A_63] : memref<12296x1024xf32, #tpu.memory_space<hbm>> -> memref<12296x1024xf32, #tpu.memory_space<hbm>>
    tpu.enqueue_indirect_dma source(%arg11 : memref<32x1024xf32, #tpu.memory_space<vmem>>) target(%dma_start3A_64 : memref<12296x1024xf32, #tpu.memory_space<hbm>>) offsets(%arg9 : memref<32xi32, #tpu.memory_space<vmem>>) semaphore(%arg15 : memref<!tpu.dma_semaphore, #tpu.memory_space<semaphore_mem>>)
    %dma_wait3A_65 = arith.constant 0 : i32
    %dma_wait3A_66 = arith.constant 0 : i32
    %dma_wait3A_67 = tpu.memref_slice %arg5[%dma_wait3A_65, %dma_wait3A_66] : memref<12296x1024xf32, #tpu.memory_space<hbm>> -> memref<12296x1024xf32, #tpu.memory_space<hbm>>
    tpu.wait_indirect_dma semaphore(%arg15 : memref<!tpu.dma_semaphore, #tpu.memory_space<semaphore_mem>>) src(%arg11 : memref<32x1024xf32, #tpu.memory_space<vmem>>) dst(%dma_wait3A_67 : memref<12296x1024xf32, #tpu.memory_space<hbm>>)
    %dma_wait3A_68 = arith.constant 0 : i32
    %dma_wait3A_69 = arith.constant 0 : i32
    %dma_wait3A_70 = tpu.memref_slice %arg5[%dma_wait3A_68, %dma_wait3A_69] : memref<12296x1024xf32, #tpu.memory_space<hbm>> -> memref<12296x1024xf32, #tpu.memory_space<hbm>>
    tpu.wait_indirect_dma semaphore(%arg15 : memref<!tpu.dma_semaphore, #tpu.memory_space<semaphore_mem>>) src(%arg11 : memref<32x1024xf32, #tpu.memory_space<vmem>>) dst(%dma_wait3A_70 : memref<12296x1024xf32, #tpu.memory_space<hbm>>)
    %add3A_71 = arith.constant 96 : i32
    %add3A_72 = arith.addi %mul3A_2, %add3A_71 : i32
    %dma_start3A_73 = arith.constant 0 : i32
    %dma_start3A_74 = tpu.memref_slice %arg2[%add3A_72, %dma_start3A_73] : memref<4096x1024xf32, #tpu.memory_space<hbm>> -> memref<32x1024xf32, #tpu.memory_space<hbm>>
    %dma_start3A_75 = arith.constant 0 : i32
    %dma_start3A_76 = tpu.memref_slice %arg2[%add3A_72, %dma_start3A_75] : memref<4096x1024xf32, #tpu.memory_space<hbm>> -> memref<32x1024xf32, #tpu.memory_space<hbm>>
    tpu.enqueue_dma source(%dma_start3A_76 : memref<32x1024xf32, #tpu.memory_space<hbm>>) target(%arg11 : memref<32x1024xf32, #tpu.memory_space<vmem>>) target_semaphore(%arg13 : memref<!tpu.dma_semaphore, #tpu.memory_space<semaphore_mem>>)
    %dma_start3A_77 = tpu.memref_slice %arg3[%add3A_72] : memref<4096xi32, #tpu.memory_space<hbm>> -> memref<32xi32, #tpu.memory_space<hbm>>
    %dma_start3A_78 = tpu.memref_slice %arg3[%add3A_72] : memref<4096xi32, #tpu.memory_space<hbm>> -> memref<32xi32, #tpu.memory_space<hbm>>
    tpu.enqueue_dma source(%dma_start3A_78 : memref<32xi32, #tpu.memory_space<hbm>>) target(%arg7 : memref<32xi32, #tpu.memory_space<vmem>>) target_semaphore(%arg13 : memref<!tpu.dma_semaphore, #tpu.memory_space<semaphore_mem>>)
    %dma_start3A_79 = tpu.memref_slice %arg4[%add3A_72] : memref<4096xi32, #tpu.memory_space<hbm>> -> memref<32xi32, #tpu.memory_space<hbm>>
    %dma_start3A_80 = tpu.memref_slice %arg4[%add3A_72] : memref<4096xi32, #tpu.memory_space<hbm>> -> memref<32xi32, #tpu.memory_space<hbm>>
    tpu.enqueue_dma source(%dma_start3A_80 : memref<32xi32, #tpu.memory_space<hbm>>) target(%arg9 : memref<32xi32, #tpu.memory_space<vmem>>) target_semaphore(%arg13 : memref<!tpu.dma_semaphore, #tpu.memory_space<semaphore_mem>>)
    %dma_wait3A_81 = arith.constant 0 : i32
    %dma_wait3A_82 = tpu.memref_slice %arg2[%add3A_42, %dma_wait3A_81] : memref<4096x1024xf32, #tpu.memory_space<hbm>> -> memref<32x1024xf32, #tpu.memory_space<hbm>>
    %dma_wait3A_83 = arith.constant 0 : i32
    %dma_wait3A_84 = tpu.memref_slice %arg2[%add3A_42, %dma_wait3A_83] : memref<4096x1024xf32, #tpu.memory_space<hbm>> -> memref<32x1024xf32, #tpu.memory_space<hbm>>
    tpu.wait_dma2 semaphore(%arg12 : memref<!tpu.dma_semaphore, #tpu.memory_space<semaphore_mem>>) src(%dma_wait3A_84 : memref<32x1024xf32, #tpu.memory_space<hbm>>) dst(%arg10 : memref<32x1024xf32, #tpu.memory_space<vmem>>)
    %dma_wait3A_85 = tpu.memref_slice %arg3[%add3A_42] : memref<4096xi32, #tpu.memory_space<hbm>> -> memref<32xi32, #tpu.memory_space<hbm>>
    %dma_wait3A_86 = tpu.memref_slice %arg3[%add3A_42] : memref<4096xi32, #tpu.memory_space<hbm>> -> memref<32xi32, #tpu.memory_space<hbm>>
    tpu.wait_dma2 semaphore(%arg12 : memref<!tpu.dma_semaphore, #tpu.memory_space<semaphore_mem>>) src(%dma_wait3A_86 : memref<32xi32, #tpu.memory_space<hbm>>) dst(%arg6 : memref<32xi32, #tpu.memory_space<vmem>>)
    %dma_wait3A_87 = tpu.memref_slice %arg4[%add3A_42] : memref<4096xi32, #tpu.memory_space<hbm>> -> memref<32xi32, #tpu.memory_space<hbm>>
    %dma_wait3A_88 = tpu.memref_slice %arg4[%add3A_42] : memref<4096xi32, #tpu.memory_space<hbm>> -> memref<32xi32, #tpu.memory_space<hbm>>
    tpu.wait_dma2 semaphore(%arg12 : memref<!tpu.dma_semaphore, #tpu.memory_space<semaphore_mem>>) src(%dma_wait3A_88 : memref<32xi32, #tpu.memory_space<hbm>>) dst(%arg8 : memref<32xi32, #tpu.memory_space<vmem>>)
    %dma_start3A_89 = arith.constant 0 : i32
    %dma_start3A_90 = arith.constant 0 : i32
    %dma_start3A_91 = tpu.memref_slice %arg5[%dma_start3A_89, %dma_start3A_90] : memref<12296x1024xf32, #tpu.memory_space<hbm>> -> memref<12296x1024xf32, #tpu.memory_space<hbm>>
    tpu.enqueue_indirect_dma source(%arg10 : memref<32x1024xf32, #tpu.memory_space<vmem>>) target(%dma_start3A_91 : memref<12296x1024xf32, #tpu.memory_space<hbm>>) offsets(%arg6 : memref<32xi32, #tpu.memory_space<vmem>>) semaphore(%arg14 : memref<!tpu.dma_semaphore, #tpu.memory_space<semaphore_mem>>)
    %dma_start3A_92 = arith.constant 0 : i32
    %dma_start3A_93 = arith.constant 0 : i32
    %dma_start3A_94 = tpu.memref_slice %arg5[%dma_start3A_92, %dma_start3A_93] : memref<12296x1024xf32, #tpu.memory_space<hbm>> -> memref<12296x1024xf32, #tpu.memory_space<hbm>>
    tpu.enqueue_indirect_dma source(%arg10 : memref<32x1024xf32, #tpu.memory_space<vmem>>) target(%dma_start3A_94 : memref<12296x1024xf32, #tpu.memory_space<hbm>>) offsets(%arg8 : memref<32xi32, #tpu.memory_space<vmem>>) semaphore(%arg14 : memref<!tpu.dma_semaphore, #tpu.memory_space<semaphore_mem>>)
    %dma_wait3A_95 = arith.constant 0 : i32
    %dma_wait3A_96 = tpu.memref_slice %arg2[%add3A_72, %dma_wait3A_95] : memref<4096x1024xf32, #tpu.memory_space<hbm>> -> memref<32x1024xf32, #tpu.memory_space<hbm>>
    %dma_wait3A_97 = arith.constant 0 : i32
    %dma_wait3A_98 = tpu.memref_slice %arg2[%add3A_72, %dma_wait3A_97] : memref<4096x1024xf32, #tpu.memory_space<hbm>> -> memref<32x1024xf32, #tpu.memory_space<hbm>>
    tpu.wait_dma2 semaphore(%arg13 : memref<!tpu.dma_semaphore, #tpu.memory_space<semaphore_mem>>) src(%dma_wait3A_98 : memref<32x1024xf32, #tpu.memory_space<hbm>>) dst(%arg11 : memref<32x1024xf32, #tpu.memory_space<vmem>>)
    %dma_wait3A_99 = tpu.memref_slice %arg3[%add3A_72] : memref<4096xi32, #tpu.memory_space<hbm>> -> memref<32xi32, #tpu.memory_space<hbm>>
    %dma_wait3A_100 = tpu.memref_slice %arg3[%add3A_72] : memref<4096xi32, #tpu.memory_space<hbm>> -> memref<32xi32, #tpu.memory_space<hbm>>
    tpu.wait_dma2 semaphore(%arg13 : memref<!tpu.dma_semaphore, #tpu.memory_space<semaphore_mem>>) src(%dma_wait3A_100 : memref<32xi32, #tpu.memory_space<hbm>>) dst(%arg7 : memref<32xi32, #tpu.memory_space<vmem>>)
    %dma_wait3A_101 = tpu.memref_slice %arg4[%add3A_72] : memref<4096xi32, #tpu.memory_space<hbm>> -> memref<32xi32, #tpu.memory_space<hbm>>
    %dma_wait3A_102 = tpu.memref_slice %arg4[%add3A_72] : memref<4096xi32, #tpu.memory_space<hbm>> -> memref<32xi32, #tpu.memory_space<hbm>>
    tpu.wait_dma2 semaphore(%arg13 : memref<!tpu.dma_semaphore, #tpu.memory_space<semaphore_mem>>) src(%dma_wait3A_102 : memref<32xi32, #tpu.memory_space<hbm>>) dst(%arg9 : memref<32xi32, #tpu.memory_space<vmem>>)
    %dma_start3A_103 = arith.constant 0 : i32
    %dma_start3A_104 = arith.constant 0 : i32
    %dma_start3A_105 = tpu.memref_slice %arg5[%dma_start3A_103, %dma_start3A_104] : memref<12296x1024xf32, #tpu.memory_space<hbm>> -> memref<12296x1024xf32, #tpu.memory_space<hbm>>
    tpu.enqueue_indirect_dma source(%arg11 : memref<32x1024xf32, #tpu.memory_space<vmem>>) target(%dma_start3A_105 : memref<12296x1024xf32, #tpu.memory_space<hbm>>) offsets(%arg7 : memref<32xi32, #tpu.memory_space<vmem>>) semaphore(%arg15 : memref<!tpu.dma_semaphore, #tpu.memory_space<semaphore_mem>>)
    %dma_start3A_106 = arith.constant 0 : i32
    %dma_start3A_107 = arith.constant 0 : i32
    %dma_start3A_108 = tpu.memref_slice %arg5[%dma_start3A_106, %dma_start3A_107] : memref<12296x1024xf32, #tpu.memory_space<hbm>> -> memref<12296x1024xf32, #tpu.memory_space<hbm>>
    tpu.enqueue_indirect_dma source(%arg11 : memref<32x1024xf32, #tpu.memory_space<vmem>>) target(%dma_start3A_108 : memref<12296x1024xf32, #tpu.memory_space<hbm>>) offsets(%arg9 : memref<32xi32, #tpu.memory_space<vmem>>) semaphore(%arg15 : memref<!tpu.dma_semaphore, #tpu.memory_space<semaphore_mem>>)
    %dma_wait3A_109 = arith.constant 0 : i32
    %dma_wait3A_110 = arith.constant 0 : i32
    %dma_wait3A_111 = tpu.memref_slice %arg5[%dma_wait3A_109, %dma_wait3A_110] : memref<12296x1024xf32, #tpu.memory_space<hbm>> -> memref<12296x1024xf32, #tpu.memory_space<hbm>>
    tpu.wait_indirect_dma semaphore(%arg14 : memref<!tpu.dma_semaphore, #tpu.memory_space<semaphore_mem>>) src(%arg10 : memref<32x1024xf32, #tpu.memory_space<vmem>>) dst(%dma_wait3A_111 : memref<12296x1024xf32, #tpu.memory_space<hbm>>)
    %dma_wait3A_112 = arith.constant 0 : i32
    %dma_wait3A_113 = arith.constant 0 : i32
    %dma_wait3A_114 = tpu.memref_slice %arg5[%dma_wait3A_112, %dma_wait3A_113] : memref<12296x1024xf32, #tpu.memory_space<hbm>> -> memref<12296x1024xf32, #tpu.memory_space<hbm>>
    tpu.wait_indirect_dma semaphore(%arg14 : memref<!tpu.dma_semaphore, #tpu.memory_space<semaphore_mem>>) src(%arg10 : memref<32x1024xf32, #tpu.memory_space<vmem>>) dst(%dma_wait3A_114 : memref<12296x1024xf32, #tpu.memory_space<hbm>>)
    %dma_wait3A_115 = arith.constant 0 : i32
    %dma_wait3A_116 = arith.constant 0 : i32
    %dma_wait3A_117 = tpu.memref_slice %arg5[%dma_wait3A_115, %dma_wait3A_116] : memref<12296x1024xf32, #tpu.memory_space<hbm>> -> memref<12296x1024xf32, #tpu.memory_space<hbm>>
    tpu.wait_indirect_dma semaphore(%arg15 : memref<!tpu.dma_semaphore, #tpu.memory_space<semaphore_mem>>) src(%arg11 : memref<32x1024xf32, #tpu.memory_space<vmem>>) dst(%dma_wait3A_117 : memref<12296x1024xf32, #tpu.memory_space<hbm>>)
    %dma_wait3A_118 = arith.constant 0 : i32
    %dma_wait3A_119 = arith.constant 0 : i32
    %dma_wait3A_120 = tpu.memref_slice %arg5[%dma_wait3A_118, %dma_wait3A_119] : memref<12296x1024xf32, #tpu.memory_space<hbm>> -> memref<12296x1024xf32, #tpu.memory_space<hbm>>
    tpu.wait_indirect_dma semaphore(%arg15 : memref<!tpu.dma_semaphore, #tpu.memory_space<semaphore_mem>>) src(%arg11 : memref<32x1024xf32, #tpu.memory_space<vmem>>) dst(%dma_wait3A_120 : memref<12296x1024xf32, #tpu.memory_space<hbm>>)
    return
  }
}

module attributes {stable_mosaic.version = 14 : i64} {
  func.func @_routing_body(%arg0: memref<64x128xi32, #tpu.memory_space<vmem>>, %arg1: memref<64x128xf32, #tpu.memory_space<vmem>>, %arg2: memref<64x128xi32, #tpu.memory_space<vmem>>, %arg3: memref<64x128xf32, #tpu.memory_space<vmem>>, %arg4: memref<8x128xi32, #tpu.memory_space<vmem>>) attributes {dimension_semantics = [], scalar_prefetch = 0 : i64, scratch_operands = 0 : i64, tpu.core_type = #tpu.core_type<tc>} {
    %get3A = arith.constant 0 : index
    %get3A_0 = arith.constant 0 : index
    %get3A_1 = vector.load %arg0[%get3A, %get3A_0] : memref<64x128xi32, #tpu.memory_space<vmem>>, vector<64x128xi32>
    %iota3A = tpu.iota {dimensions = array<i32: 0>} : vector<128x128xi32>
    %iota3A_2 = tpu.iota {dimensions = array<i32: 1>} : vector<128x128xi32>
    %le3A = arith.cmpi sle, %iota3A, %iota3A_2 : vector<128x128xi32>
    %convert_element_type3A = arith.extui %le3A : vector<128x128xi1> to vector<128x128xi32>
    %convert_element_type3A_3 = arith.sitofp %convert_element_type3A : vector<128x128xi32> to vector<128x128xf32>
    %iota3A_4 = tpu.iota {dimensions = array<i32: 0>} : vector<64x64xi32>
    %iota3A_5 = tpu.iota {dimensions = array<i32: 1>} : vector<64x64xi32>
    %lt3A = arith.cmpi slt, %iota3A_5, %iota3A_4 : vector<64x64xi32>
    %convert_element_type3A_6 = arith.extui %lt3A : vector<64x64xi1> to vector<64x64xi32>
    %convert_element_type3A_7 = arith.sitofp %convert_element_type3A_6 : vector<64x64xi32> to vector<64x64xf32>
    %broadcast_in_dim3A = arith.constant 12288 : i32
    %broadcast_in_dim3A_8 = vector.broadcast %broadcast_in_dim3A : i32 to vector<64x128xi32>
    %eq3A = arith.constant 0 : i32
    %eq3A_9 = vector.broadcast %eq3A : i32 to vector<64x128xi32>
    %eq3A_10 = arith.cmpi eq, %get3A_1, %eq3A_9 : vector<64x128xi32>
    %convert_element_type3A_11 = arith.extui %eq3A_10 : vector<64x128xi1> to vector<64x128xi32>
    %convert_element_type3A_12 = arith.sitofp %convert_element_type3A_11 : vector<64x128xi32> to vector<64x128xf32>
    %dot_general3A = arith.constant dense<0.000000e+00> : vector<64x128xf32>
    %dot_general3A_13 = tpu.matmul %convert_element_type3A_12, %convert_element_type3A_3, %dot_general3A {dimension_numbers = #tpu.dot_dimension_numbers<[1], [0], [0], [1], [0, 0, 1, 1], [], []>, transpose_lhs_hint = false} : vector<64x128xf32>, vector<128x128xf32>, vector<64x128xf32> -> vector<64x128xf32>
    %reduce_sum3A = arith.constant dense<0.000000e+00> : vector<64xf32>
    %reduce_sum3A_14 = vector.multi_reduction <add>, %convert_element_type3A_12, %reduce_sum3A [1] : vector<64x128xf32> to vector<64xf32>
    %broadcast_in_dim3A_15 = vector.shape_cast %reduce_sum3A_14 : vector<64xf32> to vector<64x1xf32>
    %dot_general3A_16 = arith.constant dense<0.000000e+00> : vector<64x1xf32>
    %dot_general3A_17 = tpu.matmul %convert_element_type3A_7, %broadcast_in_dim3A_15, %dot_general3A_16 {dimension_numbers = #tpu.dot_dimension_numbers<[1], [0], [0], [1], [0, 0, 1, 1], [], []>, transpose_lhs_hint = false} : vector<64x64xf32>, vector<64x1xf32>, vector<64x1xf32> -> vector<64x1xf32>
    %sub3A = arith.subf %dot_general3A_13, %convert_element_type3A_12 : vector<64x128xf32>
    %add3A = vector.broadcast %dot_general3A_17 : vector<64x1xf32> to vector<64x128xf32>
    %add3A_18 = arith.addf %sub3A, %add3A : vector<64x128xf32>
    %convert_element_type3A_19 = arith.fptosi %add3A_18 : vector<64x128xf32> to vector<64x128xi32>
    %lt3A_20 = arith.constant 1536 : i32
    %lt3A_21 = vector.broadcast %lt3A_20 : i32 to vector<64x128xi32>
    %lt3A_22 = arith.cmpi slt, %convert_element_type3A_19, %lt3A_21 : vector<64x128xi32>
    %and3A = arith.andi %eq3A_10, %lt3A_22 : vector<64x128xi1>
    %add3A_23 = arith.constant 0 : i32
    %add3A_24 = vector.broadcast %add3A_23 : i32 to vector<64x128xi32>
    %add3A_25 = arith.addi %add3A_24, %convert_element_type3A_19 : vector<64x128xi32>
    %select_n3A = arith.select %and3A, %add3A_25, %broadcast_in_dim3A_8 : vector<64x128xi1>, vector<64x128xi32>
    %reduce_sum3A_26 = vector.shape_cast %convert_element_type3A_12 : vector<64x128xf32> to vector<1x64x128xf32>
    %reduce_sum3A_27 = arith.constant dense<0.000000e+00> : vector<1xf32>
    %reduce_sum3A_28 = vector.multi_reduction <add>, %reduce_sum3A_26, %reduce_sum3A_27 [1, 2] : vector<1x64x128xf32> to vector<1xf32>
    %reduce_sum3A_29 = vector.shape_cast %reduce_sum3A_28 : vector<1xf32> to vector<1x1x1xf32>
    %reduce_sum3A_30 = vector.extract %reduce_sum3A_29[0, 0, 0] : f32 from vector<1x1x1xf32>
    %convert_element_type3A_31 = arith.fptosi %reduce_sum3A_30 : f32 to i32
    %broadcast_in_dim3A_32 = vector.broadcast %convert_element_type3A_31 : i32 to vector<1x128xi32>
    %eq3A_33 = arith.constant 1 : i32
    %eq3A_34 = vector.broadcast %eq3A_33 : i32 to vector<64x128xi32>
    %eq3A_35 = arith.cmpi eq, %get3A_1, %eq3A_34 : vector<64x128xi32>
    %convert_element_type3A_36 = arith.extui %eq3A_35 : vector<64x128xi1> to vector<64x128xi32>
    %convert_element_type3A_37 = arith.sitofp %convert_element_type3A_36 : vector<64x128xi32> to vector<64x128xf32>
    %dot_general3A_38 = arith.constant dense<0.000000e+00> : vector<64x128xf32>
    %dot_general3A_39 = tpu.matmul %convert_element_type3A_37, %convert_element_type3A_3, %dot_general3A_38 {dimension_numbers = #tpu.dot_dimension_numbers<[1], [0], [0], [1], [0, 0, 1, 1], [], []>, transpose_lhs_hint = false} : vector<64x128xf32>, vector<128x128xf32>, vector<64x128xf32> -> vector<64x128xf32>
    %reduce_sum3A_40 = arith.constant dense<0.000000e+00> : vector<64xf32>
    %reduce_sum3A_41 = vector.multi_reduction <add>, %convert_element_type3A_37, %reduce_sum3A_40 [1] : vector<64x128xf32> to vector<64xf32>
    %broadcast_in_dim3A_42 = vector.shape_cast %reduce_sum3A_41 : vector<64xf32> to vector<64x1xf32>
    %dot_general3A_43 = arith.constant dense<0.000000e+00> : vector<64x1xf32>
    %dot_general3A_44 = tpu.matmul %convert_element_type3A_7, %broadcast_in_dim3A_42, %dot_general3A_43 {dimension_numbers = #tpu.dot_dimension_numbers<[1], [0], [0], [1], [0, 0, 1, 1], [], []>, transpose_lhs_hint = false} : vector<64x64xf32>, vector<64x1xf32>, vector<64x1xf32> -> vector<64x1xf32>
    %sub3A_45 = arith.subf %dot_general3A_39, %convert_element_type3A_37 : vector<64x128xf32>
    %add3A_46 = vector.broadcast %dot_general3A_44 : vector<64x1xf32> to vector<64x128xf32>
    %add3A_47 = arith.addf %sub3A_45, %add3A_46 : vector<64x128xf32>
    %convert_element_type3A_48 = arith.fptosi %add3A_47 : vector<64x128xf32> to vector<64x128xi32>
    %lt3A_49 = arith.constant 1536 : i32
    %lt3A_50 = vector.broadcast %lt3A_49 : i32 to vector<64x128xi32>
    %lt3A_51 = arith.cmpi slt, %convert_element_type3A_48, %lt3A_50 : vector<64x128xi32>
    %and3A_52 = arith.andi %eq3A_35, %lt3A_51 : vector<64x128xi1>
    %add3A_53 = arith.constant 1536 : i32
    %add3A_54 = vector.broadcast %add3A_53 : i32 to vector<64x128xi32>
    %add3A_55 = arith.addi %add3A_54, %convert_element_type3A_48 : vector<64x128xi32>
    %select_n3A_56 = arith.select %and3A_52, %add3A_55, %select_n3A : vector<64x128xi1>, vector<64x128xi32>
    %reduce_sum3A_57 = vector.shape_cast %convert_element_type3A_37 : vector<64x128xf32> to vector<1x64x128xf32>
    %reduce_sum3A_58 = arith.constant dense<0.000000e+00> : vector<1xf32>
    %reduce_sum3A_59 = vector.multi_reduction <add>, %reduce_sum3A_57, %reduce_sum3A_58 [1, 2] : vector<1x64x128xf32> to vector<1xf32>
    %reduce_sum3A_60 = vector.shape_cast %reduce_sum3A_59 : vector<1xf32> to vector<1x1x1xf32>
    %reduce_sum3A_61 = vector.extract %reduce_sum3A_60[0, 0, 0] : f32 from vector<1x1x1xf32>
    %convert_element_type3A_62 = arith.fptosi %reduce_sum3A_61 : f32 to i32
    %broadcast_in_dim3A_63 = vector.broadcast %convert_element_type3A_62 : i32 to vector<1x128xi32>
    %eq3A_64 = arith.constant 2 : i32
    %eq3A_65 = vector.broadcast %eq3A_64 : i32 to vector<64x128xi32>
    %eq3A_66 = arith.cmpi eq, %get3A_1, %eq3A_65 : vector<64x128xi32>
    %convert_element_type3A_67 = arith.extui %eq3A_66 : vector<64x128xi1> to vector<64x128xi32>
    %convert_element_type3A_68 = arith.sitofp %convert_element_type3A_67 : vector<64x128xi32> to vector<64x128xf32>
    %dot_general3A_69 = arith.constant dense<0.000000e+00> : vector<64x128xf32>
    %dot_general3A_70 = tpu.matmul %convert_element_type3A_68, %convert_element_type3A_3, %dot_general3A_69 {dimension_numbers = #tpu.dot_dimension_numbers<[1], [0], [0], [1], [0, 0, 1, 1], [], []>, transpose_lhs_hint = false} : vector<64x128xf32>, vector<128x128xf32>, vector<64x128xf32> -> vector<64x128xf32>
    %reduce_sum3A_71 = arith.constant dense<0.000000e+00> : vector<64xf32>
    %reduce_sum3A_72 = vector.multi_reduction <add>, %convert_element_type3A_68, %reduce_sum3A_71 [1] : vector<64x128xf32> to vector<64xf32>
    %broadcast_in_dim3A_73 = vector.shape_cast %reduce_sum3A_72 : vector<64xf32> to vector<64x1xf32>
    %dot_general3A_74 = arith.constant dense<0.000000e+00> : vector<64x1xf32>
    %dot_general3A_75 = tpu.matmul %convert_element_type3A_7, %broadcast_in_dim3A_73, %dot_general3A_74 {dimension_numbers = #tpu.dot_dimension_numbers<[1], [0], [0], [1], [0, 0, 1, 1], [], []>, transpose_lhs_hint = false} : vector<64x64xf32>, vector<64x1xf32>, vector<64x1xf32> -> vector<64x1xf32>
    %sub3A_76 = arith.subf %dot_general3A_70, %convert_element_type3A_68 : vector<64x128xf32>
    %add3A_77 = vector.broadcast %dot_general3A_75 : vector<64x1xf32> to vector<64x128xf32>
    %add3A_78 = arith.addf %sub3A_76, %add3A_77 : vector<64x128xf32>
    %convert_element_type3A_79 = arith.fptosi %add3A_78 : vector<64x128xf32> to vector<64x128xi32>
    %lt3A_80 = arith.constant 1536 : i32
    %lt3A_81 = vector.broadcast %lt3A_80 : i32 to vector<64x128xi32>
    %lt3A_82 = arith.cmpi slt, %convert_element_type3A_79, %lt3A_81 : vector<64x128xi32>
    %and3A_83 = arith.andi %eq3A_66, %lt3A_82 : vector<64x128xi1>
    %add3A_84 = arith.constant 3072 : i32
    %add3A_85 = vector.broadcast %add3A_84 : i32 to vector<64x128xi32>
    %add3A_86 = arith.addi %add3A_85, %convert_element_type3A_79 : vector<64x128xi32>
    %select_n3A_87 = arith.select %and3A_83, %add3A_86, %select_n3A_56 : vector<64x128xi1>, vector<64x128xi32>
    %reduce_sum3A_88 = vector.shape_cast %convert_element_type3A_68 : vector<64x128xf32> to vector<1x64x128xf32>
    %reduce_sum3A_89 = arith.constant dense<0.000000e+00> : vector<1xf32>
    %reduce_sum3A_90 = vector.multi_reduction <add>, %reduce_sum3A_88, %reduce_sum3A_89 [1, 2] : vector<1x64x128xf32> to vector<1xf32>
    %reduce_sum3A_91 = vector.shape_cast %reduce_sum3A_90 : vector<1xf32> to vector<1x1x1xf32>
    %reduce_sum3A_92 = vector.extract %reduce_sum3A_91[0, 0, 0] : f32 from vector<1x1x1xf32>
    %convert_element_type3A_93 = arith.fptosi %reduce_sum3A_92 : f32 to i32
    %broadcast_in_dim3A_94 = vector.broadcast %convert_element_type3A_93 : i32 to vector<1x128xi32>
    %eq3A_95 = arith.constant 3 : i32
    %eq3A_96 = vector.broadcast %eq3A_95 : i32 to vector<64x128xi32>
    %eq3A_97 = arith.cmpi eq, %get3A_1, %eq3A_96 : vector<64x128xi32>
    %convert_element_type3A_98 = arith.extui %eq3A_97 : vector<64x128xi1> to vector<64x128xi32>
    %convert_element_type3A_99 = arith.sitofp %convert_element_type3A_98 : vector<64x128xi32> to vector<64x128xf32>
    %dot_general3A_100 = arith.constant dense<0.000000e+00> : vector<64x128xf32>
    %dot_general3A_101 = tpu.matmul %convert_element_type3A_99, %convert_element_type3A_3, %dot_general3A_100 {dimension_numbers = #tpu.dot_dimension_numbers<[1], [0], [0], [1], [0, 0, 1, 1], [], []>, transpose_lhs_hint = false} : vector<64x128xf32>, vector<128x128xf32>, vector<64x128xf32> -> vector<64x128xf32>
    %reduce_sum3A_102 = arith.constant dense<0.000000e+00> : vector<64xf32>
    %reduce_sum3A_103 = vector.multi_reduction <add>, %convert_element_type3A_99, %reduce_sum3A_102 [1] : vector<64x128xf32> to vector<64xf32>
    %broadcast_in_dim3A_104 = vector.shape_cast %reduce_sum3A_103 : vector<64xf32> to vector<64x1xf32>
    %dot_general3A_105 = arith.constant dense<0.000000e+00> : vector<64x1xf32>
    %dot_general3A_106 = tpu.matmul %convert_element_type3A_7, %broadcast_in_dim3A_104, %dot_general3A_105 {dimension_numbers = #tpu.dot_dimension_numbers<[1], [0], [0], [1], [0, 0, 1, 1], [], []>, transpose_lhs_hint = false} : vector<64x64xf32>, vector<64x1xf32>, vector<64x1xf32> -> vector<64x1xf32>
    %sub3A_107 = arith.subf %dot_general3A_101, %convert_element_type3A_99 : vector<64x128xf32>
    %add3A_108 = vector.broadcast %dot_general3A_106 : vector<64x1xf32> to vector<64x128xf32>
    %add3A_109 = arith.addf %sub3A_107, %add3A_108 : vector<64x128xf32>
    %convert_element_type3A_110 = arith.fptosi %add3A_109 : vector<64x128xf32> to vector<64x128xi32>
    %lt3A_111 = arith.constant 1536 : i32
    %lt3A_112 = vector.broadcast %lt3A_111 : i32 to vector<64x128xi32>
    %lt3A_113 = arith.cmpi slt, %convert_element_type3A_110, %lt3A_112 : vector<64x128xi32>
    %and3A_114 = arith.andi %eq3A_97, %lt3A_113 : vector<64x128xi1>
    %add3A_115 = arith.constant 4608 : i32
    %add3A_116 = vector.broadcast %add3A_115 : i32 to vector<64x128xi32>
    %add3A_117 = arith.addi %add3A_116, %convert_element_type3A_110 : vector<64x128xi32>
    %select_n3A_118 = arith.select %and3A_114, %add3A_117, %select_n3A_87 : vector<64x128xi1>, vector<64x128xi32>
    %reduce_sum3A_119 = vector.shape_cast %convert_element_type3A_99 : vector<64x128xf32> to vector<1x64x128xf32>
    %reduce_sum3A_120 = arith.constant dense<0.000000e+00> : vector<1xf32>
    %reduce_sum3A_121 = vector.multi_reduction <add>, %reduce_sum3A_119, %reduce_sum3A_120 [1, 2] : vector<1x64x128xf32> to vector<1xf32>
    %reduce_sum3A_122 = vector.shape_cast %reduce_sum3A_121 : vector<1xf32> to vector<1x1x1xf32>
    %reduce_sum3A_123 = vector.extract %reduce_sum3A_122[0, 0, 0] : f32 from vector<1x1x1xf32>
    %convert_element_type3A_124 = arith.fptosi %reduce_sum3A_123 : f32 to i32
    %broadcast_in_dim3A_125 = vector.broadcast %convert_element_type3A_124 : i32 to vector<1x128xi32>
    %eq3A_126 = arith.constant 4 : i32
    %eq3A_127 = vector.broadcast %eq3A_126 : i32 to vector<64x128xi32>
    %eq3A_128 = arith.cmpi eq, %get3A_1, %eq3A_127 : vector<64x128xi32>
    %convert_element_type3A_129 = arith.extui %eq3A_128 : vector<64x128xi1> to vector<64x128xi32>
    %convert_element_type3A_130 = arith.sitofp %convert_element_type3A_129 : vector<64x128xi32> to vector<64x128xf32>
    %dot_general3A_131 = arith.constant dense<0.000000e+00> : vector<64x128xf32>
    %dot_general3A_132 = tpu.matmul %convert_element_type3A_130, %convert_element_type3A_3, %dot_general3A_131 {dimension_numbers = #tpu.dot_dimension_numbers<[1], [0], [0], [1], [0, 0, 1, 1], [], []>, transpose_lhs_hint = false} : vector<64x128xf32>, vector<128x128xf32>, vector<64x128xf32> -> vector<64x128xf32>
    %reduce_sum3A_133 = arith.constant dense<0.000000e+00> : vector<64xf32>
    %reduce_sum3A_134 = vector.multi_reduction <add>, %convert_element_type3A_130, %reduce_sum3A_133 [1] : vector<64x128xf32> to vector<64xf32>
    %broadcast_in_dim3A_135 = vector.shape_cast %reduce_sum3A_134 : vector<64xf32> to vector<64x1xf32>
    %dot_general3A_136 = arith.constant dense<0.000000e+00> : vector<64x1xf32>
    %dot_general3A_137 = tpu.matmul %convert_element_type3A_7, %broadcast_in_dim3A_135, %dot_general3A_136 {dimension_numbers = #tpu.dot_dimension_numbers<[1], [0], [0], [1], [0, 0, 1, 1], [], []>, transpose_lhs_hint = false} : vector<64x64xf32>, vector<64x1xf32>, vector<64x1xf32> -> vector<64x1xf32>
    %sub3A_138 = arith.subf %dot_general3A_132, %convert_element_type3A_130 : vector<64x128xf32>
    %add3A_139 = vector.broadcast %dot_general3A_137 : vector<64x1xf32> to vector<64x128xf32>
    %add3A_140 = arith.addf %sub3A_138, %add3A_139 : vector<64x128xf32>
    %convert_element_type3A_141 = arith.fptosi %add3A_140 : vector<64x128xf32> to vector<64x128xi32>
    %lt3A_142 = arith.constant 1536 : i32
    %lt3A_143 = vector.broadcast %lt3A_142 : i32 to vector<64x128xi32>
    %lt3A_144 = arith.cmpi slt, %convert_element_type3A_141, %lt3A_143 : vector<64x128xi32>
    %and3A_145 = arith.andi %eq3A_128, %lt3A_144 : vector<64x128xi1>
    %add3A_146 = arith.constant 6144 : i32
    %add3A_147 = vector.broadcast %add3A_146 : i32 to vector<64x128xi32>
    %add3A_148 = arith.addi %add3A_147, %convert_element_type3A_141 : vector<64x128xi32>
    %select_n3A_149 = arith.select %and3A_145, %add3A_148, %select_n3A_118 : vector<64x128xi1>, vector<64x128xi32>
    %reduce_sum3A_150 = vector.shape_cast %convert_element_type3A_130 : vector<64x128xf32> to vector<1x64x128xf32>
    %reduce_sum3A_151 = arith.constant dense<0.000000e+00> : vector<1xf32>
    %reduce_sum3A_152 = vector.multi_reduction <add>, %reduce_sum3A_150, %reduce_sum3A_151 [1, 2] : vector<1x64x128xf32> to vector<1xf32>
    %reduce_sum3A_153 = vector.shape_cast %reduce_sum3A_152 : vector<1xf32> to vector<1x1x1xf32>
    %reduce_sum3A_154 = vector.extract %reduce_sum3A_153[0, 0, 0] : f32 from vector<1x1x1xf32>
    %convert_element_type3A_155 = arith.fptosi %reduce_sum3A_154 : f32 to i32
    %broadcast_in_dim3A_156 = vector.broadcast %convert_element_type3A_155 : i32 to vector<1x128xi32>
    %eq3A_157 = arith.constant 5 : i32
    %eq3A_158 = vector.broadcast %eq3A_157 : i32 to vector<64x128xi32>
    %eq3A_159 = arith.cmpi eq, %get3A_1, %eq3A_158 : vector<64x128xi32>
    %convert_element_type3A_160 = arith.extui %eq3A_159 : vector<64x128xi1> to vector<64x128xi32>
    %convert_element_type3A_161 = arith.sitofp %convert_element_type3A_160 : vector<64x128xi32> to vector<64x128xf32>
    %dot_general3A_162 = arith.constant dense<0.000000e+00> : vector<64x128xf32>
    %dot_general3A_163 = tpu.matmul %convert_element_type3A_161, %convert_element_type3A_3, %dot_general3A_162 {dimension_numbers = #tpu.dot_dimension_numbers<[1], [0], [0], [1], [0, 0, 1, 1], [], []>, transpose_lhs_hint = false} : vector<64x128xf32>, vector<128x128xf32>, vector<64x128xf32> -> vector<64x128xf32>
    %reduce_sum3A_164 = arith.constant dense<0.000000e+00> : vector<64xf32>
    %reduce_sum3A_165 = vector.multi_reduction <add>, %convert_element_type3A_161, %reduce_sum3A_164 [1] : vector<64x128xf32> to vector<64xf32>
    %broadcast_in_dim3A_166 = vector.shape_cast %reduce_sum3A_165 : vector<64xf32> to vector<64x1xf32>
    %dot_general3A_167 = arith.constant dense<0.000000e+00> : vector<64x1xf32>
    %dot_general3A_168 = tpu.matmul %convert_element_type3A_7, %broadcast_in_dim3A_166, %dot_general3A_167 {dimension_numbers = #tpu.dot_dimension_numbers<[1], [0], [0], [1], [0, 0, 1, 1], [], []>, transpose_lhs_hint = false} : vector<64x64xf32>, vector<64x1xf32>, vector<64x1xf32> -> vector<64x1xf32>
    %sub3A_169 = arith.subf %dot_general3A_163, %convert_element_type3A_161 : vector<64x128xf32>
    %add3A_170 = vector.broadcast %dot_general3A_168 : vector<64x1xf32> to vector<64x128xf32>
    %add3A_171 = arith.addf %sub3A_169, %add3A_170 : vector<64x128xf32>
    %convert_element_type3A_172 = arith.fptosi %add3A_171 : vector<64x128xf32> to vector<64x128xi32>
    %lt3A_173 = arith.constant 1536 : i32
    %lt3A_174 = vector.broadcast %lt3A_173 : i32 to vector<64x128xi32>
    %lt3A_175 = arith.cmpi slt, %convert_element_type3A_172, %lt3A_174 : vector<64x128xi32>
    %and3A_176 = arith.andi %eq3A_159, %lt3A_175 : vector<64x128xi1>
    %add3A_177 = arith.constant 7680 : i32
    %add3A_178 = vector.broadcast %add3A_177 : i32 to vector<64x128xi32>
    %add3A_179 = arith.addi %add3A_178, %convert_element_type3A_172 : vector<64x128xi32>
    %select_n3A_180 = arith.select %and3A_176, %add3A_179, %select_n3A_149 : vector<64x128xi1>, vector<64x128xi32>
    %reduce_sum3A_181 = vector.shape_cast %convert_element_type3A_161 : vector<64x128xf32> to vector<1x64x128xf32>
    %reduce_sum3A_182 = arith.constant dense<0.000000e+00> : vector<1xf32>
    %reduce_sum3A_183 = vector.multi_reduction <add>, %reduce_sum3A_181, %reduce_sum3A_182 [1, 2] : vector<1x64x128xf32> to vector<1xf32>
    %reduce_sum3A_184 = vector.shape_cast %reduce_sum3A_183 : vector<1xf32> to vector<1x1x1xf32>
    %reduce_sum3A_185 = vector.extract %reduce_sum3A_184[0, 0, 0] : f32 from vector<1x1x1xf32>
    %convert_element_type3A_186 = arith.fptosi %reduce_sum3A_185 : f32 to i32
    %broadcast_in_dim3A_187 = vector.broadcast %convert_element_type3A_186 : i32 to vector<1x128xi32>
    %eq3A_188 = arith.constant 6 : i32
    %eq3A_189 = vector.broadcast %eq3A_188 : i32 to vector<64x128xi32>
    %eq3A_190 = arith.cmpi eq, %get3A_1, %eq3A_189 : vector<64x128xi32>
    %convert_element_type3A_191 = arith.extui %eq3A_190 : vector<64x128xi1> to vector<64x128xi32>
    %convert_element_type3A_192 = arith.sitofp %convert_element_type3A_191 : vector<64x128xi32> to vector<64x128xf32>
    %dot_general3A_193 = arith.constant dense<0.000000e+00> : vector<64x128xf32>
    %dot_general3A_194 = tpu.matmul %convert_element_type3A_192, %convert_element_type3A_3, %dot_general3A_193 {dimension_numbers = #tpu.dot_dimension_numbers<[1], [0], [0], [1], [0, 0, 1, 1], [], []>, transpose_lhs_hint = false} : vector<64x128xf32>, vector<128x128xf32>, vector<64x128xf32> -> vector<64x128xf32>
    %reduce_sum3A_195 = arith.constant dense<0.000000e+00> : vector<64xf32>
    %reduce_sum3A_196 = vector.multi_reduction <add>, %convert_element_type3A_192, %reduce_sum3A_195 [1] : vector<64x128xf32> to vector<64xf32>
    %broadcast_in_dim3A_197 = vector.shape_cast %reduce_sum3A_196 : vector<64xf32> to vector<64x1xf32>
    %dot_general3A_198 = arith.constant dense<0.000000e+00> : vector<64x1xf32>
    %dot_general3A_199 = tpu.matmul %convert_element_type3A_7, %broadcast_in_dim3A_197, %dot_general3A_198 {dimension_numbers = #tpu.dot_dimension_numbers<[1], [0], [0], [1], [0, 0, 1, 1], [], []>, transpose_lhs_hint = false} : vector<64x64xf32>, vector<64x1xf32>, vector<64x1xf32> -> vector<64x1xf32>
    %sub3A_200 = arith.subf %dot_general3A_194, %convert_element_type3A_192 : vector<64x128xf32>
    %add3A_201 = vector.broadcast %dot_general3A_199 : vector<64x1xf32> to vector<64x128xf32>
    %add3A_202 = arith.addf %sub3A_200, %add3A_201 : vector<64x128xf32>
    %convert_element_type3A_203 = arith.fptosi %add3A_202 : vector<64x128xf32> to vector<64x128xi32>
    %lt3A_204 = arith.constant 1536 : i32
    %lt3A_205 = vector.broadcast %lt3A_204 : i32 to vector<64x128xi32>
    %lt3A_206 = arith.cmpi slt, %convert_element_type3A_203, %lt3A_205 : vector<64x128xi32>
    %and3A_207 = arith.andi %eq3A_190, %lt3A_206 : vector<64x128xi1>
    %add3A_208 = arith.constant 9216 : i32
    %add3A_209 = vector.broadcast %add3A_208 : i32 to vector<64x128xi32>
    %add3A_210 = arith.addi %add3A_209, %convert_element_type3A_203 : vector<64x128xi32>
    %select_n3A_211 = arith.select %and3A_207, %add3A_210, %select_n3A_180 : vector<64x128xi1>, vector<64x128xi32>
    %reduce_sum3A_212 = vector.shape_cast %convert_element_type3A_192 : vector<64x128xf32> to vector<1x64x128xf32>
    %reduce_sum3A_213 = arith.constant dense<0.000000e+00> : vector<1xf32>
    %reduce_sum3A_214 = vector.multi_reduction <add>, %reduce_sum3A_212, %reduce_sum3A_213 [1, 2] : vector<1x64x128xf32> to vector<1xf32>
    %reduce_sum3A_215 = vector.shape_cast %reduce_sum3A_214 : vector<1xf32> to vector<1x1x1xf32>
    %reduce_sum3A_216 = vector.extract %reduce_sum3A_215[0, 0, 0] : f32 from vector<1x1x1xf32>
    %convert_element_type3A_217 = arith.fptosi %reduce_sum3A_216 : f32 to i32
    %broadcast_in_dim3A_218 = vector.broadcast %convert_element_type3A_217 : i32 to vector<1x128xi32>
    %eq3A_219 = arith.constant 7 : i32
    %eq3A_220 = vector.broadcast %eq3A_219 : i32 to vector<64x128xi32>
    %eq3A_221 = arith.cmpi eq, %get3A_1, %eq3A_220 : vector<64x128xi32>
    %convert_element_type3A_222 = arith.extui %eq3A_221 : vector<64x128xi1> to vector<64x128xi32>
    %convert_element_type3A_223 = arith.sitofp %convert_element_type3A_222 : vector<64x128xi32> to vector<64x128xf32>
    %dot_general3A_224 = arith.constant dense<0.000000e+00> : vector<64x128xf32>
    %dot_general3A_225 = tpu.matmul %convert_element_type3A_223, %convert_element_type3A_3, %dot_general3A_224 {dimension_numbers = #tpu.dot_dimension_numbers<[1], [0], [0], [1], [0, 0, 1, 1], [], []>, transpose_lhs_hint = false} : vector<64x128xf32>, vector<128x128xf32>, vector<64x128xf32> -> vector<64x128xf32>
    %reduce_sum3A_226 = arith.constant dense<0.000000e+00> : vector<64xf32>
    %reduce_sum3A_227 = vector.multi_reduction <add>, %convert_element_type3A_223, %reduce_sum3A_226 [1] : vector<64x128xf32> to vector<64xf32>
    %broadcast_in_dim3A_228 = vector.shape_cast %reduce_sum3A_227 : vector<64xf32> to vector<64x1xf32>
    %dot_general3A_229 = arith.constant dense<0.000000e+00> : vector<64x1xf32>
    %dot_general3A_230 = tpu.matmul %convert_element_type3A_7, %broadcast_in_dim3A_228, %dot_general3A_229 {dimension_numbers = #tpu.dot_dimension_numbers<[1], [0], [0], [1], [0, 0, 1, 1], [], []>, transpose_lhs_hint = false} : vector<64x64xf32>, vector<64x1xf32>, vector<64x1xf32> -> vector<64x1xf32>
    %sub3A_231 = arith.subf %dot_general3A_225, %convert_element_type3A_223 : vector<64x128xf32>
    %add3A_232 = vector.broadcast %dot_general3A_230 : vector<64x1xf32> to vector<64x128xf32>
    %add3A_233 = arith.addf %sub3A_231, %add3A_232 : vector<64x128xf32>
    %convert_element_type3A_234 = arith.fptosi %add3A_233 : vector<64x128xf32> to vector<64x128xi32>
    %lt3A_235 = arith.constant 1536 : i32
    %lt3A_236 = vector.broadcast %lt3A_235 : i32 to vector<64x128xi32>
    %lt3A_237 = arith.cmpi slt, %convert_element_type3A_234, %lt3A_236 : vector<64x128xi32>
    %and3A_238 = arith.andi %eq3A_221, %lt3A_237 : vector<64x128xi1>
    %add3A_239 = arith.constant 10752 : i32
    %add3A_240 = vector.broadcast %add3A_239 : i32 to vector<64x128xi32>
    %add3A_241 = arith.addi %add3A_240, %convert_element_type3A_234 : vector<64x128xi32>
    %select_n3A_242 = arith.select %and3A_238, %add3A_241, %select_n3A_211 : vector<64x128xi1>, vector<64x128xi32>
    %reduce_sum3A_243 = vector.shape_cast %convert_element_type3A_223 : vector<64x128xf32> to vector<1x64x128xf32>
    %reduce_sum3A_244 = arith.constant dense<0.000000e+00> : vector<1xf32>
    %reduce_sum3A_245 = vector.multi_reduction <add>, %reduce_sum3A_243, %reduce_sum3A_244 [1, 2] : vector<1x64x128xf32> to vector<1xf32>
    %reduce_sum3A_246 = vector.shape_cast %reduce_sum3A_245 : vector<1xf32> to vector<1x1x1xf32>
    %reduce_sum3A_247 = vector.extract %reduce_sum3A_246[0, 0, 0] : f32 from vector<1x1x1xf32>
    %convert_element_type3A_248 = arith.fptosi %reduce_sum3A_247 : f32 to i32
    %broadcast_in_dim3A_249 = vector.broadcast %convert_element_type3A_248 : i32 to vector<1x128xi32>
    %swap3A = arith.constant 0 : index
    %swap3A_250 = arith.constant 0 : index
    %swap3A_251 = vector.load %arg2[%swap3A, %swap3A_250] : memref<64x128xi32, #tpu.memory_space<vmem>>, vector<64x128xi32>
    tpu.vector_store %arg2[%swap3A, %swap3A_250], %select_n3A_242 {strides = array<i32>} : memref<64x128xi32, #tpu.memory_space<vmem>>, vector<64x128xi32>,
    %ne3A = arith.constant 12288 : i32
    %ne3A_252 = vector.broadcast %ne3A : i32 to vector<64x128xi32>
    %ne3A_253 = arith.cmpi ne, %select_n3A_242, %ne3A_252 : vector<64x128xi32>
    %get3A_254 = arith.constant 0 : index
    %get3A_255 = arith.constant 0 : index
    %get3A_256 = vector.load %arg1[%get3A_254, %get3A_255] : memref<64x128xf32, #tpu.memory_space<vmem>>, vector<64x128xf32>
    %jit3A = arith.constant 0.000000e+00 : f32
    %broadcast_in_dim3A_257 = vector.broadcast %jit3A : f32 to vector<64x128xf32>
    %select_n3A_258 = arith.select %ne3A_253, %get3A_256, %broadcast_in_dim3A_257 : vector<64x128xi1>, vector<64x128xf32>
    %swap3A_259 = arith.constant 0 : index
    %swap3A_260 = arith.constant 0 : index
    %swap3A_261 = vector.load %arg3[%swap3A_259, %swap3A_260] : memref<64x128xf32, #tpu.memory_space<vmem>>, vector<64x128xf32>
    tpu.vector_store %arg3[%swap3A_259, %swap3A_260], %select_n3A_258 {strides = array<i32>} : memref<64x128xf32, #tpu.memory_space<vmem>>, vector<64x128xf32>,
    %concatenate3A = tpu.concatenate %broadcast_in_dim3A_32, %broadcast_in_dim3A_63, %broadcast_in_dim3A_94, %broadcast_in_dim3A_125, %broadcast_in_dim3A_156, %broadcast_in_dim3A_187, %broadcast_in_dim3A_218, %broadcast_in_dim3A_249 in 0 : vector<1x128xi32>, vector<1x128xi32>, vector<1x128xi32>, vector<1x128xi32>, vector<1x128xi32>, vector<1x128xi32>, vector<1x128xi32>, vector<1x128xi32> -> vector<8x128xi32>
    %swap3A_262 = arith.constant 0 : index
    %swap3A_263 = arith.constant 0 : index
    %swap3A_264 = vector.load %arg4[%swap3A_262, %swap3A_263] : memref<8x128xi32, #tpu.memory_space<vmem>>, vector<8x128xi32>
    tpu.vector_store %arg4[%swap3A_262, %swap3A_263], %concatenate3A {strides = array<i32>} : memref<8x128xi32, #tpu.memory_space<vmem>>, vector<8x128xi32>,
    return
  }
}

module attributes {stable_mosaic.version = 14 : i64} {
  func.func @_gemm_body(%arg0: i32, %arg1: memref<8xi32, #tpu.memory_space<smem>>, %arg2: memref<1536x1024xf32, #tpu.memory_space<vmem>>, %arg3: memref<1x1024x2048xbf16, #tpu.memory_space<vmem>>, %arg4: memref<1x2048x1024xbf16, #tpu.memory_space<vmem>>, %arg5: memref<1536x1024xf32, #tpu.memory_space<vmem>>) attributes {dimension_semantics = [#tpu.dimension_semantics<parallel>], iteration_bounds = array<i64: 8>, scalar_prefetch = 0 : i64, scratch_operands = 0 : i64, tpu.core_type = #tpu.core_type<tc>, window_params = [{transform_indices = @transform_0, window_bounds = array<i64: 8>}, {transform_indices = @transform_1, window_bounds = array<i64: 1536, 1024>}, {transform_indices = @transform_2, window_bounds = array<i64: 1, 1024, 2048>}, {transform_indices = @transform_3, window_bounds = array<i64: 1, 2048, 1024>}, {transform_indices = @transform_4, window_bounds = array<i64: 1536, 1024>}]} {
    %get3A = arith.index_cast %arg0 : i32 to index
    %get3A_0 = memref.load %arg1[%get3A] : memref<8xi32, #tpu.memory_space<smem>>
    %get3A_1 = arith.constant 0 : index
    %get3A_2 = arith.constant 0 : index
    %get3A_3 = arith.constant 0 : index
    %get3A_4 = vector.load %arg3[%get3A_1, %get3A_2, %get3A_3] : memref<1x1024x2048xbf16, #tpu.memory_space<vmem>>, vector<1x1024x2048xbf16>
    %get3A_5 = vector.shape_cast %get3A_4 : vector<1x1024x2048xbf16> to vector<1024x2048xbf16>
    %get3A_6 = arith.constant 0 : index
    %get3A_7 = arith.constant 0 : index
    %get3A_8 = arith.constant 0 : index
    %get3A_9 = vector.load %arg4[%get3A_6, %get3A_7, %get3A_8] : memref<1x2048x1024xbf16, #tpu.memory_space<vmem>>, vector<1x2048x1024xbf16>
    %get3A_10 = vector.shape_cast %get3A_9 : vector<1x2048x1024xbf16> to vector<2048x1024xbf16>
    %gt3A = arith.constant 0 : i32
    %gt3A_11 = arith.cmpi sgt, %get3A_0, %gt3A : i32
    %convert_element_type3A = arith.extui %gt3A_11 : i1 to i32
    %cond3A = arith.constant 0 : i32
    %cond3A_12 = arith.cmpi ne, %convert_element_type3A, %cond3A : i32
    scf.if %cond3A_12 {
      %get3A_23 = arith.constant 0 : index
      %get3A_24 = arith.constant 0 : index
      %get3A_25 = vector.load %arg2[%get3A_23, %get3A_24] : memref<1536x1024xf32, #tpu.memory_space<vmem>>, vector<512x1024xf32>
      %convert_element_type3A_26 = arith.truncf %get3A_25 : vector<512x1024xf32> to vector<512x1024xbf16>
      %dot_general3A = arith.constant dense<0.000000e+00> : vector<512x2048xf32>
      %dot_general3A_27 = tpu.matmul %convert_element_type3A_26, %get3A_5, %dot_general3A {dimension_numbers = #tpu.dot_dimension_numbers<[1], [0], [0], [1], [0, 0, 1, 1], [], []>, transpose_lhs_hint = false} : vector<512x1024xbf16>, vector<1024x2048xbf16>, vector<512x2048xf32> -> vector<512x2048xf32>
      %integer_pow3A = arith.mulf %dot_general3A_27, %dot_general3A_27 : vector<512x2048xf32>
      %integer_pow3A_28 = arith.mulf %dot_general3A_27, %integer_pow3A : vector<512x2048xf32>
      %mul3A = arith.constant 4.471500e-02 : f32
      %mul3A_29 = vector.broadcast %mul3A : f32 to vector<512x2048xf32>
      %mul3A_30 = arith.mulf %mul3A_29, %integer_pow3A_28 : vector<512x2048xf32>
      %add3A = arith.addf %dot_general3A_27, %mul3A_30 : vector<512x2048xf32>
      %mul3A_31 = arith.constant 0.797884583 : f32
      %mul3A_32 = vector.broadcast %mul3A_31 : f32 to vector<512x2048xf32>
      %mul3A_33 = arith.mulf %mul3A_32, %add3A : vector<512x2048xf32>
      %tanh3A = math.tanh %mul3A_33 : vector<512x2048xf32>
      %add3A_34 = arith.constant 1.000000e+00 : f32
      %add3A_35 = vector.broadcast %add3A_34 : f32 to vector<512x2048xf32>
      %add3A_36 = arith.addf %add3A_35, %tanh3A : vector<512x2048xf32>
      %mul3A_37 = arith.constant 5.000000e-01 : f32
      %mul3A_38 = vector.broadcast %mul3A_37 : f32 to vector<512x2048xf32>
      %mul3A_39 = arith.mulf %mul3A_38, %add3A_36 : vector<512x2048xf32>
      %mul3A_40 = arith.mulf %dot_general3A_27, %mul3A_39 : vector<512x2048xf32>
      %convert_element_type3A_41 = arith.truncf %mul3A_40 : vector<512x2048xf32> to vector<512x2048xbf16>
      %dot_general3A_42 = arith.constant dense<0.000000e+00> : vector<512x1024xf32>
      %dot_general3A_43 = tpu.matmul %convert_element_type3A_41, %get3A_10, %dot_general3A_42 {dimension_numbers = #tpu.dot_dimension_numbers<[1], [0], [0], [1], [0, 0, 1, 1], [], []>, transpose_lhs_hint = false} : vector<512x2048xbf16>, vector<2048x1024xbf16>, vector<512x1024xf32> -> vector<512x1024xf32>
      %swap3A = arith.constant 0 : index
      %swap3A_44 = arith.constant 0 : index
      %swap3A_45 = vector.load %arg5[%swap3A, %swap3A_44] : memref<1536x1024xf32, #tpu.memory_space<vmem>>, vector<512x1024xf32>
      tpu.vector_store %arg5[%swap3A, %swap3A_44], %dot_general3A_43 {strides = array<i32>} : memref<1536x1024xf32, #tpu.memory_space<vmem>>, vector<512x1024xf32>,
    } else {
    }
    %gt3A_13 = arith.constant 512 : i32
    %gt3A_14 = arith.cmpi sgt, %get3A_0, %gt3A_13 : i32
    %convert_element_type3A_15 = arith.extui %gt3A_14 : i1 to i32
    %cond3A_16 = arith.constant 0 : i32
    %cond3A_17 = arith.cmpi ne, %convert_element_type3A_15, %cond3A_16 : i32
    scf.if %cond3A_17 {
      %get3A_23 = arith.constant 512 : index
      %get3A_24 = arith.constant 0 : index
      %get3A_25 = vector.load %arg2[%get3A_23, %get3A_24] : memref<1536x1024xf32, #tpu.memory_space<vmem>>, vector<512x1024xf32>
      %convert_element_type3A_26 = arith.truncf %get3A_25 : vector<512x1024xf32> to vector<512x1024xbf16>
      %dot_general3A = arith.constant dense<0.000000e+00> : vector<512x2048xf32>
      %dot_general3A_27 = tpu.matmul %convert_element_type3A_26, %get3A_5, %dot_general3A {dimension_numbers = #tpu.dot_dimension_numbers<[1], [0], [0], [1], [0, 0, 1, 1], [], []>, transpose_lhs_hint = false} : vector<512x1024xbf16>, vector<1024x2048xbf16>, vector<512x2048xf32> -> vector<512x2048xf32>
      %integer_pow3A = arith.mulf %dot_general3A_27, %dot_general3A_27 : vector<512x2048xf32>
      %integer_pow3A_28 = arith.mulf %dot_general3A_27, %integer_pow3A : vector<512x2048xf32>
      %mul3A = arith.constant 4.471500e-02 : f32
      %mul3A_29 = vector.broadcast %mul3A : f32 to vector<512x2048xf32>
      %mul3A_30 = arith.mulf %mul3A_29, %integer_pow3A_28 : vector<512x2048xf32>
      %add3A = arith.addf %dot_general3A_27, %mul3A_30 : vector<512x2048xf32>
      %mul3A_31 = arith.constant 0.797884583 : f32
      %mul3A_32 = vector.broadcast %mul3A_31 : f32 to vector<512x2048xf32>
      %mul3A_33 = arith.mulf %mul3A_32, %add3A : vector<512x2048xf32>
      %tanh3A = math.tanh %mul3A_33 : vector<512x2048xf32>
      %add3A_34 = arith.constant 1.000000e+00 : f32
      %add3A_35 = vector.broadcast %add3A_34 : f32 to vector<512x2048xf32>
      %add3A_36 = arith.addf %add3A_35, %tanh3A : vector<512x2048xf32>
      %mul3A_37 = arith.constant 5.000000e-01 : f32
      %mul3A_38 = vector.broadcast %mul3A_37 : f32 to vector<512x2048xf32>
      %mul3A_39 = arith.mulf %mul3A_38, %add3A_36 : vector<512x2048xf32>
      %mul3A_40 = arith.mulf %dot_general3A_27, %mul3A_39 : vector<512x2048xf32>
      %convert_element_type3A_41 = arith.truncf %mul3A_40 : vector<512x2048xf32> to vector<512x2048xbf16>
      %dot_general3A_42 = arith.constant dense<0.000000e+00> : vector<512x1024xf32>
      %dot_general3A_43 = tpu.matmul %convert_element_type3A_41, %get3A_10, %dot_general3A_42 {dimension_numbers = #tpu.dot_dimension_numbers<[1], [0], [0], [1], [0, 0, 1, 1], [], []>, transpose_lhs_hint = false} : vector<512x2048xbf16>, vector<2048x1024xbf16>, vector<512x1024xf32> -> vector<512x1024xf32>
      %swap3A = arith.constant 512 : index
      %swap3A_44 = arith.constant 0 : index
      %swap3A_45 = vector.load %arg5[%swap3A, %swap3A_44] : memref<1536x1024xf32, #tpu.memory_space<vmem>>, vector<512x1024xf32>
      tpu.vector_store %arg5[%swap3A, %swap3A_44], %dot_general3A_43 {strides = array<i32>} : memref<1536x1024xf32, #tpu.memory_space<vmem>>, vector<512x1024xf32>,
    } else {
    }
    %gt3A_18 = arith.constant 1024 : i32
    %gt3A_19 = arith.cmpi sgt, %get3A_0, %gt3A_18 : i32
    %convert_element_type3A_20 = arith.extui %gt3A_19 : i1 to i32
    %cond3A_21 = arith.constant 0 : i32
    %cond3A_22 = arith.cmpi ne, %convert_element_type3A_20, %cond3A_21 : i32
    scf.if %cond3A_22 {
      %get3A_23 = arith.constant 1024 : index
      %get3A_24 = arith.constant 0 : index
      %get3A_25 = vector.load %arg2[%get3A_23, %get3A_24] : memref<1536x1024xf32, #tpu.memory_space<vmem>>, vector<512x1024xf32>
      %convert_element_type3A_26 = arith.truncf %get3A_25 : vector<512x1024xf32> to vector<512x1024xbf16>
      %dot_general3A = arith.constant dense<0.000000e+00> : vector<512x2048xf32>
      %dot_general3A_27 = tpu.matmul %convert_element_type3A_26, %get3A_5, %dot_general3A {dimension_numbers = #tpu.dot_dimension_numbers<[1], [0], [0], [1], [0, 0, 1, 1], [], []>, transpose_lhs_hint = false} : vector<512x1024xbf16>, vector<1024x2048xbf16>, vector<512x2048xf32> -> vector<512x2048xf32>
      %integer_pow3A = arith.mulf %dot_general3A_27, %dot_general3A_27 : vector<512x2048xf32>
      %integer_pow3A_28 = arith.mulf %dot_general3A_27, %integer_pow3A : vector<512x2048xf32>
      %mul3A = arith.constant 4.471500e-02 : f32
      %mul3A_29 = vector.broadcast %mul3A : f32 to vector<512x2048xf32>
      %mul3A_30 = arith.mulf %mul3A_29, %integer_pow3A_28 : vector<512x2048xf32>
      %add3A = arith.addf %dot_general3A_27, %mul3A_30 : vector<512x2048xf32>
      %mul3A_31 = arith.constant 0.797884583 : f32
      %mul3A_32 = vector.broadcast %mul3A_31 : f32 to vector<512x2048xf32>
      %mul3A_33 = arith.mulf %mul3A_32, %add3A : vector<512x2048xf32>
      %tanh3A = math.tanh %mul3A_33 : vector<512x2048xf32>
      %add3A_34 = arith.constant 1.000000e+00 : f32
      %add3A_35 = vector.broadcast %add3A_34 : f32 to vector<512x2048xf32>
      %add3A_36 = arith.addf %add3A_35, %tanh3A : vector<512x2048xf32>
      %mul3A_37 = arith.constant 5.000000e-01 : f32
      %mul3A_38 = vector.broadcast %mul3A_37 : f32 to vector<512x2048xf32>
      %mul3A_39 = arith.mulf %mul3A_38, %add3A_36 : vector<512x2048xf32>
      %mul3A_40 = arith.mulf %dot_general3A_27, %mul3A_39 : vector<512x2048xf32>
      %convert_element_type3A_41 = arith.truncf %mul3A_40 : vector<512x2048xf32> to vector<512x2048xbf16>
      %dot_general3A_42 = arith.constant dense<0.000000e+00> : vector<512x1024xf32>
      %dot_general3A_43 = tpu.matmul %convert_element_type3A_41, %get3A_10, %dot_general3A_42 {dimension_numbers = #tpu.dot_dimension_numbers<[1], [0], [0], [1], [0, 0, 1, 1], [], []>, transpose_lhs_hint = false} : vector<512x2048xbf16>, vector<2048x1024xbf16>, vector<512x1024xf32> -> vector<512x1024xf32>
      %swap3A = arith.constant 1024 : index
      %swap3A_44 = arith.constant 0 : index
      %swap3A_45 = vector.load %arg5[%swap3A, %swap3A_44] : memref<1536x1024xf32, #tpu.memory_space<vmem>>, vector<512x1024xf32>
      tpu.vector_store %arg5[%swap3A, %swap3A_44], %dot_general3A_43 {strides = array<i32>} : memref<1536x1024xf32, #tpu.memory_space<vmem>>, vector<512x1024xf32>,
    } else {
    }
    return
  }
  func.func @transform_0(%arg0: i32) -> i32 {
    %c0_i32 = arith.constant 0 : i32
    %c0_i32_0 = arith.constant 0 : i32
    return %c0_i32 : i32
  }
  func.func @transform_1(%arg0: i32) -> (i32, i32) {
    %c0_i32 = arith.constant 0 : i32
    %c0_i32_0 = arith.constant 0 : i32
    return %arg0, %c0_i32 : i32, i32
  }
  func.func @transform_2(%arg0: i32) -> (i32, i32, i32) {
    %c0_i32 = arith.constant 0 : i32
    %c0_i32_0 = arith.constant 0 : i32
    %c0_i32_1 = arith.constant 0 : i32
    return %arg0, %c0_i32, %c0_i32_0 : i32, i32, i32
  }
  func.func @transform_3(%arg0: i32) -> (i32, i32, i32) {
    %c0_i32 = arith.constant 0 : i32
    %c0_i32_0 = arith.constant 0 : i32
    %c0_i32_1 = arith.constant 0 : i32
    return %arg0, %c0_i32, %c0_i32_0 : i32, i32, i32
  }
  func.func @transform_4(%arg0: i32) -> (i32, i32) {
    %c0_i32 = arith.constant 0 : i32
    %c0_i32_0 = arith.constant 0 : i32
    return %arg0, %c0_i32 : i32, i32
  }
}

module attributes {stable_mosaic.version = 14 : i64} {
  func.func @_combine_body(%arg0: i32, %arg1: memref<512x1024xf32, #tpu.memory_space<vmem>>, %arg2: memref<512x1024xf32, #tpu.memory_space<vmem>>, %arg3: memref<512x1xf32, #tpu.memory_space<vmem>>, %arg4: memref<512x1xf32, #tpu.memory_space<vmem>>, %arg5: memref<512x1024xf32, #tpu.memory_space<vmem>>) attributes {dimension_semantics = [#tpu.dimension_semantics<arbitrary>], iteration_bounds = array<i64: 8>, scalar_prefetch = 0 : i64, scratch_operands = 0 : i64, tpu.core_type = #tpu.core_type<tc>, window_params = [{transform_indices = @transform_0, window_bounds = array<i64: 512, 1024>}, {transform_indices = @transform_1, window_bounds = array<i64: 512, 1024>}, {transform_indices = @transform_2, window_bounds = array<i64: 512, 1>}, {transform_indices = @transform_3, window_bounds = array<i64: 512, 1>}, {transform_indices = @transform_4, window_bounds = array<i64: 512, 1024>}]} {
    %get3A = arith.constant 0 : index
    %get3A_0 = arith.constant 0 : index
    %get3A_1 = vector.load %arg3[%get3A, %get3A_0] : memref<512x1xf32, #tpu.memory_space<vmem>>, vector<512x1xf32>
    %get3A_2 = arith.constant 0 : index
    %get3A_3 = arith.constant 0 : index
    %get3A_4 = vector.load %arg4[%get3A_2, %get3A_3] : memref<512x1xf32, #tpu.memory_space<vmem>>, vector<512x1xf32>
    %ne3A = arith.constant 0.000000e+00 : f32
    %ne3A_5 = vector.broadcast %ne3A : f32 to vector<512x1xf32>
    %ne3A_6 = arith.cmpf one, %get3A_1, %ne3A_5 : vector<512x1xf32>
    %get3A_7 = arith.constant 0 : index
    %get3A_8 = arith.constant 0 : index
    %get3A_9 = vector.load %arg1[%get3A_7, %get3A_8] : memref<512x1024xf32, #tpu.memory_space<vmem>>, vector<512x1024xf32>
    %mul3A = vector.broadcast %get3A_1 : vector<512x1xf32> to vector<512x1024xf32>
    %mul3A_10 = arith.mulf %mul3A, %get3A_9 : vector<512x1024xf32>
    %jit3A = arith.constant 0.000000e+00 : f32
    %broadcast_in_dim3A = vector.shape_cast %ne3A_6 : vector<512x1xi1> to vector<512x1xi1>
    %broadcast_in_dim3A_11 = vector.broadcast %broadcast_in_dim3A : vector<512x1xi1> to vector<512x1024xi1>
    %broadcast_in_dim3A_12 = vector.broadcast %jit3A : f32 to vector<512x1024xf32>
    %select_n3A = arith.select %broadcast_in_dim3A_11, %mul3A_10, %broadcast_in_dim3A_12 : vector<512x1024xi1>, vector<512x1024xf32>
    %ne3A_13 = arith.constant 0.000000e+00 : f32
    %ne3A_14 = vector.broadcast %ne3A_13 : f32 to vector<512x1xf32>
    %ne3A_15 = arith.cmpf one, %get3A_4, %ne3A_14 : vector<512x1xf32>
    %get3A_16 = arith.constant 0 : index
    %get3A_17 = arith.constant 0 : index
    %get3A_18 = vector.load %arg2[%get3A_16, %get3A_17] : memref<512x1024xf32, #tpu.memory_space<vmem>>, vector<512x1024xf32>
    %mul3A_19 = vector.broadcast %get3A_4 : vector<512x1xf32> to vector<512x1024xf32>
    %mul3A_20 = arith.mulf %mul3A_19, %get3A_18 : vector<512x1024xf32>
    %jit3A_21 = arith.constant 0.000000e+00 : f32
    %broadcast_in_dim3A_22 = vector.shape_cast %ne3A_15 : vector<512x1xi1> to vector<512x1xi1>
    %broadcast_in_dim3A_23 = vector.broadcast %broadcast_in_dim3A_22 : vector<512x1xi1> to vector<512x1024xi1>
    %broadcast_in_dim3A_24 = vector.broadcast %jit3A_21 : f32 to vector<512x1024xf32>
    %select_n3A_25 = arith.select %broadcast_in_dim3A_23, %mul3A_20, %broadcast_in_dim3A_24 : vector<512x1024xi1>, vector<512x1024xf32>
    %add3A = arith.addf %select_n3A, %select_n3A_25 : vector<512x1024xf32>
    %swap3A = arith.constant 0 : index
    %swap3A_26 = arith.constant 0 : index
    %swap3A_27 = vector.load %arg5[%swap3A, %swap3A_26] : memref<512x1024xf32, #tpu.memory_space<vmem>>, vector<512x1024xf32>
    tpu.vector_store %arg5[%swap3A, %swap3A_26], %add3A {strides = array<i32>} : memref<512x1024xf32, #tpu.memory_space<vmem>>, vector<512x1024xf32>,
    return
  }
  func.func @transform_0(%arg0: i32) -> (i32, i32) {
    %c0_i32 = arith.constant 0 : i32
    %c0_i32_0 = arith.constant 0 : i32
    return %arg0, %c0_i32 : i32, i32
  }
  func.func @transform_1(%arg0: i32) -> (i32, i32) {
    %c0_i32 = arith.constant 0 : i32
    %c0_i32_0 = arith.constant 0 : i32
    return %arg0, %c0_i32 : i32, i32
  }
  func.func @transform_2(%arg0: i32) -> (i32, i32) {
    %c0_i32 = arith.constant 0 : i32
    %c0_i32_0 = arith.constant 0 : i32
    return %arg0, %c0_i32 : i32, i32
  }
  func.func @transform_3(%arg0: i32) -> (i32, i32) {
    %c0_i32 = arith.constant 0 : i32
    %c0_i32_0 = arith.constant 0 : i32
    return %arg0, %c0_i32 : i32, i32
  }
  func.func @transform_4(%arg0: i32) -> (i32, i32) {
    %c0_i32 = arith.constant 0 : i32
    %c0_i32_0 = arith.constant 0 : i32
    return %arg0, %c0_i32 : i32, i32
  }
}

</mosaic_0001>

<sc_bundles>
// kernel: kernel.10.cloned.1.call-start
scs
__scs_entry_jumppad:
0x0: {  	(pc) =	sbr.rel $0x88, $3  }
0x1: {  	(tag) =	ssettag $0x0;
	lr =	simm.s32 $0x1  }
0x2: {  	[smem:$0x3F9C] =	sst lr;
	_ =	strace $0xD0000000  }
0x3: {  	_ = 	snop  }
0x4: {  	_ = 	snop  }
0x5: {  	_ = 	snop  }
0x6: {  	_ = 	snop  }
0x7: {  	_ = 	snop  }
__scs_overlays_trampoline_lowered:
0x8: {  	[smem:$0x3FAB] =	sst s0  }
0x9: {  	[smem:$0x3FAC] =	sst s1  }
0xa: {  	[smem:$0x3FAD] =	sst s2  }
0xb: {  	[smem:$0x3FAE] =	sst s3  }
0xc: {  	[smem:$0x3FAF] =	sst s4  }
0xd: {  	[smem:$0x3FB0] =	sst s5  }
0xe: {  	[smem:$0x3FB1] =	sst s6  }
0xf: {  	[smem:$0x3FB2] =	sst s7  }
0x10: {  	[smem:$0x3FB3] =	sst s8  }
0x11: {  	[smem:$0x3FB4] =	sst s9;
	s0 =	simm.s32 @!p0 $0x0  }
0x12: {  	s1 =	sld [smem:$0x3F9A];
	s0 =	simm.s32 @p0 $0x1  }
0x13: {  	[smem:$0x3FB5] =	sst s0;
	s0 =	simm.s32 @!p1 $0x0  }
0x14: {  	s2 =	sld [smem:$0x3F99];
	s0 =	simm.s32 @p1 $0x1  }
0x15: {  	[smem:$0x3FB6] =	sst s0;
	s0 =	simm.s32 @!p2 $0x0  }
0x16: {  	s3 =	sld [smem:$0x3FDB];
	s0 =	simm.s32 @p2 $0x1  }
0x17: {  	s4 =	simm.s32 $0x1BF5;
	[smem:$0x3FB8] =	sst s0  }
0x18: {  	s0 =	sld [smem:$0x3F9B];
	_ =	swait.ge [sflag:s4], $0x0  }
0x19: {  	s7 =	sld [smem:$0x3F9C]  }
0x1a: {  	s8 =	sadd.s32 $0xFFFFE003, lr  }
0x1b: {  	s9 =	sadd.s32 $0xFFFFFEF7, lr;
	s5 =	simm.s32 $0xFFFFFFFF;
	p2 =	slt.u32 s8, $0xFFFFF086  }
0x1c: {  	p1 =	slt.u32 s9, $0xF7A;
	s5 =	simm.s32 @!p2 $0x0  }
0x1d: {  	s5 =	simm.s32 @p1 $0x1;
	p0 =	seq.s32 s7, s2  }
0x1e: {  	s7 =	smul.u32 @!p0 $0xF7A, s2;
	p2 =	seq.s32 @!p0 s5, $0x0  }
0x1f: {  	s9 =	smul.u32 $0xF7A, s1;
	s8 =	simm.s32 @!p0 $0x1BF5;
	p2 =	por !p2, p0  }
0x20: {  	[sflag:s8] =	ssyncset.s32 @!p0 $0xFFFFF086;
	s6 =	sadd.s32 @!p0 s3, s7;
	s7 =	simm.s32 @!p0 $0x108  }
0x21: {  	s3 =	sadd.s32 s3, s9;
	s6 =	sadd.s32 @!p0 $0x88, s6;
	s7 =	simm.s32 @p2 $0x1082  }
0x22: {  	[simem:s7], [sflag:s8] =	dma.local @!p0 [hbm:s6], $0xF7A  }
0x23: {  	s9 =	sor.u32 $0xD0000000, s2;
	s6 =	simm.s32 $0x108;
	_ =	swait.ge @!p0 [sflag:s8], $0x0  }
0x24: {  	s3 =	sadd.s32 $0x88, s3;
	s6 =	simm.s32 @!p1 $0x1082;
	[sflag:s4] =	ssyncset.s32 $0xFFFFF086  }
0x25: {  	[simem:s6], [sflag:s4] =	dma.local [hbm:s3], $0xF7A  }
0x26: {  	[smem:$0x3F9C] =	sst s1;
	(tag) =	ssettag s2;
	_ =	strace s9  }
0x27: {  	s1 =	sld [smem:$0x3FAC]  }
0x28: {  	s2 =	sld [smem:$0x3FAD]  }
0x29: {  	s4 =	sld [smem:$0x3FAF]  }
0x2a: {  	p0 =	seq.s32 s5, $0x0;
	s5 =	sld [smem:$0x3FB0]  }
0x2b: {  	s6 =	sld [smem:$0x3FB1]  }
0x2c: {  	s7 =	sld [smem:$0x3FB2]  }
0x2d: {  	s3 =	simm.s32 $0x108;
	s8 =	sld [smem:$0x3FB3]  }
0x2e: {  	s3 =	simm.s32 @!p0 $0x1082;
	s9 =	sld [smem:$0x3FB4]  }
0x2f: {  	lr =	sadd.s32 s0, s3;
	s0 =	sld [smem:$0x3FAB]  }
0x30: {  	s3 =	sld [smem:$0x3FAE]  }
0x31: {  	[smem:$0x3FB7] =	sst s10  }
0x32: {  	s10 =	sld [smem:$0x3FB5];
	_ =	sdelay $0x3  }
0x33: {  	p0 =	seq.s32 s10, $0x1;
	s10 =	sld [smem:$0x3FB7];
	_ =	sdelay $0x3  }
0x34: {  	[smem:$0x3FB7] =	sst s10  }
0x35: {  	s10 =	sld [smem:$0x3FB6];
	_ =	sdelay $0x3  }
0x36: {  	p1 =	seq.s32 s10, $0x1;
	s10 =	sld [smem:$0x3FB7];
	_ =	sdelay $0x3  }
0x37: {  	[smem:$0x3FB7] =	sst s10  }
0x38: {  	s10 =	sld [smem:$0x3FB8]  }
0x39: {  	_ = 	snop;
	(pc) =	sbr.ind lr, $3  }
0x3a: {  	_ = 	snop  }
0x3b: {  	_ = 	snop  }
0x3c: {  	p2 =	seq.s32 s10, $0x1;
	s10 =	sld [smem:$0x3FB7]  }
0x3d: {  	_ =	shalt  }
0x3e: {  	_ =	shalt  }
0x3f: {  	_ =	shalt  }
0x40: {  	_ =	shalt  }
0x41: {  	_ =	shalt  }
0x42: {  	_ =	shalt  }
0x43: {  	_ =	shalt  }
0x44: {  	_ =	shalt  }
0x45: {  	_ =	shalt  }
0x46: {  	_ =	shalt  }
0x47: {  	_ =	shalt  }
0x48: {  	_ =	shalt  }
0x49: {  	_ =	shalt  }
0x4a: {  	_ =	shalt  }
0x4b: {  	_ =	shalt  }
0x4c: {  	_ =	shalt  }
0x4d: {  	_ =	shalt  }
0x4e: {  	_ =	shalt  }
0x4f: {  	_ =	shalt  }
0x50: {  	_ =	shalt  }
0x51: {  	_ =	shalt  }
0x52: {  	_ =	shalt  }
0x53: {  	_ =	shalt  }
0x54: {  	_ =	shalt  }
0x55: {  	_ =	shalt  }
0x56: {  	_ =	shalt  }
0x57: {  	_ =	shalt  }
0x58: {  	_ =	shalt  }
0x59: {  	_ =	shalt  }
0x5a: {  	_ =	shalt  }
0x5b: {  	_ =	shalt  }
0x5c: {  	_ =	shalt  }
0x5d: {  	_ =	shalt  }
0x5e: {  	_ =	shalt  }
0x5f: {  	_ =	shalt  }
0x60: {  	_ =	shalt  }
0x61: {  	_ =	shalt  }
0x62: {  	_ =	shalt  }
0x63: {  	_ =	shalt  }
0x64: {  	_ =	shalt  }
0x65: {  	_ =	shalt  }
0x66: {  	_ =	shalt  }
0x67: {  	_ =	shalt  }
0x68: {  	_ =	shalt  }
0x69: {  	_ =	shalt  }
0x6a: {  	_ =	shalt  }
0x6b: {  	_ =	shalt  }
0x6c: {  	_ =	shalt  }
0x6d: {  	_ =	shalt  }
0x6e: {  	_ =	shalt  }
0x6f: {  	_ =	shalt  }
0x70: {  	_ =	shalt  }
0x71: {  	_ =	shalt  }
0x72: {  	_ =	shalt  }
0x73: {  	_ =	shalt  }
0x74: {  	_ =	shalt  }
0x75: {  	_ =	shalt  }
0x76: {  	_ =	shalt  }
0x77: {  	_ =	shalt  }
0x78: {  	_ =	shalt  }
0x79: {  	_ =	shalt  }
0x7a: {  	_ =	shalt  }
0x7b: {  	_ =	shalt  }
0x7c: {  	_ =	shalt  }
0x7d: {  	_ =	shalt  }
0x7e: {  	_ =	shalt  }
0x7f: {  	_ =	shalt  }
0x80: {  	_ =	shalt  }
0x81: {  	_ =	shalt  }
0x82: {  	_ =	shalt  }
0x83: {  	_ =	shalt  }
0x84: {  	_ =	shalt  }
0x85: {  	_ =	shalt  }
0x86: {  	_ =	shalt  }
0x87: {  	_ =	shalt  }
.Lfunc_end0:
.L_simem_size_0:
called_computation.1_lowered:
.L_overlay_start_0:
0x88: {  	s2 =	sld [smem:$0x3FD9]  }
0x89: {  	s3 =	sld [smem:$0x3FFE];
	_ =	sdelay $0x1  }
0x8a: {  	s1 =	srdreg.scid  }
0x8b: {  	s0 =	sand.u32 $0x1, s1  }
0x8c: {  	s17 =	sshll.u32 s0, $0xA;
	s2 =	sadd.s32 s3, s2  }
0x8d: {  	s2 =	sadd.s32 s2, s17  }
0x8e: {  	[smem:$0x3FC3] =	sst s2  }
0x8f: {  	_ = 	snop  }
0x90: {  	s2 =	sld [smem:$0x3FD0];
	(tm) =	ssettm $0x1  }
0x91: {  	s18 =	sld [smem:$0x3FFB];
	_ =	sdelay $0x3  }
0x92: {  	_ =	strace s18  }
0x93: {  	s3 =	sld [smem:$0x3FFC];
	_ =	sdelay $0x3  }
0x94: {  	_ =	strace s3  }
0x95: {  	s3 =	sld [smem:$0x3FFD];
	_ =	sdelay $0x3  }
0x96: {  	_ =	strace s3  }
0x97: {  	_ =	strace $0x8FFFFFFF  }
0x98: {  	s19 =	sld [smem:$0x3FDB];
	_ =	sdelay $0x1  }
0x99: {  	s4 =	simm.s32 $_scs_section_size  }
0x9a: {  	s5 =	simm.s32 $_size__tile_overlayer_lowered;
	s6 =	simm.s32 $_tile_overlayer_lowered  }
0x9b: {  	s22 =	simm.s32 $0x1BFF;
	s21 =	sshll.u32 s6, $0x1;
	s3 =	sadd.s32 s4, s19  }
0x9c: {  	s7 =	simm.s32 $0x0;
	s20 =	sshll.u32 s5, $0x1;
	s5 =	sadd.s32 s21, s3  }
0x9d: {  	[timem:s7], [sflag:s22] =	dma.local [hbm:s5], s20  }
0x9e: {  	_ =	swait.ge [sflag:s22], s20  }
0x9f: {  	s4 =	ssub.s32 $0x0, s20;
	[sflag:s22] =	ssyncset.done $0x0  }
0xa0: {  	[sflag:s22] =	ssyncadd.s32 s4;
	_ =	sdelay $0x1  }
0xa1: {  	s23 =	simm.s32 $0x1B8B  }
0xa2: {  	_ =	swait.ge [sflag:s23], $0x1  }
0xa3: {  	[sflag:s23] =	ssyncset.done $0x0  }
0xa4: {  	s25 =	simm.s32 $0x1B8E;
	s24 =	sld [smem:$0x3FFE];
	[sflag:s23] =	ssyncadd.s32 $0xFFFFFFFF  }
0xa5: {  	s26 =	simm.s32 $execute0_lowered;
	[smem:$0x3FD2] =	sst s25  }
0xa6: {  	s5 =	sshll.u32 s26, $0x1;
	_ =	strace $0x80000049;
	[dreg:$0x1] =	wrdreg $0xFFFFFFFF  }
0xa7: {  	s28 =	simm.s32 $_size_execute0_lowered;
	s3 =	sadd.s32 s3, s5;
	[dreg:$0x0] =	wrdreg $0x0  }
0xa8: {  	s5 =	sshll.u32 s28, $0x1;
	[dreg:$0x2] =	wrdreg s3  }
0xa9: {  	[dreg:$0x3] =	wrdreg s5  }
0xaa: {  	[dreg:$0x4] =	wrdreg $0xC0  }
0xab: {  	_ =	task [dreg:s7], $0x5FFFF  }
0xac: {  	[dreg:$0x1] =	wrdreg $0xFFFFFFFF  }
0xad: {  	[dreg:$0x0] =	wrdreg $0x60  }
0xae: {  	[dreg:$0x2] =	wrdreg s24  }
0xaf: {  	[dreg:$0x3] =	wrdreg s2  }
0xb0: {  	[dreg:$0x4] =	wrdreg $0x9  }
0xb1: {  	_ =	task.clear_ibuf [dreg:s7], $0x5FFFF;
	_ =	strace $0x90000049  }
0xb2: {  	s29 =	simm.s32 $0x9;
	_ =	strace $0x8000004B  }
0xb3: {  	_ =	swait.ge [sflag:s29], $0x1  }
0xb4: {  	[sflag:s29] =	ssyncadd.s32 $0xFFFFFFFF  }
0xb5: {  	_ =	strace $0x9000004B  }
0xb6: {  	_ =	sfence  }
0xb7: {  	s30 =	sld [smem:$0x0];
	_ =	sdelay $0x2  }
0xb8: {  	s31 =	sshll.u32 s1, $0xD;
	s1 =	sshrl.u32 s1, $0x2  }
0xb9: {  	s3 =	sand.u32 $0x4000, s31;
	s1 =	sadd.s32 s1, s30  }
0xba: {  	s0 =	sor.u32 s3, s0;
	s1 =	sshll.u32 s1, $0x11  }
0xbb: {  	s0 =	sor.u32 s1, s0  }
0xbc: {  	s0 =	sadd.s32 $0x8F2B, s0  }
0xbd: {  	[sflag:s0] =	ssyncadd.remote.s32 $0x1  }
0xbe: {  	_ =	sfence.sel $0xFFFF  }
0xbf: {  	[dreg:$0x0] =	wrdreg $0xFFFFFFFF;
	(pc) =	sbr.abs _section_cstart, $3  }
0xc0: {  	[dreg:$0x1] =	wrdreg $0xFFFFFFFF  }
0xc1: {  	_ =	task.clear_ibuf [dreg:s7], $0x2FFFF;
	_ =	strace $0x9FFFFFFF  }
0xc2: {  	(tm) =	ssettm $0x7FFFFFFF  }
0xc3: {  	_ =	shalt  }
tec
execute0_lowered:
.L_overlay_start_1:
0x0: {  	(tag) =	ssettag $0x1  }
0x1: {  	s0 =	srdreg.scid;
	s1 =	rddreg [dreg:$0x0]  }
0x2: {  	s2 =	stileid.u32;
	s5 =	rddreg [dreg:$0x1]  }
0x3: {  	s26 =	simm.s32 $0x80;
	s28 =	simm.s32 $0x2100;
	s29 =	simm.s32 $0x2900  }
0x4: {  	s30 =	simm.s32 $0x3100;
	s31 =	simm.s32 $0x3900;
	s10 =	simm.s32 $0x5100  }
0x5: {  	s11 =	simm.s32 $0x5900;
	s12 =	simm.s32 $0x6100;
	s13 =	simm.s32 $0x6900  }
0x6: {  	s14 =	simm.s32 $0x7100;
	s15 =	simm.s32 $0x7900;
	s0 =	sand.u32 $0x1, s0  }
0x7: {  	s3 =	sshll.u32 s2, $0x8;
	s2 =	simm.s32 $0x0;
	s7 =	sadd.s32 $0x1200, s1  }
0x8: {  	s4 =	sshll.u32 s0, $0x7;
	[smem:$0x7FF] =	sst s2;
	s0 =	ssub.s32 $0x2, s0  }
0x9: {  	s4 =	sor.u32 s4, s3;
	_ =	strace $0x8000004A;
	s9 =	sshrl.u32 s0, $0x1  }
0xa: {  	[dreg:$0xd] =	wrdreg s26;
	s26 =	simm.s32 $0x1900;
	s3 =	sshrl.u32 s4, $0x3  }
0xb: {  	s4 =	sshll.u32 s4, $0x7;
	s0 =	ssub.s32 s0, s9;
	s9 =	simm.s32 $0x100  }
0xc: {  	s6 =	sadd.s32 s3, s1;
	s3 =	sadd.s32 $0x381600, s1;
	s16 =	sadd.s32 s5, s4  }
0xd: {  	s17 =	sadd.s32 s7, s4;
	s18 =	sor.u32 $0x1000, s4;
	[dreg:$0x5] =	wrdreg s16  }
0xe: {  	s21 =	sor.u32 $0x2000, s4;
	s8 =	sadd.s32 $0x1000, s6;
	[dreg:$0x6] =	wrdreg s17  }
0xf: {  	s24 =	sor.u32 $0x3000, s4;
	s6 =	sadd.s32 $0xE00, s6;
	[dreg:$0x3] =	wrdreg s8  }
0x10: {  	s4 =	sadd.s32 $0x381700, s1;
	s19 =	sadd.s32 s5, s18;
	[dreg:$0x4] =	wrdreg s6  }
0x11: {  	s20 =	sadd.s32 s7, s18;
	s22 =	sadd.s32 s5, s21;
	[dreg:$0x7] =	wrdreg s19  }
0x12: {  	s23 =	sadd.s32 s7, s21;
	s25 =	sadd.s32 s5, s24;
	[dreg:$0x8] =	wrdreg s20  }
0x13: {  	s5 =	sadd.s32 $0x381800, s1;
	s7 =	sadd.s32 s7, s24;
	[dreg:$0x9] =	wrdreg s22  }
0x14: {  	s18 =	simm.s32 $0x1;
	s21 =	simm.s32 $0x4;
	[dreg:$0xa] =	wrdreg s23  }
0x15: {  	v2 =	vlaneseq.u32;
	s24 =	simm.s32 $0x1100;
	s16 =	simm.s32 $0x4900;
	[dreg:$0xb] =	wrdreg s25  }
0x16: {  	vm0 =	vmmov $0xffff;
	v1 =	vshrl.u32 v2, $0x3;
	s6 =	sadd.s32 $0x381900, s1;
	[dreg:$0xc] =	wrdreg s7;
	s7 =	smax.u32 s0, $0x1  }
0x17: {  	v0 =	vand.u32 $0x7, v2;
	v2 =	vor.u32 $0x8, v2;
	v1 =	vmul.u32 $0x8, v1;
	s25 =	simm.s32 $0x8100;
	s19 =	simm.s32 $0x3;
	s20 =	simm.s32 $0x2  }
.LBB2_1:
0x18: {  	s22 =	rddreg [dreg:$0x3];
	s0 =	simm.s32 $0x5  }
0x19: {  	[tilespmem:s2], [sflag:$0x5] =	stream.linear.gather [hbm4b:s22+s2], $0x80, $0x38;
	[tilespmem:$0x10100] =	vst v63  }
0x1a: {  	_ =	swait.ge [sflag:s0], $0x80  }
0x1b: {  	s8 =	rddreg [dreg:$0x4];
	[sflag:s0] =	ssyncset.done $0x0  }
0x1c: {  	s23 =	rddreg [dreg:$0xd];
	[sflag:s0] =	ssyncadd.s32 $0xFFFFFF80  }
0x1d: {  	[tilespmem:s23], [sflag:$0x5] =	stream.linear.gather [hbm4b:s8+s2], $0x80, $0x38;
	[tilespmem:$0x10100] =	vst v63  }
0x1e: {  	_ =	swait.ge [sflag:s0], $0x80  }
0x1f: {  	[sflag:s0] =	ssyncset.done $0x0  }
0x20: {  	[sflag:s0] =	ssyncadd.s32 $0xFFFFFF80  }
0x21: {  	v3 =	vld [tilespmem:$0x0];
	_ =	sdelay $0x4  }
0x22: {  	v4 =	vshll.u32 v3, $0x3  }
0x23: {  	v3 =	vand.u32 $0x7, v3;
	v4 =	vand.u32 $0xFFFFFFC0, v4  }
0x24: {  	v3 =	vor.u32 v3, v4  }
0x25: {  	v4 =	vperm.xlane v3, v0;
	_ =	sdelay $0x1  }
0x26: {  	v4 =	vadd.s32 v1, v4;
	_ =	sdelay $0x4  }
0x27: {  	[tilespmem:s9], [sflag:$0x1] =	stream.indirect_vreg.gather [hbm4b:s3+s2], $0x80, v4, vm0, $0xb8;
	[tilespmem:$0x10100] =	vst v63  }
0x28: {  	s23 =	simm.s32 $0x900;
	v3 =	vperm.xlane v3, v2  }
0x29: {  	[tilespmem:s23], [sflag:$0x1] =	stream.indirect_vreg.gather [hbm4b:s4+s2], $0x80, v4, vm0, $0xb8;
	[tilespmem:$0x10100] =	vst v63  }
0x2a: {  	v3 =	vadd.s32 v1, v3  }
0x2b: {  	[tilespmem:s24], [sflag:$0x1] =	stream.indirect_vreg.gather [hbm4b:s5+s2], $0x80, v4, vm0, $0xb8;
	[tilespmem:$0x10100] =	vst v63  }
0x2c: {  	_ = 	snop  }
0x2d: {  	[tilespmem:s26], [sflag:$0x1] =	stream.indirect_vreg.gather [hbm4b:s6+s2], $0x80, v4, vm0, $0xb8;
	[tilespmem:$0x10100] =	vst v63  }
0x2e: {  	_ = 	snop  }
0x2f: {  	[tilespmem:s28], [sflag:$0x1] =	stream.indirect_vreg.gather [hbm4b:s3+s2], $0x80, v3, vm0, $0xb8;
	[tilespmem:$0x10100] =	vst v63  }
0x30: {  	_ = 	snop  }
0x31: {  	[tilespmem:s29], [sflag:$0x1] =	stream.indirect_vreg.gather [hbm4b:s4+s2], $0x80, v3, vm0, $0xb8;
	[tilespmem:$0x10100] =	vst v63  }
0x32: {  	_ = 	snop  }
0x33: {  	[tilespmem:s30], [sflag:$0x1] =	stream.indirect_vreg.gather [hbm4b:s5+s2], $0x80, v3, vm0, $0xb8;
	[tilespmem:$0x10100] =	vst v63  }
0x34: {  	_ = 	snop  }
0x35: {  	[tilespmem:s31], [sflag:$0x1] =	stream.indirect_vreg.gather [hbm4b:s6+s2], $0x80, v3, vm0, $0xb8;
	[tilespmem:$0x10100] =	vst v63  }
0x36: {  	v3 =	vld [tilespmem:$0x10];
	_ =	sdelay $0x4  }
0x37: {  	v49 =	vshll.u32 v3, $0x3  }
0x38: {  	v3 =	vand.u32 $0x7, v3;
	v4 =	vand.u32 $0xFFFFFFC0, v49  }
0x39: {  	v3 =	vor.u32 v3, v4  }
0x3a: {  	v4 =	vperm.xlane v3, v0;
	_ =	sdelay $0x1  }
0x3b: {  	v4 =	vadd.s32 v1, v4;
	_ =	sdelay $0x3  }
0x3c: {  	s1 =	simm.s32 $0x4100  }
0x3d: {  	[tilespmem:s1], [sflag:$0x1] =	stream.indirect_vreg.gather [hbm4b:s3+s2], $0x80, v4, vm0, $0xb8;
	[tilespmem:$0x10100] =	vst v63  }
0x3e: {  	v3 =	vperm.xlane v3, v2  }
0x3f: {  	[tilespmem:s16], [sflag:$0x1] =	stream.indirect_vreg.gather [hbm4b:s4+s2], $0x80, v4, vm0, $0xb8;
	[tilespmem:$0x10100] =	vst v63  }
0x40: {  	v3 =	vadd.s32 v1, v3  }
0x41: {  	[tilespmem:s10], [sflag:$0x1] =	stream.indirect_vreg.gather [hbm4b:s5+s2], $0x80, v4, vm0, $0xb8;
	[tilespmem:$0x10100] =	vst v63  }
0x42: {  	_ = 	snop  }
0x43: {  	[tilespmem:s11], [sflag:$0x1] =	stream.indirect_vreg.gather [hbm4b:s6+s2], $0x80, v4, vm0, $0xb8;
	[tilespmem:$0x10100] =	vst v63  }
0x44: {  	_ = 	snop  }
0x45: {  	[tilespmem:s12], [sflag:$0x1] =	stream.indirect_vreg.gather [hbm4b:s3+s2], $0x80, v3, vm0, $0xb8;
	[tilespmem:$0x10100] =	vst v63  }
0x46: {  	_ = 	snop  }
0x47: {  	[tilespmem:s13], [sflag:$0x1] =	stream.indirect_vreg.gather [hbm4b:s4+s2], $0x80, v3, vm0, $0xb8;
	[tilespmem:$0x10100] =	vst v63  }
0x48: {  	_ = 	snop  }
0x49: {  	[tilespmem:s14], [sflag:$0x1] =	stream.indirect_vreg.gather [hbm4b:s5+s2], $0x80, v3, vm0, $0xb8;
	[tilespmem:$0x10100] =	vst v63  }
0x4a: {  	_ = 	snop  }
0x4b: {  	[tilespmem:s15], [sflag:$0x1] =	stream.indirect_vreg.gather [hbm4b:s6+s2], $0x80, v3, vm0, $0xb8;
	[tilespmem:$0x10100] =	vst v63  }
0x4c: {  	v3 =	vld [tilespmem:$0x80];
	_ =	sdelay $0x4  }
0x4d: {  	v50 =	vshll.u32 v3, $0x3  }
0x4e: {  	v3 =	vand.u32 $0x7, v3;
	v4 =	vand.u32 $0xFFFFFFC0, v50  }
0x4f: {  	v3 =	vor.u32 v3, v4  }
0x50: {  	v4 =	vperm.xlane v3, v0;
	_ =	sdelay $0x1  }
0x51: {  	v4 =	vadd.s32 v1, v4;
	_ =	sdelay $0x4  }
0x52: {  	[tilespmem:s25], [sflag:$0x2] =	stream.indirect_vreg.gather [hbm4b:s3+s2], $0x80, v4, vm0, $0xb8;
	[tilespmem:$0x10100] =	vst v63  }
0x53: {  	s8 =	simm.s32 $0x8900;
	v3 =	vperm.xlane v3, v2  }
0x54: {  	[tilespmem:s8], [sflag:$0x2] =	stream.indirect_vreg.gather [hbm4b:s4+s2], $0x80, v4, vm0, $0xb8;
	[tilespmem:$0x10100] =	vst v63  }
0x55: {  	s17 =	simm.s32 $0x9100;
	v3 =	vadd.s32 v1, v3  }
0x56: {  	[tilespmem:s17], [sflag:$0x2] =	stream.indirect_vreg.gather [hbm4b:s5+s2], $0x80, v4, vm0, $0xb8;
	[tilespmem:$0x10100] =	vst v63  }
0x57: {  	s22 =	simm.s32 $0x9900  }
0x58: {  	[tilespmem:s22], [sflag:$0x2] =	stream.indirect_vreg.gather [hbm4b:s6+s2], $0x80, v4, vm0, $0xb8;
	[tilespmem:$0x10100] =	vst v63  }
0x59: {  	s17 =	simm.s32 $0xA100  }
0x5a: {  	[tilespmem:s17], [sflag:$0x2] =	stream.indirect_vreg.gather [hbm4b:s3+s2], $0x80, v3, vm0, $0xb8;
	[tilespmem:$0x10100] =	vst v63  }
0x5b: {  	s8 =	simm.s32 $0xA900  }
0x5c: {  	[tilespmem:s8], [sflag:$0x2] =	stream.indirect_vreg.gather [hbm4b:s4+s2], $0x80, v3, vm0, $0xb8;
	[tilespmem:$0x10100] =	vst v63  }
0x5d: {  	s17 =	simm.s32 $0xB100  }
0x5e: {  	[tilespmem:s17], [sflag:$0x2] =	stream.indirect_vreg.gather [hbm4b:s5+s2], $0x80, v3, vm0, $0xb8;
	[tilespmem:$0x10100] =	vst v63  }
0x5f: {  	s8 =	simm.s32 $0xB900  }
0x60: {  	[tilespmem:s8], [sflag:$0x2] =	stream.indirect_vreg.gather [hbm4b:s6+s2], $0x80, v3, vm0, $0xb8;
	[tilespmem:$0x10100] =	vst v63  }
0x61: {  	v3 =	vld [tilespmem:$0x90];
	_ =	sdelay $0x4  }
0x62: {  	v51 =	vshll.u32 v3, $0x3  }
0x63: {  	v3 =	vand.u32 $0x7, v3;
	v4 =	vand.u32 $0xFFFFFFC0, v51  }
0x64: {  	v3 =	vor.u32 v3, v4  }
0x65: {  	v4 =	vperm.xlane v3, v0;
	_ =	sdelay $0x1  }
0x66: {  	v4 =	vadd.s32 v1, v4;
	_ =	sdelay $0x3  }
0x67: {  	s17 =	simm.s32 $0xC100  }
0x68: {  	[tilespmem:s17], [sflag:$0x2] =	stream.indirect_vreg.gather [hbm4b:s3+s2], $0x80, v4, vm0, $0xb8;
	[tilespmem:$0x10100] =	vst v63  }
0x69: {  	s22 =	simm.s32 $0xC900;
	v3 =	vperm.xlane v3, v2  }
0x6a: {  	[tilespmem:s22], [sflag:$0x2] =	stream.indirect_vreg.gather [hbm4b:s4+s2], $0x80, v4, vm0, $0xb8;
	[tilespmem:$0x10100] =	vst v63  }
0x6b: {  	v3 =	vadd.s32 v1, v3;
	s22 =	simm.s32 $0xD100  }
0x6c: {  	[tilespmem:s22], [sflag:$0x2] =	stream.indirect_vreg.gather [hbm4b:s5+s2], $0x80, v4, vm0, $0xb8;
	[tilespmem:$0x10100] =	vst v63  }
0x6d: {  	s22 =	simm.s32 $0xD900  }
0x6e: {  	[tilespmem:s22], [sflag:$0x2] =	stream.indirect_vreg.gather [hbm4b:s6+s2], $0x80, v4, vm0, $0xb8;
	[tilespmem:$0x10100] =	vst v63  }
0x6f: {  	s22 =	simm.s32 $0xE100  }
0x70: {  	[tilespmem:s22], [sflag:$0x2] =	stream.indirect_vreg.gather [hbm4b:s3+s2], $0x80, v3, vm0, $0xb8;
	[tilespmem:$0x10100] =	vst v63  }
0x71: {  	s22 =	simm.s32 $0xE900  }
0x72: {  	[tilespmem:s22], [sflag:$0x2] =	stream.indirect_vreg.gather [hbm4b:s4+s2], $0x80, v3, vm0, $0xb8;
	[tilespmem:$0x10100] =	vst v63  }
0x73: {  	s22 =	simm.s32 $0xF100  }
0x74: {  	[tilespmem:s22], [sflag:$0x2] =	stream.indirect_vreg.gather [hbm4b:s5+s2], $0x80, v3, vm0, $0xb8;
	[tilespmem:$0x10100] =	vst v63  }
0x75: {  	s22 =	simm.s32 $0xF900  }
0x76: {  	[tilespmem:s22], [sflag:$0x2] =	stream.indirect_vreg.gather [hbm4b:s6+s2], $0x80, v3, vm0, $0xb8;
	[tilespmem:$0x10100] =	vst v63  }
0x77: {  	_ =	swait.ge [sflag:s18], $0x8000  }
0x78: {  	[sflag:s18] =	ssyncset.done $0x0  }
0x79: {  	s22 =	rddreg [dreg:$0x5];
	[sflag:s18] =	ssyncadd.s32 $0xFFFF8000  }
0x7a: {  	[hbm4b:s22+s2] =	stream.linear.scatter [tilespmem:s9], [sflag:$0x3], $0x8000, $0x38;
	[tilespmem:$0x10100] =	vst v63  }
0x7b: {  	_ =	swait.ge [sflag:s19], $0x8000  }
0x7c: {  	[sflag:s19] =	ssyncset.done $0x0  }
0x7d: {  	[sflag:s19] =	ssyncadd.s32 $0xFFFF8000  }
0x7e: {  	v3 =	vld [tilespmem:$0x20];
	_ =	sdelay $0x4  }
0x7f: {  	v52 =	vshll.u32 v3, $0x3  }
0x80: {  	v3 =	vand.u32 $0x7, v3;
	v4 =	vand.u32 $0xFFFFFFC0, v52  }
0x81: {  	v3 =	vor.u32 v3, v4  }
0x82: {  	v4 =	vperm.xlane v3, v0;
	_ =	sdelay $0x1  }
0x83: {  	v4 =	vadd.s32 v1, v4;
	_ =	sdelay $0x4  }
0x84: {  	[tilespmem:s9], [sflag:$0x1] =	stream.indirect_vreg.gather [hbm4b:s3+s2], $0x80, v4, vm0, $0xb8;
	[tilespmem:$0x10100] =	vst v63  }
0x85: {  	v3 =	vperm.xlane v3, v2  }
0x86: {  	[tilespmem:s23], [sflag:$0x1] =	stream.indirect_vreg.gather [hbm4b:s4+s2], $0x80, v4, vm0, $0xb8;
	[tilespmem:$0x10100] =	vst v63  }
0x87: {  	v3 =	vadd.s32 v1, v3  }
0x88: {  	[tilespmem:s24], [sflag:$0x1] =	stream.indirect_vreg.gather [hbm4b:s5+s2], $0x80, v4, vm0, $0xb8;
	[tilespmem:$0x10100] =	vst v63  }
0x89: {  	_ = 	snop  }
0x8a: {  	[tilespmem:s26], [sflag:$0x1] =	stream.indirect_vreg.gather [hbm4b:s6+s2], $0x80, v4, vm0, $0xb8;
	[tilespmem:$0x10100] =	vst v63  }
0x8b: {  	_ = 	snop  }
0x8c: {  	[tilespmem:s28], [sflag:$0x1] =	stream.indirect_vreg.gather [hbm4b:s3+s2], $0x80, v3, vm0, $0xb8;
	[tilespmem:$0x10100] =	vst v63  }
0x8d: {  	_ = 	snop  }
0x8e: {  	[tilespmem:s29], [sflag:$0x1] =	stream.indirect_vreg.gather [hbm4b:s4+s2], $0x80, v3, vm0, $0xb8;
	[tilespmem:$0x10100] =	vst v63  }
0x8f: {  	_ = 	snop  }
0x90: {  	[tilespmem:s30], [sflag:$0x1] =	stream.indirect_vreg.gather [hbm4b:s5+s2], $0x80, v3, vm0, $0xb8;
	[tilespmem:$0x10100] =	vst v63  }
0x91: {  	_ = 	snop  }
0x92: {  	[tilespmem:s31], [sflag:$0x1] =	stream.indirect_vreg.gather [hbm4b:s6+s2], $0x80, v3, vm0, $0xb8;
	[tilespmem:$0x10100] =	vst v63  }
0x93: {  	v3 =	vld [tilespmem:$0x30];
	_ =	sdelay $0x4  }
0x94: {  	v53 =	vshll.u32 v3, $0x3  }
0x95: {  	v3 =	vand.u32 $0x7, v3;
	v4 =	vand.u32 $0xFFFFFFC0, v53  }
0x96: {  	v3 =	vor.u32 v3, v4  }
0x97: {  	v4 =	vperm.xlane v3, v0;
	_ =	sdelay $0x1  }
0x98: {  	v4 =	vadd.s32 v1, v4;
	_ =	sdelay $0x4  }
0x99: {  	[tilespmem:s1], [sflag:$0x1] =	stream.indirect_vreg.gather [hbm4b:s3+s2], $0x80, v4, vm0, $0xb8;
	[tilespmem:$0x10100] =	vst v63  }
0x9a: {  	v3 =	vperm.xlane v3, v2  }
0x9b: {  	[tilespmem:s16], [sflag:$0x1] =	stream.indirect_vreg.gather [hbm4b:s4+s2], $0x80, v4, vm0, $0xb8;
	[tilespmem:$0x10100] =	vst v63  }
0x9c: {  	v3 =	vadd.s32 v1, v3  }
0x9d: {  	[tilespmem:s10], [sflag:$0x1] =	stream.indirect_vreg.gather [hbm4b:s5+s2], $0x80, v4, vm0, $0xb8;
	[tilespmem:$0x10100] =	vst v63  }
0x9e: {  	_ = 	snop  }
0x9f: {  	[tilespmem:s11], [sflag:$0x1] =	stream.indirect_vreg.gather [hbm4b:s6+s2], $0x80, v4, vm0, $0xb8;
	[tilespmem:$0x10100] =	vst v63  }
0xa0: {  	_ = 	snop  }
0xa1: {  	[tilespmem:s12], [sflag:$0x1] =	stream.indirect_vreg.gather [hbm4b:s3+s2], $0x80, v3, vm0, $0xb8;
	[tilespmem:$0x10100] =	vst v63  }
0xa2: {  	_ = 	snop  }
0xa3: {  	[tilespmem:s13], [sflag:$0x1] =	stream.indirect_vreg.gather [hbm4b:s4+s2], $0x80, v3, vm0, $0xb8;
	[tilespmem:$0x10100] =	vst v63  }
0xa4: {  	_ = 	snop  }
0xa5: {  	[tilespmem:s14], [sflag:$0x1] =	stream.indirect_vreg.gather [hbm4b:s5+s2], $0x80, v3, vm0, $0xb8;
	[tilespmem:$0x10100] =	vst v63  }
0xa6: {  	_ = 	snop  }
0xa7: {  	[tilespmem:s15], [sflag:$0x1] =	stream.indirect_vreg.gather [hbm4b:s6+s2], $0x80, v3, vm0, $0xb8;
	[tilespmem:$0x10100] =	vst v63  }
0xa8: {  	_ =	swait.ge [sflag:s20], $0x8000  }
0xa9: {  	[sflag:s20] =	ssyncset.done $0x0  }
0xaa: {  	s22 =	rddreg [dreg:$0x6];
	[sflag:s20] =	ssyncadd.s32 $0xFFFF8000  }
0xab: {  	[hbm4b:s22+s2] =	stream.linear.scatter [tilespmem:s25], [sflag:$0x4], $0x8000, $0x38;
	[tilespmem:$0x10100] =	vst v63  }
0xac: {  	_ =	swait.ge [sflag:s21], $0x8000  }
0xad: {  	[sflag:s21] =	ssyncset.done $0x0  }
0xae: {  	[sflag:s21] =	ssyncadd.s32 $0xFFFF8000  }
0xaf: {  	v3 =	vld [tilespmem:$0xA0];
	_ =	sdelay $0x4  }
0xb0: {  	v54 =	vshll.u32 v3, $0x3  }
0xb1: {  	v3 =	vand.u32 $0x7, v3;
	v4 =	vand.u32 $0xFFFFFFC0, v54  }
0xb2: {  	v3 =	vor.u32 v3, v4  }
0xb3: {  	v4 =	vperm.xlane v3, v0;
	_ =	sdelay $0x1  }
0xb4: {  	v4 =	vadd.s32 v1, v4;
	_ =	sdelay $0x4  }
0xb5: {  	[tilespmem:s25], [sflag:$0x2] =	stream.indirect_vreg.gather [hbm4b:s3+s2], $0x80, v4, vm0, $0xb8;
	[tilespmem:$0x10100] =	vst v63  }
0xb6: {  	s0 =	simm.s32 $0x8900;
	v3 =	vperm.xlane v3, v2  }
0xb7: {  	[tilespmem:s0], [sflag:$0x2] =	stream.indirect_vreg.gather [hbm4b:s4+s2], $0x80, v4, vm0, $0xb8;
	[tilespmem:$0x10100] =	vst v63  }
0xb8: {  	v3 =	vadd.s32 v1, v3;
	s0 =	simm.s32 $0x9100  }
0xb9: {  	[tilespmem:s0], [sflag:$0x2] =	stream.indirect_vreg.gather [hbm4b:s5+s2], $0x80, v4, vm0, $0xb8;
	[tilespmem:$0x10100] =	vst v63  }
0xba: {  	s22 =	simm.s32 $0x9900  }
0xbb: {  	[tilespmem:s22], [sflag:$0x2] =	stream.indirect_vreg.gather [hbm4b:s6+s2], $0x80, v4, vm0, $0xb8;
	[tilespmem:$0x10100] =	vst v63  }
0xbc: {  	s22 =	simm.s32 $0xA100  }
0xbd: {  	[tilespmem:s22], [sflag:$0x2] =	stream.indirect_vreg.gather [hbm4b:s3+s2], $0x80, v3, vm0, $0xb8;
	[tilespmem:$0x10100] =	vst v63  }
0xbe: {  	s22 =	simm.s32 $0xA900  }
0xbf: {  	[tilespmem:s22], [sflag:$0x2] =	stream.indirect_vreg.gather [hbm4b:s4+s2], $0x80, v3, vm0, $0xb8;
	[tilespmem:$0x10100] =	vst v63  }
0xc0: {  	s22 =	simm.s32 $0xB100  }
0xc1: {  	[tilespmem:s22], [sflag:$0x2] =	stream.indirect_vreg.gather [hbm4b:s5+s2], $0x80, v3, vm0, $0xb8;
	[tilespmem:$0x10100] =	vst v63  }
0xc2: {  	s8 =	simm.s32 $0xB900  }
0xc3: {  	[tilespmem:s8], [sflag:$0x2] =	stream.indirect_vreg.gather [hbm4b:s6+s2], $0x80, v3, vm0, $0xb8;
	[tilespmem:$0x10100] =	vst v63  }
0xc4: {  	v3 =	vld [tilespmem:$0xB0];
	_ =	sdelay $0x4  }
0xc5: {  	v55 =	vshll.u32 v3, $0x3  }
0xc6: {  	v3 =	vand.u32 $0x7, v3;
	v4 =	vand.u32 $0xFFFFFFC0, v55  }
0xc7: {  	v3 =	vor.u32 v3, v4  }
0xc8: {  	v4 =	vperm.xlane v3, v0;
	_ =	sdelay $0x1  }
0xc9: {  	v4 =	vadd.s32 v1, v4;
	_ =	sdelay $0x3  }
0xca: {  	s17 =	simm.s32 $0xC100  }
0xcb: {  	[tilespmem:s17], [sflag:$0x2] =	stream.indirect_vreg.gather [hbm4b:s3+s2], $0x80, v4, vm0, $0xb8;
	[tilespmem:$0x10100] =	vst v63  }
0xcc: {  	s22 =	simm.s32 $0xC900;
	v3 =	vperm.xlane v3, v2  }
0xcd: {  	[tilespmem:s22], [sflag:$0x2] =	stream.indirect_vreg.gather [hbm4b:s4+s2], $0x80, v4, vm0, $0xb8;
	[tilespmem:$0x10100] =	vst v63  }
0xce: {  	v3 =	vadd.s32 v1, v3;
	s17 =	simm.s32 $0xD100  }
0xcf: {  	[tilespmem:s17], [sflag:$0x2] =	stream.indirect_vreg.gather [hbm4b:s5+s2], $0x80, v4, vm0, $0xb8;
	[tilespmem:$0x10100] =	vst v63  }
0xd0: {  	s22 =	simm.s32 $0xD900  }
0xd1: {  	[tilespmem:s22], [sflag:$0x2] =	stream.indirect_vreg.gather [hbm4b:s6+s2], $0x80, v4, vm0, $0xb8;
	[tilespmem:$0x10100] =	vst v63  }
0xd2: {  	s17 =	simm.s32 $0xE100  }
0xd3: {  	[tilespmem:s17], [sflag:$0x2] =	stream.indirect_vreg.gather [hbm4b:s3+s2], $0x80, v3, vm0, $0xb8;
	[tilespmem:$0x10100] =	vst v63  }
0xd4: {  	s22 =	simm.s32 $0xE900  }
0xd5: {  	[tilespmem:s22], [sflag:$0x2] =	stream.indirect_vreg.gather [hbm4b:s4+s2], $0x80, v3, vm0, $0xb8;
	[tilespmem:$0x10100] =	vst v63  }
0xd6: {  	s17 =	simm.s32 $0xF100  }
0xd7: {  	[tilespmem:s17], [sflag:$0x2] =	stream.indirect_vreg.gather [hbm4b:s5+s2], $0x80, v3, vm0, $0xb8;
	[tilespmem:$0x10100] =	vst v63  }
0xd8: {  	s22 =	simm.s32 $0xF900  }
0xd9: {  	[tilespmem:s22], [sflag:$0x2] =	stream.indirect_vreg.gather [hbm4b:s6+s2], $0x80, v3, vm0, $0xb8;
	[tilespmem:$0x10100] =	vst v63  }
0xda: {  	_ =	swait.ge [sflag:s18], $0x8000  }
0xdb: {  	[sflag:s18] =	ssyncset.done $0x0  }
0xdc: {  	s17 =	rddreg [dreg:$0x7];
	[sflag:s18] =	ssyncadd.s32 $0xFFFF8000  }
0xdd: {  	[hbm4b:s17+s2] =	stream.linear.scatter [tilespmem:s9], [sflag:$0x3], $0x8000, $0x38;
	[tilespmem:$0x10100] =	vst v63  }
0xde: {  	_ =	swait.ge [sflag:s19], $0x8000  }
0xdf: {  	[sflag:s19] =	ssyncset.done $0x0  }
0xe0: {  	[sflag:s19] =	ssyncadd.s32 $0xFFFF8000  }
0xe1: {  	v3 =	vld [tilespmem:$0x40];
	_ =	sdelay $0x4  }
0xe2: {  	v56 =	vshll.u32 v3, $0x3  }
0xe3: {  	v3 =	vand.u32 $0x7, v3;
	v4 =	vand.u32 $0xFFFFFFC0, v56  }
0xe4: {  	v3 =	vor.u32 v3, v4  }
0xe5: {  	v4 =	vperm.xlane v3, v0;
	_ =	sdelay $0x1  }
0xe6: {  	v4 =	vadd.s32 v1, v4;
	_ =	sdelay $0x4  }
0xe7: {  	[tilespmem:s9], [sflag:$0x1] =	stream.indirect_vreg.gather [hbm4b:s3+s2], $0x80, v4, vm0, $0xb8;
	[tilespmem:$0x10100] =	vst v63  }
0xe8: {  	v3 =	vperm.xlane v3, v2  }
0xe9: {  	[tilespmem:s23], [sflag:$0x1] =	stream.indirect_vreg.gather [hbm4b:s4+s2], $0x80, v4, vm0, $0xb8;
	[tilespmem:$0x10100] =	vst v63  }
0xea: {  	v3 =	vadd.s32 v1, v3  }
0xeb: {  	[tilespmem:s24], [sflag:$0x1] =	stream.indirect_vreg.gather [hbm4b:s5+s2], $0x80, v4, vm0, $0xb8;
	[tilespmem:$0x10100] =	vst v63  }
0xec: {  	_ = 	snop  }
0xed: {  	[tilespmem:s26], [sflag:$0x1] =	stream.indirect_vreg.gather [hbm4b:s6+s2], $0x80, v4, vm0, $0xb8;
	[tilespmem:$0x10100] =	vst v63  }
0xee: {  	_ = 	snop  }
0xef: {  	[tilespmem:s28], [sflag:$0x1] =	stream.indirect_vreg.gather [hbm4b:s3+s2], $0x80, v3, vm0, $0xb8;
	[tilespmem:$0x10100] =	vst v63  }
0xf0: {  	_ = 	snop  }
0xf1: {  	[tilespmem:s29], [sflag:$0x1] =	stream.indirect_vreg.gather [hbm4b:s4+s2], $0x80, v3, vm0, $0xb8;
	[tilespmem:$0x10100] =	vst v63  }
0xf2: {  	_ = 	snop  }
0xf3: {  	[tilespmem:s30], [sflag:$0x1] =	stream.indirect_vreg.gather [hbm4b:s5+s2], $0x80, v3, vm0, $0xb8;
	[tilespmem:$0x10100] =	vst v63  }
0xf4: {  	_ = 	snop  }
0xf5: {  	[tilespmem:s31], [sflag:$0x1] =	stream.indirect_vreg.gather [hbm4b:s6+s2], $0x80, v3, vm0, $0xb8;
	[tilespmem:$0x10100] =	vst v63  }
0xf6: {  	v3 =	vld [tilespmem:$0x50];
	_ =	sdelay $0x4  }
0xf7: {  	v57 =	vshll.u32 v3, $0x3  }
0xf8: {  	v3 =	vand.u32 $0x7, v3;
	v4 =	vand.u32 $0xFFFFFFC0, v57  }
0xf9: {  	v3 =	vor.u32 v3, v4  }
0xfa: {  	v4 =	vperm.xlane v3, v0;
	_ =	sdelay $0x1  }
0xfb: {  	v4 =	vadd.s32 v1, v4;
	_ =	sdelay $0x4  }
0xfc: {  	[tilespmem:s1], [sflag:$0x1] =	stream.indirect_vreg.gather [hbm4b:s3+s2], $0x80, v4, vm0, $0xb8;
	[tilespmem:$0x10100] =	vst v63  }
0xfd: {  	v3 =	vperm.xlane v3, v2  }
0xfe: {  	[tilespmem:s16], [sflag:$0x1] =	stream.indirect_vreg.gather [hbm4b:s4+s2], $0x80, v4, vm0, $0xb8;
	[tilespmem:$0x10100] =	vst v63  }
0xff: {  	v3 =	vadd.s32 v1, v3  }
0x100: {  	[tilespmem:s10], [sflag:$0x1] =	stream.indirect_vreg.gather [hbm4b:s5+s2], $0x80, v4, vm0, $0xb8;
	[tilespmem:$0x10100] =	vst v63  }
0x101: {  	_ = 	snop  }
0x102: {  	[tilespmem:s11], [sflag:$0x1] =	stream.indirect_vreg.gather [hbm4b:s6+s2], $0x80, v4, vm0, $0xb8;
	[tilespmem:$0x10100] =	vst v63  }
0x103: {  	_ = 	snop  }
0x104: {  	[tilespmem:s12], [sflag:$0x1] =	stream.indirect_vreg.gather [hbm4b:s3+s2], $0x80, v3, vm0, $0xb8;
	[tilespmem:$0x10100] =	vst v63  }
0x105: {  	_ = 	snop  }
0x106: {  	[tilespmem:s13], [sflag:$0x1] =	stream.indirect_vreg.gather [hbm4b:s4+s2], $0x80, v3, vm0, $0xb8;
	[tilespmem:$0x10100] =	vst v63  }
0x107: {  	_ = 	snop  }
0x108: {  	[tilespmem:s14], [sflag:$0x1] =	stream.indirect_vreg.gather [hbm4b:s5+s2], $0x80, v3, vm0, $0xb8;
	[tilespmem:$0x10100] =	vst v63  }
0x109: {  	_ = 	snop  }
0x10a: {  	[tilespmem:s15], [sflag:$0x1] =	stream.indirect_vreg.gather [hbm4b:s6+s2], $0x80, v3, vm0, $0xb8;
	[tilespmem:$0x10100] =	vst v63  }
0x10b: {  	_ =	swait.ge [sflag:s20], $0x8000  }
0x10c: {  	[sflag:s20] =	ssyncset.done $0x0  }
0x10d: {  	s8 =	rddreg [dreg:$0x8];
	[sflag:s20] =	ssyncadd.s32 $0xFFFF8000  }
0x10e: {  	[hbm4b:s8+s2] =	stream.linear.scatter [tilespmem:s25], [sflag:$0x4], $0x8000, $0x38;
	[tilespmem:$0x10100] =	vst v63  }
0x10f: {  	_ =	swait.ge [sflag:s21], $0x8000  }
0x110: {  	[sflag:s21] =	ssyncset.done $0x0  }
0x111: {  	[sflag:s21] =	ssyncadd.s32 $0xFFFF8000  }
0x112: {  	v3 =	vld [tilespmem:$0xC0];
	_ =	sdelay $0x4  }
0x113: {  	v58 =	vshll.u32 v3, $0x3  }
0x114: {  	v3 =	vand.u32 $0x7, v3;
	v4 =	vand.u32 $0xFFFFFFC0, v58  }
0x115: {  	v3 =	vor.u32 v3, v4  }
0x116: {  	v4 =	vperm.xlane v3, v0;
	_ =	sdelay $0x1  }
0x117: {  	v4 =	vadd.s32 v1, v4;
	_ =	sdelay $0x4  }
0x118: {  	[tilespmem:s25], [sflag:$0x2] =	stream.indirect_vreg.gather [hbm4b:s3+s2], $0x80, v4, vm0, $0xb8;
	[tilespmem:$0x10100] =	vst v63  }
0x119: {  	s17 =	simm.s32 $0x8900;
	v3 =	vperm.xlane v3, v2  }
0x11a: {  	[tilespmem:s17], [sflag:$0x2] =	stream.indirect_vreg.gather [hbm4b:s4+s2], $0x80, v4, vm0, $0xb8;
	[tilespmem:$0x10100] =	vst v63  }
0x11b: {  	v3 =	vadd.s32 v1, v3  }
0x11c: {  	[tilespmem:s0], [sflag:$0x2] =	stream.indirect_vreg.gather [hbm4b:s5+s2], $0x80, v4, vm0, $0xb8;
	[tilespmem:$0x10100] =	vst v63  }
0x11d: {  	s22 =	simm.s32 $0x9900  }
0x11e: {  	[tilespmem:s22], [sflag:$0x2] =	stream.indirect_vreg.gather [hbm4b:s6+s2], $0x80, v4, vm0, $0xb8;
	[tilespmem:$0x10100] =	vst v63  }
0x11f: {  	s17 =	simm.s32 $0xA100  }
0x120: {  	[tilespmem:s17], [sflag:$0x2] =	stream.indirect_vreg.gather [hbm4b:s3+s2], $0x80, v3, vm0, $0xb8;
	[tilespmem:$0x10100] =	vst v63  }
0x121: {  	s22 =	simm.s32 $0xA900  }
0x122: {  	[tilespmem:s22], [sflag:$0x2] =	stream.indirect_vreg.gather [hbm4b:s4+s2], $0x80, v3, vm0, $0xb8;
	[tilespmem:$0x10100] =	vst v63  }
0x123: {  	s22 =	simm.s32 $0xB100  }
0x124: {  	[tilespmem:s22], [sflag:$0x2] =	stream.indirect_vreg.gather [hbm4b:s5+s2], $0x80, v3, vm0, $0xb8;
	[tilespmem:$0x10100] =	vst v63  }
0x125: {  	s22 =	simm.s32 $0xB900  }
0x126: {  	[tilespmem:s22], [sflag:$0x2] =	stream.indirect_vreg.gather [hbm4b:s6+s2], $0x80, v3, vm0, $0xb8;
	[tilespmem:$0x10100] =	vst v63  }
0x127: {  	v3 =	vld [tilespmem:$0xD0];
	_ =	sdelay $0x4  }
0x128: {  	v59 =	vshll.u32 v3, $0x3  }
0x129: {  	v3 =	vand.u32 $0x7, v3;
	v4 =	vand.u32 $0xFFFFFFC0, v59  }
0x12a: {  	v3 =	vor.u32 v3, v4  }
0x12b: {  	v4 =	vperm.xlane v3, v0;
	_ =	sdelay $0x1  }
0x12c: {  	v4 =	vadd.s32 v1, v4;
	_ =	sdelay $0x3  }
0x12d: {  	s22 =	simm.s32 $0xC100  }
0x12e: {  	[tilespmem:s22], [sflag:$0x2] =	stream.indirect_vreg.gather [hbm4b:s3+s2], $0x80, v4, vm0, $0xb8;
	[tilespmem:$0x10100] =	vst v63  }
0x12f: {  	v3 =	vperm.xlane v3, v2;
	s22 =	simm.s32 $0xC900  }
0x130: {  	[tilespmem:s22], [sflag:$0x2] =	stream.indirect_vreg.gather [hbm4b:s4+s2], $0x80, v4, vm0, $0xb8;
	[tilespmem:$0x10100] =	vst v63  }
0x131: {  	v3 =	vadd.s32 v1, v3;
	s22 =	simm.s32 $0xD100  }
0x132: {  	[tilespmem:s22], [sflag:$0x2] =	stream.indirect_vreg.gather [hbm4b:s5+s2], $0x80, v4, vm0, $0xb8;
	[tilespmem:$0x10100] =	vst v63  }
0x133: {  	s22 =	simm.s32 $0xD900  }
0x134: {  	[tilespmem:s22], [sflag:$0x2] =	stream.indirect_vreg.gather [hbm4b:s6+s2], $0x80, v4, vm0, $0xb8;
	[tilespmem:$0x10100] =	vst v63  }
0x135: {  	s22 =	simm.s32 $0xE100  }
0x136: {  	[tilespmem:s22], [sflag:$0x2] =	stream.indirect_vreg.gather [hbm4b:s3+s2], $0x80, v3, vm0, $0xb8;
	[tilespmem:$0x10100] =	vst v63  }
0x137: {  	s22 =	simm.s32 $0xE900  }
0x138: {  	[tilespmem:s22], [sflag:$0x2] =	stream.indirect_vreg.gather [hbm4b:s4+s2], $0x80, v3, vm0, $0xb8;
	[tilespmem:$0x10100] =	vst v63  }
0x139: {  	s22 =	simm.s32 $0xF100  }
0x13a: {  	[tilespmem:s22], [sflag:$0x2] =	stream.indirect_vreg.gather [hbm4b:s5+s2], $0x80, v3, vm0, $0xb8;
	[tilespmem:$0x10100] =	vst v63  }
0x13b: {  	s22 =	simm.s32 $0xF900  }
0x13c: {  	[tilespmem:s22], [sflag:$0x2] =	stream.indirect_vreg.gather [hbm4b:s6+s2], $0x80, v3, vm0, $0xb8;
	[tilespmem:$0x10100] =	vst v63  }
0x13d: {  	_ =	swait.ge [sflag:s18], $0x8000  }
0x13e: {  	[sflag:s18] =	ssyncset.done $0x0  }
0x13f: {  	s22 =	rddreg [dreg:$0x9];
	[sflag:s18] =	ssyncadd.s32 $0xFFFF8000  }
0x140: {  	[hbm4b:s22+s2] =	stream.linear.scatter [tilespmem:s9], [sflag:$0x3], $0x8000, $0x38;
	[tilespmem:$0x10100] =	vst v63  }
0x141: {  	_ =	swait.ge [sflag:s19], $0x8000  }
0x142: {  	[sflag:s19] =	ssyncset.done $0x0  }
0x143: {  	[sflag:s19] =	ssyncadd.s32 $0xFFFF8000  }
0x144: {  	v3 =	vld [tilespmem:$0x60];
	_ =	sdelay $0x4  }
0x145: {  	v60 =	vshll.u32 v3, $0x3  }
0x146: {  	v3 =	vand.u32 $0x7, v3;
	v4 =	vand.u32 $0xFFFFFFC0, v60  }
0x147: {  	v3 =	vor.u32 v3, v4  }
0x148: {  	v4 =	vperm.xlane v3, v0;
	_ =	sdelay $0x1  }
0x149: {  	v4 =	vadd.s32 v1, v4;
	_ =	sdelay $0x4  }
0x14a: {  	[tilespmem:s9], [sflag:$0x1] =	stream.indirect_vreg.gather [hbm4b:s3+s2], $0x80, v4, vm0, $0xb8;
	[tilespmem:$0x10100] =	vst v63  }
0x14b: {  	v3 =	vperm.xlane v3, v2  }
0x14c: {  	[tilespmem:s23], [sflag:$0x1] =	stream.indirect_vreg.gather [hbm4b:s4+s2], $0x80, v4, vm0, $0xb8;
	[tilespmem:$0x10100] =	vst v63  }
0x14d: {  	v3 =	vadd.s32 v1, v3  }
0x14e: {  	[tilespmem:s24], [sflag:$0x1] =	stream.indirect_vreg.gather [hbm4b:s5+s2], $0x80, v4, vm0, $0xb8;
	[tilespmem:$0x10100] =	vst v63  }
0x14f: {  	_ = 	snop  }
0x150: {  	[tilespmem:s26], [sflag:$0x1] =	stream.indirect_vreg.gather [hbm4b:s6+s2], $0x80, v4, vm0, $0xb8;
	[tilespmem:$0x10100] =	vst v63  }
0x151: {  	_ = 	snop  }
0x152: {  	[tilespmem:s28], [sflag:$0x1] =	stream.indirect_vreg.gather [hbm4b:s3+s2], $0x80, v3, vm0, $0xb8;
	[tilespmem:$0x10100] =	vst v63  }
0x153: {  	_ = 	snop  }
0x154: {  	[tilespmem:s29], [sflag:$0x1] =	stream.indirect_vreg.gather [hbm4b:s4+s2], $0x80, v3, vm0, $0xb8;
	[tilespmem:$0x10100] =	vst v63  }
0x155: {  	_ = 	snop  }
0x156: {  	[tilespmem:s30], [sflag:$0x1] =	stream.indirect_vreg.gather [hbm4b:s5+s2], $0x80, v3, vm0, $0xb8;
	[tilespmem:$0x10100] =	vst v63  }
0x157: {  	_ = 	snop  }
0x158: {  	[tilespmem:s31], [sflag:$0x1] =	stream.indirect_vreg.gather [hbm4b:s6+s2], $0x80, v3, vm0, $0xb8;
	[tilespmem:$0x10100] =	vst v63  }
0x159: {  	v3 =	vld [tilespmem:$0x70];
	_ =	sdelay $0x4  }
0x15a: {  	v61 =	vshll.u32 v3, $0x3  }
0x15b: {  	v3 =	vand.u32 $0x7, v3;
	v4 =	vand.u32 $0xFFFFFFC0, v61  }
0x15c: {  	v3 =	vor.u32 v3, v4  }
0x15d: {  	v4 =	vperm.xlane v3, v0;
	_ =	sdelay $0x1  }
0x15e: {  	v4 =	vadd.s32 v1, v4;
	_ =	sdelay $0x4  }
0x15f: {  	[tilespmem:s1], [sflag:$0x1] =	stream.indirect_vreg.gather [hbm4b:s3+s2], $0x80, v4, vm0, $0xb8;
	[tilespmem:$0x10100] =	vst v63  }
0x160: {  	v3 =	vperm.xlane v3, v2  }
0x161: {  	[tilespmem:s16], [sflag:$0x1] =	stream.indirect_vreg.gather [hbm4b:s4+s2], $0x80, v4, vm0, $0xb8;
	[tilespmem:$0x10100] =	vst v63  }
0x162: {  	v3 =	vadd.s32 v1, v3  }
0x163: {  	[tilespmem:s10], [sflag:$0x1] =	stream.indirect_vreg.gather [hbm4b:s5+s2], $0x80, v4, vm0, $0xb8;
	[tilespmem:$0x10100] =	vst v63  }
0x164: {  	_ = 	snop  }
0x165: {  	[tilespmem:s11], [sflag:$0x1] =	stream.indirect_vreg.gather [hbm4b:s6+s2], $0x80, v4, vm0, $0xb8;
	[tilespmem:$0x10100] =	vst v63  }
0x166: {  	_ = 	snop  }
0x167: {  	[tilespmem:s12], [sflag:$0x1] =	stream.indirect_vreg.gather [hbm4b:s3+s2], $0x80, v3, vm0, $0xb8;
	[tilespmem:$0x10100] =	vst v63  }
0x168: {  	_ = 	snop  }
0x169: {  	[tilespmem:s13], [sflag:$0x1] =	stream.indirect_vreg.gather [hbm4b:s4+s2], $0x80, v3, vm0, $0xb8;
	[tilespmem:$0x10100] =	vst v63  }
0x16a: {  	_ = 	snop  }
0x16b: {  	[tilespmem:s14], [sflag:$0x1] =	stream.indirect_vreg.gather [hbm4b:s5+s2], $0x80, v3, vm0, $0xb8;
	[tilespmem:$0x10100] =	vst v63  }
0x16c: {  	_ = 	snop  }
0x16d: {  	[tilespmem:s15], [sflag:$0x1] =	stream.indirect_vreg.gather [hbm4b:s6+s2], $0x80, v3, vm0, $0xb8;
	[tilespmem:$0x10100] =	vst v63  }
0x16e: {  	_ =	swait.ge [sflag:s20], $0x8000  }
0x16f: {  	[sflag:s20] =	ssyncset.done $0x0  }
0x170: {  	s1 =	rddreg [dreg:$0xa];
	[sflag:s20] =	ssyncadd.s32 $0xFFFF8000  }
0x171: {  	[hbm4b:s1+s2] =	stream.linear.scatter [tilespmem:s25], [sflag:$0x4], $0x8000, $0x38;
	[tilespmem:$0x10100] =	vst v63  }
0x172: {  	_ =	swait.ge [sflag:s21], $0x8000  }
0x173: {  	[sflag:s21] =	ssyncset.done $0x0  }
0x174: {  	[sflag:s21] =	ssyncadd.s32 $0xFFFF8000  }
0x175: {  	v3 =	vld [tilespmem:$0xE0];
	_ =	sdelay $0x4  }
0x176: {  	v62 =	vshll.u32 v3, $0x3  }
0x177: {  	v3 =	vand.u32 $0x7, v3;
	v4 =	vand.u32 $0xFFFFFFC0, v62  }
0x178: {  	v3 =	vor.u32 v3, v4  }
0x179: {  	v4 =	vperm.xlane v3, v0;
	_ =	sdelay $0x1  }
0x17a: {  	v4 =	vadd.s32 v1, v4;
	_ =	sdelay $0x4  }
0x17b: {  	[tilespmem:s25], [sflag:$0x2] =	stream.indirect_vreg.gather [hbm4b:s3+s2], $0x80, v4, vm0, $0xb8;
	[tilespmem:$0x10100] =	vst v63  }
0x17c: {  	s23 =	simm.s32 $0x8900;
	v3 =	vperm.xlane v3, v2  }
0x17d: {  	[tilespmem:s23], [sflag:$0x2] =	stream.indirect_vreg.gather [hbm4b:s4+s2], $0x80, v4, vm0, $0xb8;
	[tilespmem:$0x10100] =	vst v63  }
0x17e: {  	s0 =	simm.s32 $0x9100;
	v3 =	vadd.s32 v1, v3  }
0x17f: {  	[tilespmem:s0], [sflag:$0x2] =	stream.indirect_vreg.gather [hbm4b:s5+s2], $0x80, v4, vm0, $0xb8;
	[tilespmem:$0x10100] =	vst v63  }
0x180: {  	s1 =	simm.s32 $0x9900  }
0x181: {  	[tilespmem:s1], [sflag:$0x2] =	stream.indirect_vreg.gather [hbm4b:s6+s2], $0x80, v4, vm0, $0xb8;
	[tilespmem:$0x10100] =	vst v63  }
0x182: {  	s8 =	simm.s32 $0xA100  }
0x183: {  	[tilespmem:s8], [sflag:$0x2] =	stream.indirect_vreg.gather [hbm4b:s3+s2], $0x80, v3, vm0, $0xb8;
	[tilespmem:$0x10100] =	vst v63  }
0x184: {  	s17 =	simm.s32 $0xA900  }
0x185: {  	[tilespmem:s17], [sflag:$0x2] =	stream.indirect_vreg.gather [hbm4b:s4+s2], $0x80, v3, vm0, $0xb8;
	[tilespmem:$0x10100] =	vst v63  }
0x186: {  	s17 =	simm.s32 $0xB100  }
0x187: {  	[tilespmem:s17], [sflag:$0x2] =	stream.indirect_vreg.gather [hbm4b:s5+s2], $0x80, v3, vm0, $0xb8;
	[tilespmem:$0x10100] =	vst v63  }
0x188: {  	s22 =	simm.s32 $0xB900  }
0x189: {  	[tilespmem:s22], [sflag:$0x2] =	stream.indirect_vreg.gather [hbm4b:s6+s2], $0x80, v3, vm0, $0xb8;
	[tilespmem:$0x10100] =	vst v63  }
0x18a: {  	v3 =	vld [tilespmem:$0xF0];
	_ =	sdelay $0x4  }
0x18b: {  	v63 =	vshll.u32 v3, $0x3  }
0x18c: {  	v3 =	vand.u32 $0x7, v3;
	v4 =	vand.u32 $0xFFFFFFC0, v63  }
0x18d: {  	v3 =	vor.u32 v3, v4  }
0x18e: {  	v4 =	vperm.xlane v3, v0;
	_ =	sdelay $0x1  }
0x18f: {  	v4 =	vadd.s32 v1, v4;
	_ =	sdelay $0x3  }
0x190: {  	s23 =	simm.s32 $0xC100  }
0x191: {  	[tilespmem:s23], [sflag:$0x2] =	stream.indirect_vreg.gather [hbm4b:s3+s2], $0x80, v4, vm0, $0xb8;
	[tilespmem:$0x10100] =	vst v63  }
0x192: {  	s1 =	simm.s32 $0xC900;
	v3 =	vperm.xlane v3, v2  }
0x193: {  	[tilespmem:s1], [sflag:$0x2] =	stream.indirect_vreg.gather [hbm4b:s4+s2], $0x80, v4, vm0, $0xb8;
	[tilespmem:$0x10100] =	vst v63  }
0x194: {  	s8 =	simm.s32 $0xD100;
	v3 =	vadd.s32 v1, v3  }
0x195: {  	[tilespmem:s8], [sflag:$0x2] =	stream.indirect_vreg.gather [hbm4b:s5+s2], $0x80, v4, vm0, $0xb8;
	[tilespmem:$0x10100] =	vst v63  }
0x196: {  	s17 =	simm.s32 $0xD900  }
0x197: {  	[tilespmem:s17], [sflag:$0x2] =	stream.indirect_vreg.gather [hbm4b:s6+s2], $0x80, v4, vm0, $0xb8;
	[tilespmem:$0x10100] =	vst v63  }
0x198: {  	s22 =	simm.s32 $0xE100  }
0x199: {  	[tilespmem:s22], [sflag:$0x2] =	stream.indirect_vreg.gather [hbm4b:s3+s2], $0x80, v3, vm0, $0xb8;
	[tilespmem:$0x10100] =	vst v63  }
0x19a: {  	s23 =	simm.s32 $0xE900  }
0x19b: {  	[tilespmem:s23], [sflag:$0x2] =	stream.indirect_vreg.gather [hbm4b:s4+s2], $0x80, v3, vm0, $0xb8;
	[tilespmem:$0x10100] =	vst v63  }
0x19c: {  	s1 =	simm.s32 $0xF100  }
0x19d: {  	[tilespmem:s1], [sflag:$0x2] =	stream.indirect_vreg.gather [hbm4b:s5+s2], $0x80, v3, vm0, $0xb8;
	[tilespmem:$0x10100] =	vst v63  }
0x19e: {  	s8 =	simm.s32 $0xF900  }
0x19f: {  	[tilespmem:s8], [sflag:$0x2] =	stream.indirect_vreg.gather [hbm4b:s6+s2], $0x80, v3, vm0, $0xb8;
	[tilespmem:$0x10100] =	vst v63  }
0x1a0: {  	_ =	swait.ge [sflag:s18], $0x8000  }
0x1a1: {  	[sflag:s18] =	ssyncset.done $0x0  }
0x1a2: {  	s17 =	rddreg [dreg:$0xb];
	[sflag:s18] =	ssyncadd.s32 $0xFFFF8000  }
0x1a3: {  	[hbm4b:s17+s2] =	stream.linear.scatter [tilespmem:s9], [sflag:$0x3], $0x8000, $0x38;
	[tilespmem:$0x10100] =	vst v63  }
0x1a4: {  	_ =	swait.ge [sflag:s20], $0x8000  }
0x1a5: {  	[sflag:s20] =	ssyncset.done $0x0  }
0x1a6: {  	s23 =	rddreg [dreg:$0xc];
	[sflag:s20] =	ssyncadd.s32 $0xFFFF8000  }
0x1a7: {  	[hbm4b:s23+s2] =	stream.linear.scatter [tilespmem:s25], [sflag:$0x4], $0x8000, $0x38;
	[tilespmem:$0x10100] =	vst v63  }
0x1a8: {  	p0 =	sne.s32 s7, $0x1;
	_ =	swait.ge [sflag:s19], $0x8000  }
.Ltmp0:
0x1a9: {  	[sflag:s19] =	ssyncset.done $0x0;
	(pc) =	sbr.rel @p0 .LBB2_1-.Ltmp0, $4  }
0x1aa: {  	[sflag:s19] =	ssyncadd.s32 $0xFFFF8000  }
0x1ab: {  	_ =	swait.ge [sflag:s21], $0x8000  }
0x1ac: {  	[sflag:s21] =	ssyncset.done $0x0  }
0x1ad: {  	s7 =	sadd.s32 $0xFFFFFFFF, s7;
	[sflag:s21] =	ssyncadd.s32 $0xFFFF8000  }
0x1ae: {  	_ =	sfence.sel $0x180000  }
0x1af: {  	[bflag:$0x0] =	sbarrier.arrive $0xFFFF  }
0x1b0: {  	_ =	strace $0x9000004A  }
0x1b1: {  	s0 =	stileid.u32;
	[bflag:$0x2] =	sbarrier.arrive $0xFFFF  }
0x1b2: {  	p0 =	sne.s32 s0, $0x0;
	s0 =	rddreg [dreg:$0x2]  }
0x1b3: {  	s0 =	sadd.s32 @!p0 $0x100000, s0  }
0x1b4: {  	[sflag:s0] =	ssyncadd.tile.s32 @!p0 $0x1;
	_ =	shalt  }
.Lfunc_end2:
_tile_overlayer_lowered:
.L_overlay_start_2:
0x1b5: {  	(tag) =	ssettag $0x2  }
0x1b6: {  	s0 =	rddreg [dreg:$0x0];
	s2 =	stileid.u32  }
0x1b7: {  	s1 =	rddreg [dreg:$0x1];
	p0 =	sne.s32 s2, $0x0  }
0x1b8: {  	s3 =	rddreg [dreg:$0x2];
	[bflag:$0x3] =	sbarrier.arrive $0xFFFF;
	s2 =	simm.s32 @!p0 $0x1C05  }
0x1b9: {  	[timem:s3], [sflag:s2] =	dma.local @!p0 [hbm:s0], s1  }
0x1ba: {  	s0 =	simm.s32 @!p0 $0x5  }
0x1bb: {  	_ =	swait.ge @!p0 [sflag:s0], s1  }
0x1bc: {  	s1 =	ssub.s32 @!p0 $0x0, s1;
	[sflag:s0] =	ssyncset.done @!p0 $0x0  }
0x1bd: {  	[sflag:s0] =	ssyncadd.s32 @!p0 s1  }
0x1be: {  	[bflag:$0x3] =	sbarrier.arrive $0xFFFF  }
0x1bf: {  	_ =	shalt  }

// kernel: kernel.7.cloned.1.call-start
scs
__scs_entry_jumppad:
0x0: {  	(pc) =	sbr.rel $0x88, $3  }
0x1: {  	(tag) =	ssettag $0x0;
	lr =	simm.s32 $0x1  }
0x2: {  	[smem:$0x3F9C] =	sst lr;
	_ =	strace $0xD0000000  }
0x3: {  	_ = 	snop  }
0x4: {  	_ = 	snop  }
0x5: {  	_ = 	snop  }
0x6: {  	_ = 	snop  }
0x7: {  	_ = 	snop  }
__scs_overlays_trampoline_lowered:
0x8: {  	[smem:$0x3FAB] =	sst s0  }
0x9: {  	[smem:$0x3FAC] =	sst s1  }
0xa: {  	[smem:$0x3FAD] =	sst s2  }
0xb: {  	[smem:$0x3FAE] =	sst s3  }
0xc: {  	[smem:$0x3FAF] =	sst s4  }
0xd: {  	[smem:$0x3FB0] =	sst s5  }
0xe: {  	[smem:$0x3FB1] =	sst s6  }
0xf: {  	[smem:$0x3FB2] =	sst s7  }
0x10: {  	[smem:$0x3FB3] =	sst s8  }
0x11: {  	[smem:$0x3FB4] =	sst s9;
	s0 =	simm.s32 @!p0 $0x0  }
0x12: {  	s1 =	sld [smem:$0x3F9A];
	s0 =	simm.s32 @p0 $0x1  }
0x13: {  	[smem:$0x3FB5] =	sst s0;
	s0 =	simm.s32 @!p1 $0x0  }
0x14: {  	s2 =	sld [smem:$0x3F99];
	s0 =	simm.s32 @p1 $0x1  }
0x15: {  	[smem:$0x3FB6] =	sst s0;
	s0 =	simm.s32 @!p2 $0x0  }
0x16: {  	s3 =	sld [smem:$0x3FDB];
	s0 =	simm.s32 @p2 $0x1  }
0x17: {  	s4 =	simm.s32 $0x1BF5;
	[smem:$0x3FB8] =	sst s0  }
0x18: {  	s0 =	sld [smem:$0x3F9B];
	_ =	swait.ge [sflag:s4], $0x0  }
0x19: {  	s7 =	sld [smem:$0x3F9C]  }
0x1a: {  	s8 =	sadd.s32 $0xFFFFE003, lr  }
0x1b: {  	s9 =	sadd.s32 $0xFFFFFEF7, lr;
	s5 =	simm.s32 $0xFFFFFFFF;
	p2 =	slt.u32 s8, $0xFFFFF086  }
0x1c: {  	p1 =	slt.u32 s9, $0xF7A;
	s5 =	simm.s32 @!p2 $0x0  }
0x1d: {  	s5 =	simm.s32 @p1 $0x1;
	p0 =	seq.s32 s7, s2  }
0x1e: {  	s7 =	smul.u32 @!p0 $0xF7A, s2;
	p2 =	seq.s32 @!p0 s5, $0x0  }
0x1f: {  	s9 =	smul.u32 $0xF7A, s1;
	s8 =	simm.s32 @!p0 $0x1BF5;
	p2 =	por !p2, p0  }
0x20: {  	[sflag:s8] =	ssyncset.s32 @!p0 $0xFFFFF086;
	s6 =	sadd.s32 @!p0 s3, s7;
	s7 =	simm.s32 @!p0 $0x108  }
0x21: {  	s3 =	sadd.s32 s3, s9;
	s6 =	sadd.s32 @!p0 $0x88, s6;
	s7 =	simm.s32 @p2 $0x1082  }
0x22: {  	[simem:s7], [sflag:s8] =	dma.local @!p0 [hbm:s6], $0xF7A  }
0x23: {  	s9 =	sor.u32 $0xD0000000, s2;
	s6 =	simm.s32 $0x108;
	_ =	swait.ge @!p0 [sflag:s8], $0x0  }
0x24: {  	s3 =	sadd.s32 $0x88, s3;
	s6 =	simm.s32 @!p1 $0x1082;
	[sflag:s4] =	ssyncset.s32 $0xFFFFF086  }
0x25: {  	[simem:s6], [sflag:s4] =	dma.local [hbm:s3], $0xF7A  }
0x26: {  	[smem:$0x3F9C] =	sst s1;
	(tag) =	ssettag s2;
	_ =	strace s9  }
0x27: {  	s1 =	sld [smem:$0x3FAC]  }
0x28: {  	s2 =	sld [smem:$0x3FAD]  }
0x29: {  	s4 =	sld [smem:$0x3FAF]  }
0x2a: {  	p0 =	seq.s32 s5, $0x0;
	s5 =	sld [smem:$0x3FB0]  }
0x2b: {  	s6 =	sld [smem:$0x3FB1]  }
0x2c: {  	s7 =	sld [smem:$0x3FB2]  }
0x2d: {  	s3 =	simm.s32 $0x108;
	s8 =	sld [smem:$0x3FB3]  }
0x2e: {  	s3 =	simm.s32 @!p0 $0x1082;
	s9 =	sld [smem:$0x3FB4]  }
0x2f: {  	lr =	sadd.s32 s0, s3;
	s0 =	sld [smem:$0x3FAB]  }
0x30: {  	s3 =	sld [smem:$0x3FAE]  }
0x31: {  	[smem:$0x3FB7] =	sst s10  }
0x32: {  	s10 =	sld [smem:$0x3FB5];
	_ =	sdelay $0x3  }
0x33: {  	p0 =	seq.s32 s10, $0x1;
	s10 =	sld [smem:$0x3FB7];
	_ =	sdelay $0x3  }
0x34: {  	[smem:$0x3FB7] =	sst s10  }
0x35: {  	s10 =	sld [smem:$0x3FB6];
	_ =	sdelay $0x3  }
0x36: {  	p1 =	seq.s32 s10, $0x1;
	s10 =	sld [smem:$0x3FB7];
	_ =	sdelay $0x3  }
0x37: {  	[smem:$0x3FB7] =	sst s10  }
0x38: {  	s10 =	sld [smem:$0x3FB8]  }
0x39: {  	_ = 	snop;
	(pc) =	sbr.ind lr, $3  }
0x3a: {  	_ = 	snop  }
0x3b: {  	_ = 	snop  }
0x3c: {  	p2 =	seq.s32 s10, $0x1;
	s10 =	sld [smem:$0x3FB7]  }
0x3d: {  	_ =	shalt  }
0x3e: {  	_ =	shalt  }
0x3f: {  	_ =	shalt  }
0x40: {  	_ =	shalt  }
0x41: {  	_ =	shalt  }
0x42: {  	_ =	shalt  }
0x43: {  	_ =	shalt  }
0x44: {  	_ =	shalt  }
0x45: {  	_ =	shalt  }
0x46: {  	_ =	shalt  }
0x47: {  	_ =	shalt  }
0x48: {  	_ =	shalt  }
0x49: {  	_ =	shalt  }
0x4a: {  	_ =	shalt  }
0x4b: {  	_ =	shalt  }
0x4c: {  	_ =	shalt  }
0x4d: {  	_ =	shalt  }
0x4e: {  	_ =	shalt  }
0x4f: {  	_ =	shalt  }
0x50: {  	_ =	shalt  }
0x51: {  	_ =	shalt  }
0x52: {  	_ =	shalt  }
0x53: {  	_ =	shalt  }
0x54: {  	_ =	shalt  }
0x55: {  	_ =	shalt  }
0x56: {  	_ =	shalt  }
0x57: {  	_ =	shalt  }
0x58: {  	_ =	shalt  }
0x59: {  	_ =	shalt  }
0x5a: {  	_ =	shalt  }
0x5b: {  	_ =	shalt  }
0x5c: {  	_ =	shalt  }
0x5d: {  	_ =	shalt  }
0x5e: {  	_ =	shalt  }
0x5f: {  	_ =	shalt  }
0x60: {  	_ =	shalt  }
0x61: {  	_ =	shalt  }
0x62: {  	_ =	shalt  }
0x63: {  	_ =	shalt  }
0x64: {  	_ =	shalt  }
0x65: {  	_ =	shalt  }
0x66: {  	_ =	shalt  }
0x67: {  	_ =	shalt  }
0x68: {  	_ =	shalt  }
0x69: {  	_ =	shalt  }
0x6a: {  	_ =	shalt  }
0x6b: {  	_ =	shalt  }
0x6c: {  	_ =	shalt  }
0x6d: {  	_ =	shalt  }
0x6e: {  	_ =	shalt  }
0x6f: {  	_ =	shalt  }
0x70: {  	_ =	shalt  }
0x71: {  	_ =	shalt  }
0x72: {  	_ =	shalt  }
0x73: {  	_ =	shalt  }
0x74: {  	_ =	shalt  }
0x75: {  	_ =	shalt  }
0x76: {  	_ =	shalt  }
0x77: {  	_ =	shalt  }
0x78: {  	_ =	shalt  }
0x79: {  	_ =	shalt  }
0x7a: {  	_ =	shalt  }
0x7b: {  	_ =	shalt  }
0x7c: {  	_ =	shalt  }
0x7d: {  	_ =	shalt  }
0x7e: {  	_ =	shalt  }
0x7f: {  	_ =	shalt  }
0x80: {  	_ =	shalt  }
0x81: {  	_ =	shalt  }
0x82: {  	_ =	shalt  }
0x83: {  	_ =	shalt  }
0x84: {  	_ =	shalt  }
0x85: {  	_ =	shalt  }
0x86: {  	_ =	shalt  }
0x87: {  	_ =	shalt  }
.Lfunc_end0:
.L_simem_size_0:
called_computation_lowered:
.L_overlay_start_0:
0x88: {  	s2 =	sld [smem:$0x3FD9]  }
0x89: {  	s3 =	sld [smem:$0x3FFE];
	_ =	sdelay $0x1  }
0x8a: {  	s1 =	srdreg.scid  }
0x8b: {  	s0 =	sand.u32 $0x1, s1  }
0x8c: {  	s17 =	sshll.u32 s0, $0xA;
	s2 =	sadd.s32 s3, s2  }
0x8d: {  	s2 =	sadd.s32 s2, s17  }
0x8e: {  	[smem:$0x3FC3] =	sst s2  }
0x8f: {  	_ = 	snop  }
0x90: {  	s2 =	sld [smem:$0x3FC9];
	(tm) =	ssettm $0x1  }
0x91: {  	s18 =	sld [smem:$0x3FFB];
	_ =	sdelay $0x3  }
0x92: {  	_ =	strace s18  }
0x93: {  	s3 =	sld [smem:$0x3FFC];
	_ =	sdelay $0x3  }
0x94: {  	_ =	strace s3  }
0x95: {  	s3 =	sld [smem:$0x3FFD];
	_ =	sdelay $0x3  }
0x96: {  	_ =	strace s3  }
0x97: {  	_ =	strace $0x8FFFFFFF  }
0x98: {  	s19 =	sld [smem:$0x3FDB];
	_ =	sdelay $0x1  }
0x99: {  	s4 =	simm.s32 $_scs_section_size  }
0x9a: {  	s5 =	simm.s32 $_size__tile_overlayer_lowered;
	s6 =	simm.s32 $_tile_overlayer_lowered  }
0x9b: {  	s22 =	simm.s32 $0x1BFF;
	s21 =	sshll.u32 s6, $0x1;
	s3 =	sadd.s32 s4, s19  }
0x9c: {  	s7 =	simm.s32 $0x0;
	s20 =	sshll.u32 s5, $0x1;
	s5 =	sadd.s32 s21, s3  }
0x9d: {  	[timem:s7], [sflag:s22] =	dma.local [hbm:s5], s20  }
0x9e: {  	_ =	swait.ge [sflag:s22], s20  }
0x9f: {  	s4 =	ssub.s32 $0x0, s20;
	[sflag:s22] =	ssyncset.done $0x0  }
0xa0: {  	[sflag:s22] =	ssyncadd.s32 s4;
	_ =	sdelay $0x1  }
0xa1: {  	s23 =	simm.s32 $0x1B8B  }
0xa2: {  	_ =	swait.ge [sflag:s23], $0x1  }
0xa3: {  	[sflag:s23] =	ssyncset.done $0x0  }
0xa4: {  	s25 =	simm.s32 $0x1B8E;
	s24 =	sld [smem:$0x3FFE];
	[sflag:s23] =	ssyncadd.s32 $0xFFFFFFFF  }
0xa5: {  	s26 =	simm.s32 $execute0_lowered;
	[smem:$0x3FD2] =	sst s25  }
0xa6: {  	s5 =	sshll.u32 s26, $0x1;
	_ =	strace $0x80000046;
	[dreg:$0x1] =	wrdreg $0xFFFFFFFF  }
0xa7: {  	s28 =	simm.s32 $_size_execute0_lowered;
	s3 =	sadd.s32 s3, s5;
	[dreg:$0x0] =	wrdreg $0x0  }
0xa8: {  	s5 =	sshll.u32 s28, $0x1;
	[dreg:$0x2] =	wrdreg s3  }
0xa9: {  	[dreg:$0x3] =	wrdreg s5  }
0xaa: {  	[dreg:$0x4] =	wrdreg $0xC0  }
0xab: {  	_ =	task [dreg:s7], $0x5FFFF  }
0xac: {  	[dreg:$0x1] =	wrdreg $0xFFFFFFFF  }
0xad: {  	[dreg:$0x0] =	wrdreg $0x60  }
0xae: {  	[dreg:$0x2] =	wrdreg s2  }
0xaf: {  	[dreg:$0x3] =	wrdreg s24  }
0xb0: {  	[dreg:$0x4] =	wrdreg $0x9  }
0xb1: {  	_ =	task.clear_ibuf [dreg:s7], $0x5FFFF;
	_ =	strace $0x90000046  }
0xb2: {  	s29 =	simm.s32 $0x9;
	_ =	strace $0x80000048  }
0xb3: {  	_ =	swait.ge [sflag:s29], $0x1  }
0xb4: {  	[sflag:s29] =	ssyncadd.s32 $0xFFFFFFFF  }
0xb5: {  	_ =	strace $0x90000048  }
0xb6: {  	_ =	sfence  }
0xb7: {  	s30 =	sld [smem:$0x0];
	_ =	sdelay $0x2  }
0xb8: {  	s31 =	sshll.u32 s1, $0xD;
	s1 =	sshrl.u32 s1, $0x2  }
0xb9: {  	s3 =	sand.u32 $0x4000, s31;
	s1 =	sadd.s32 s1, s30  }
0xba: {  	s0 =	sor.u32 s3, s0;
	s1 =	sshll.u32 s1, $0x11  }
0xbb: {  	s0 =	sor.u32 s1, s0  }
0xbc: {  	s0 =	sadd.s32 $0x8F2B, s0  }
0xbd: {  	[sflag:s0] =	ssyncadd.remote.s32 $0x1  }
0xbe: {  	_ =	sfence.sel $0xFFFF  }
0xbf: {  	[dreg:$0x0] =	wrdreg $0xFFFFFFFF;
	(pc) =	sbr.abs _section_cstart, $3  }
0xc0: {  	[dreg:$0x1] =	wrdreg $0xFFFFFFFF  }
0xc1: {  	_ =	task.clear_ibuf [dreg:s7], $0x2FFFF;
	_ =	strace $0x9FFFFFFF  }
0xc2: {  	(tm) =	ssettm $0x7FFFFFFF  }
0xc3: {  	_ =	shalt  }
tec
execute0_lowered:
.L_overlay_start_1:
0x0: {  	(tag) =	ssettag $0x1  }
0x1: {  	s0 =	rddreg [dreg:$0x0]  }
0x2: {  	s1 =	rddreg [dreg:$0x1]  }
0x3: {  	s2 =	simm.s32 $0x0;
	s3 =	srdreg.scid;
	s4 =	stileid.u32  }
0x4: {  	s31 =	simm.s32 $0x2;
	s28 =	simm.s32 $0x3A00;
	s30 =	simm.s32 $0x5200  }
0x5: {  	s29 =	simm.s32 $0x6200;
	[smem:$0x7FF] =	sst s2;
	s3 =	sand.u32 $0x1, s3  }
0x6: {  	s5 =	sadd.s32 $0x1000, s1;
	s4 =	sshll.u32 s4, $0x8;
	s7 =	sadd.s32 $0xE00, s1  }
0x7: {  	_ =	strace $0x80000047;
	s6 =	sshll.u32 s3, $0x7;
	s8 =	ssub.s32 $0x2, s3  }
0x8: {  	s3 =	sadd.s32 $0x1200, s1;
	s4 =	sor.u32 s6, s4;
	s23 =	sshrl.u32 s8, $0x1  }
0x9: {  	s6 =	sadd.s32 $0x1500, s1;
	s9 =	sshll.u32 s4, $0x7;
	s8 =	ssub.s32 s8, s23  }
0xa: {  	s25 =	sshrl.u32 s4, $0x3;
	s10 =	sor.u32 $0x20, s4;
	s24 =	sadd.s32 s0, s9  }
0xb: {  	s16 =	sor.u32 $0x40, s4;
	s26 =	sadd.s32 s5, s25;
	[dreg:$0x3] =	wrdreg s24  }
0xc: {  	s11 =	sadd.s32 s7, s25;
	s12 =	sshll.u32 s10, $0x7;
	[dreg:$0x4] =	wrdreg s26  }
0xd: {  	s14 =	sshrl.u32 s10, $0x3;
	[dreg:$0x5] =	wrdreg s11;
	s13 =	sadd.s32 s0, s12  }
0xe: {  	s4 =	sor.u32 $0x60, s4;
	s15 =	sadd.s32 s5, s14;
	[dreg:$0x6] =	wrdreg s13  }
0xf: {  	s18 =	sshll.u32 s16, $0x7;
	s17 =	sadd.s32 s7, s14;
	[dreg:$0x7] =	wrdreg s15  }
0x10: {  	s20 =	sshrl.u32 s16, $0x3;
	s19 =	sadd.s32 s0, s18;
	[dreg:$0x8] =	wrdreg s17  }
0x11: {  	s23 =	sshll.u32 s4, $0x7;
	s21 =	sadd.s32 s5, s20;
	[dreg:$0x9] =	wrdreg s19  }
0x12: {  	s22 =	sadd.s32 s7, s20;
	s0 =	sadd.s32 s0, s23;
	[dreg:$0xa] =	wrdreg s21  }
0x13: {  	s24 =	sshrl.u32 s4, $0x3;
	s4 =	sadd.s32 $0x1300, s1;
	[dreg:$0xb] =	wrdreg s22  }
0x14: {  	v2 =	vlaneseq.u32;
	[dreg:$0xc] =	wrdreg s0;
	s25 =	sadd.s32 s5, s24;
	s5 =	sadd.s32 $0x1400, s1  }
0x15: {  	vm0 =	vmmov $0xffff;
	v1 =	vshrl.u32 v2, $0x3;
	s26 =	sadd.s32 s7, s24;
	s0 =	smax.u32 s8, $0x1;
	[dreg:$0xd] =	wrdreg s25  }
0x16: {  	v0 =	vand.u32 $0x7, v2;
	v2 =	vor.u32 $0x8, v2;
	v1 =	vmul.u32 $0x8, v1;
	s15 =	simm.s32 $0x1;
	s24 =	simm.s32 $0x3;
	[dreg:$0xe] =	wrdreg s26  }
.LBB2_1:
0x17: {  	[dreg:$0xf] =	wrdreg s0  }
0x18: {  	s25 =	rddreg [dreg:$0x3];
	s7 =	simm.s32 $0x200  }
0x19: {  	[tilespmem:s7], [sflag:$0x1] =	stream.linear.gather [hbm4b:s25+s2], $0x8000, $0x38;
	[tilespmem:$0x10200] =	vst v63  }
0x1a: {  	s26 =	rddreg [dreg:$0x4]  }
0x1b: {  	[tilespmem:s2], [sflag:$0x1] =	stream.linear.gather [hbm4b:s26+s2], $0x20, $0x38;
	[tilespmem:$0x10200] =	vst v63  }
0x1c: {  	s8 =	rddreg [dreg:$0x5];
	s23 =	simm.s32 $0x100  }
0x1d: {  	[tilespmem:s23], [sflag:$0x1] =	stream.linear.gather [hbm4b:s8+s2], $0x20, $0x38;
	[tilespmem:$0x10200] =	vst v63  }
0x1e: {  	s9 =	rddreg [dreg:$0x6];
	s11 =	simm.s32 $0x8200  }
0x1f: {  	[tilespmem:s11], [sflag:$0x2] =	stream.linear.gather [hbm4b:s9+s2], $0x8000, $0x38;
	[tilespmem:$0x10200] =	vst v63  }
0x20: {  	s10 =	rddreg [dreg:$0x7];
	s13 =	simm.s32 $0x80  }
0x21: {  	[tilespmem:s13], [sflag:$0x2] =	stream.linear.gather [hbm4b:s10+s2], $0x20, $0x38;
	[tilespmem:$0x10200] =	vst v63  }
0x22: {  	s12 =	rddreg [dreg:$0x8];
	s14 =	simm.s32 $0x180  }
0x23: {  	[tilespmem:s14], [sflag:$0x2] =	stream.linear.gather [hbm4b:s12+s2], $0x20, $0x38;
	[tilespmem:$0x10200] =	vst v63  }
0x24: {  	_ =	swait.ge [sflag:s15], $0x8000  }
0x25: {  	[sflag:s15] =	ssyncset.done $0x0  }
0x26: {  	[sflag:s15] =	ssyncadd.s32 $0xFFFF8000  }
0x27: {  	_ =	swait.ge [sflag:s15], $0x20  }
0x28: {  	[sflag:s15] =	ssyncset.done $0x0  }
0x29: {  	[sflag:s15] =	ssyncadd.s32 $0xFFFFFFE0  }
0x2a: {  	_ =	swait.ge [sflag:s15], $0x20  }
0x2b: {  	[sflag:s15] =	ssyncset.done $0x0  }
0x2c: {  	[sflag:s15] =	ssyncadd.s32 $0xFFFFFFE0  }
0x2d: {  	v3 =	vld [tilespmem:$0x0];
	_ =	sdelay $0x4  }
0x2e: {  	v4 =	vshll.u32 v3, $0x3  }
0x2f: {  	v3 =	vand.u32 $0x7, v3;
	v4 =	vand.u32 $0xFFFFFFC0, v4  }
0x30: {  	v3 =	vor.u32 v3, v4  }
0x31: {  	v4 =	vperm.xlane v3, v0;
	_ =	sdelay $0x1  }
0x32: {  	v4 =	vadd.s32 v1, v4;
	_ =	sdelay $0x3  }
0x33: {  	s7 =	simm.s32 $0x200  }
0x34: {  	[hbm4b:s3+s2] =	stream.indirect_vreg.scatter [tilespmem:s7], [sflag:$0x3], $0x80, v4, vm0, $0xb8;
	[tilespmem:$0x10200] =	vst v63  }
0x35: {  	s16 =	simm.s32 $0xA00;
	v3 =	vperm.xlane v3, v2  }
0x36: {  	[hbm4b:s4+s2] =	stream.indirect_vreg.scatter [tilespmem:s16], [sflag:$0x3], $0x80, v4, vm0, $0xb8;
	[tilespmem:$0x10200] =	vst v63  }
0x37: {  	s17 =	simm.s32 $0x1200;
	v3 =	vadd.s32 v1, v3  }
0x38: {  	[hbm4b:s5+s2] =	stream.indirect_vreg.scatter [tilespmem:s17], [sflag:$0x3], $0x80, v4, vm0, $0xb8;
	[tilespmem:$0x10200] =	vst v63  }
0x39: {  	s18 =	simm.s32 $0x1A00  }
0x3a: {  	[hbm4b:s6+s2] =	stream.indirect_vreg.scatter [tilespmem:s18], [sflag:$0x3], $0x80, v4, vm0, $0xb8;
	[tilespmem:$0x10200] =	vst v63  }
0x3b: {  	s19 =	simm.s32 $0x2200  }
0x3c: {  	[hbm4b:s3+s2] =	stream.indirect_vreg.scatter [tilespmem:s19], [sflag:$0x3], $0x80, v3, vm0, $0xb8;
	[tilespmem:$0x10200] =	vst v63  }
0x3d: {  	s20 =	simm.s32 $0x2A00  }
0x3e: {  	[hbm4b:s4+s2] =	stream.indirect_vreg.scatter [tilespmem:s20], [sflag:$0x3], $0x80, v3, vm0, $0xb8;
	[tilespmem:$0x10200] =	vst v63  }
0x3f: {  	s21 =	simm.s32 $0x3200  }
0x40: {  	[hbm4b:s5+s2] =	stream.indirect_vreg.scatter [tilespmem:s21], [sflag:$0x3], $0x80, v3, vm0, $0xb8;
	[tilespmem:$0x10200] =	vst v63  }
0x41: {  	s25 =	simm.s32 $0x3A00  }
0x42: {  	[hbm4b:s6+s2] =	stream.indirect_vreg.scatter [tilespmem:s25], [sflag:$0x3], $0x80, v3, vm0, $0xb8;
	[tilespmem:$0x10200] =	vst v63  }
0x43: {  	v3 =	vld [tilespmem:$0x10];
	_ =	sdelay $0x4  }
0x44: {  	v49 =	vshll.u32 v3, $0x3  }
0x45: {  	v3 =	vand.u32 $0x7, v3;
	v4 =	vand.u32 $0xFFFFFFC0, v49  }
0x46: {  	v3 =	vor.u32 v3, v4  }
0x47: {  	v4 =	vperm.xlane v3, v0;
	_ =	sdelay $0x1  }
0x48: {  	v4 =	vadd.s32 v1, v4;
	_ =	sdelay $0x3  }
0x49: {  	s26 =	simm.s32 $0x4200  }
0x4a: {  	[hbm4b:s3+s2] =	stream.indirect_vreg.scatter [tilespmem:s26], [sflag:$0x3], $0x80, v4, vm0, $0xb8;
	[tilespmem:$0x10200] =	vst v63  }
0x4b: {  	s13 =	simm.s32 $0x4A00;
	v3 =	vperm.xlane v3, v2  }
0x4c: {  	[hbm4b:s4+s2] =	stream.indirect_vreg.scatter [tilespmem:s13], [sflag:$0x3], $0x80, v4, vm0, $0xb8;
	[tilespmem:$0x10200] =	vst v63  }
0x4d: {  	s14 =	simm.s32 $0x5200;
	v3 =	vadd.s32 v1, v3  }
0x4e: {  	[hbm4b:s5+s2] =	stream.indirect_vreg.scatter [tilespmem:s14], [sflag:$0x3], $0x80, v4, vm0, $0xb8;
	[tilespmem:$0x10200] =	vst v63  }
0x4f: {  	s16 =	simm.s32 $0x5A00  }
0x50: {  	[hbm4b:s6+s2] =	stream.indirect_vreg.scatter [tilespmem:s16], [sflag:$0x3], $0x80, v4, vm0, $0xb8;
	[tilespmem:$0x10200] =	vst v63  }
0x51: {  	s20 =	simm.s32 $0x6200  }
0x52: {  	[hbm4b:s3+s2] =	stream.indirect_vreg.scatter [tilespmem:s20], [sflag:$0x3], $0x80, v3, vm0, $0xb8;
	[tilespmem:$0x10200] =	vst v63  }
0x53: {  	s21 =	simm.s32 $0x6A00  }
0x54: {  	[hbm4b:s4+s2] =	stream.indirect_vreg.scatter [tilespmem:s21], [sflag:$0x3], $0x80, v3, vm0, $0xb8;
	[tilespmem:$0x10200] =	vst v63  }
0x55: {  	s25 =	simm.s32 $0x7200  }
0x56: {  	[hbm4b:s5+s2] =	stream.indirect_vreg.scatter [tilespmem:s25], [sflag:$0x3], $0x80, v3, vm0, $0xb8;
	[tilespmem:$0x10200] =	vst v63  }
0x57: {  	s26 =	simm.s32 $0x7A00  }
0x58: {  	[hbm4b:s6+s2] =	stream.indirect_vreg.scatter [tilespmem:s26], [sflag:$0x3], $0x80, v3, vm0, $0xb8;
	[tilespmem:$0x10200] =	vst v63  }
0x59: {  	v3 =	vld [tilespmem:$0x100];
	_ =	sdelay $0x4  }
0x5a: {  	v50 =	vshll.u32 v3, $0x3  }
0x5b: {  	v3 =	vand.u32 $0x7, v3;
	v4 =	vand.u32 $0xFFFFFFC0, v50  }
0x5c: {  	v3 =	vor.u32 v3, v4  }
0x5d: {  	v4 =	vperm.xlane v3, v0;
	_ =	sdelay $0x1  }
0x5e: {  	v4 =	vadd.s32 v1, v4;
	_ =	sdelay $0x4  }
0x5f: {  	[hbm4b:s3+s2] =	stream.indirect_vreg.scatter [tilespmem:s7], [sflag:$0x3], $0x80, v4, vm0, $0xb8;
	[tilespmem:$0x10200] =	vst v63  }
0x60: {  	s22 =	simm.s32 $0xA00;
	v3 =	vperm.xlane v3, v2  }
0x61: {  	[hbm4b:s4+s2] =	stream.indirect_vreg.scatter [tilespmem:s22], [sflag:$0x3], $0x80, v4, vm0, $0xb8;
	[tilespmem:$0x10200] =	vst v63  }
0x62: {  	s1 =	simm.s32 $0x1200;
	v3 =	vadd.s32 v1, v3  }
0x63: {  	[hbm4b:s5+s2] =	stream.indirect_vreg.scatter [tilespmem:s1], [sflag:$0x3], $0x80, v4, vm0, $0xb8;
	[tilespmem:$0x10200] =	vst v63  }
0x64: {  	s8 =	simm.s32 $0x1A00  }
0x65: {  	[hbm4b:s6+s2] =	stream.indirect_vreg.scatter [tilespmem:s8], [sflag:$0x3], $0x80, v4, vm0, $0xb8;
	[tilespmem:$0x10200] =	vst v63  }
0x66: {  	s9 =	simm.s32 $0x2200  }
0x67: {  	[hbm4b:s3+s2] =	stream.indirect_vreg.scatter [tilespmem:s9], [sflag:$0x3], $0x80, v3, vm0, $0xb8;
	[tilespmem:$0x10200] =	vst v63  }
0x68: {  	s11 =	simm.s32 $0x2A00  }
0x69: {  	[hbm4b:s4+s2] =	stream.indirect_vreg.scatter [tilespmem:s11], [sflag:$0x3], $0x80, v3, vm0, $0xb8;
	[tilespmem:$0x10200] =	vst v63  }
0x6a: {  	s12 =	simm.s32 $0x3200  }
0x6b: {  	[hbm4b:s5+s2] =	stream.indirect_vreg.scatter [tilespmem:s12], [sflag:$0x3], $0x80, v3, vm0, $0xb8;
	[tilespmem:$0x10200] =	vst v63  }
0x6c: {  	s17 =	simm.s32 $0x3A00  }
0x6d: {  	[hbm4b:s6+s2] =	stream.indirect_vreg.scatter [tilespmem:s17], [sflag:$0x3], $0x80, v3, vm0, $0xb8;
	[tilespmem:$0x10200] =	vst v63  }
0x6e: {  	v3 =	vld [tilespmem:$0x110];
	_ =	sdelay $0x4  }
0x6f: {  	v51 =	vshll.u32 v3, $0x3  }
0x70: {  	v3 =	vand.u32 $0x7, v3;
	v4 =	vand.u32 $0xFFFFFFC0, v51  }
0x71: {  	v3 =	vor.u32 v3, v4  }
0x72: {  	v4 =	vperm.xlane v3, v0;
	_ =	sdelay $0x1  }
0x73: {  	v4 =	vadd.s32 v1, v4;
	_ =	sdelay $0x3  }
0x74: {  	s18 =	simm.s32 $0x4200  }
0x75: {  	[hbm4b:s3+s2] =	stream.indirect_vreg.scatter [tilespmem:s18], [sflag:$0x3], $0x80, v4, vm0, $0xb8;
	[tilespmem:$0x10200] =	vst v63  }
0x76: {  	s19 =	simm.s32 $0x4A00;
	v3 =	vperm.xlane v3, v2  }
0x77: {  	[hbm4b:s4+s2] =	stream.indirect_vreg.scatter [tilespmem:s19], [sflag:$0x3], $0x80, v4, vm0, $0xb8;
	[tilespmem:$0x10200] =	vst v63  }
0x78: {  	s13 =	simm.s32 $0x5200;
	v3 =	vadd.s32 v1, v3  }
0x79: {  	[hbm4b:s5+s2] =	stream.indirect_vreg.scatter [tilespmem:s13], [sflag:$0x3], $0x80, v4, vm0, $0xb8;
	[tilespmem:$0x10200] =	vst v63  }
0x7a: {  	s14 =	simm.s32 $0x5A00  }
0x7b: {  	[hbm4b:s6+s2] =	stream.indirect_vreg.scatter [tilespmem:s14], [sflag:$0x3], $0x80, v4, vm0, $0xb8;
	[tilespmem:$0x10200] =	vst v63  }
0x7c: {  	s16 =	simm.s32 $0x6200  }
0x7d: {  	[hbm4b:s3+s2] =	stream.indirect_vreg.scatter [tilespmem:s16], [sflag:$0x3], $0x80, v3, vm0, $0xb8;
	[tilespmem:$0x10200] =	vst v63  }
0x7e: {  	s20 =	simm.s32 $0x6A00  }
0x7f: {  	[hbm4b:s4+s2] =	stream.indirect_vreg.scatter [tilespmem:s20], [sflag:$0x3], $0x80, v3, vm0, $0xb8;
	[tilespmem:$0x10200] =	vst v63  }
0x80: {  	s21 =	simm.s32 $0x7200  }
0x81: {  	[hbm4b:s5+s2] =	stream.indirect_vreg.scatter [tilespmem:s21], [sflag:$0x3], $0x80, v3, vm0, $0xb8;
	[tilespmem:$0x10200] =	vst v63  }
0x82: {  	s25 =	simm.s32 $0x7A00  }
0x83: {  	[hbm4b:s6+s2] =	stream.indirect_vreg.scatter [tilespmem:s25], [sflag:$0x3], $0x80, v3, vm0, $0xb8;
	[tilespmem:$0x10200] =	vst v63  }
0x84: {  	_ =	swait.ge [sflag:s24], $0x8000  }
0x85: {  	[sflag:s24] =	ssyncset.done $0x0  }
0x86: {  	[sflag:s24] =	ssyncadd.s32 $0xFFFF8000  }
0x87: {  	_ =	swait.ge [sflag:s24], $0x8000  }
0x88: {  	[sflag:s24] =	ssyncset.done $0x0  }
0x89: {  	s26 =	simm.s32 $0x200;
	s20 =	rddreg [dreg:$0x9];
	[sflag:s24] =	ssyncadd.s32 $0xFFFF8000  }
0x8a: {  	[tilespmem:s26], [sflag:$0x1] =	stream.linear.gather [hbm4b:s20+s2], $0x8000, $0x38;
	[tilespmem:$0x10200] =	vst v63  }
0x8b: {  	s21 =	rddreg [dreg:$0xa]  }
0x8c: {  	[tilespmem:s2], [sflag:$0x1] =	stream.linear.gather [hbm4b:s21+s2], $0x20, $0x38;
	[tilespmem:$0x10200] =	vst v63  }
0x8d: {  	s22 =	rddreg [dreg:$0xb]  }
0x8e: {  	[tilespmem:s23], [sflag:$0x1] =	stream.linear.gather [hbm4b:s22+s2], $0x20, $0x38;
	[tilespmem:$0x10200] =	vst v63  }
0x8f: {  	_ =	swait.ge [sflag:s31], $0x8000  }
0x90: {  	[sflag:s31] =	ssyncset.done $0x0  }
0x91: {  	[sflag:s31] =	ssyncadd.s32 $0xFFFF8000  }
0x92: {  	_ =	swait.ge [sflag:s31], $0x20  }
0x93: {  	[sflag:s31] =	ssyncset.done $0x0  }
0x94: {  	[sflag:s31] =	ssyncadd.s32 $0xFFFFFFE0  }
0x95: {  	_ =	swait.ge [sflag:s31], $0x20  }
0x96: {  	[sflag:s31] =	ssyncset.done $0x0  }
0x97: {  	[sflag:s31] =	ssyncadd.s32 $0xFFFFFFE0  }
0x98: {  	v3 =	vld [tilespmem:$0x80];
	_ =	sdelay $0x4  }
0x99: {  	v52 =	vshll.u32 v3, $0x3  }
0x9a: {  	v3 =	vand.u32 $0x7, v3;
	v4 =	vand.u32 $0xFFFFFFC0, v52  }
0x9b: {  	v3 =	vor.u32 v3, v4  }
0x9c: {  	v4 =	vperm.xlane v3, v0;
	_ =	sdelay $0x1  }
0x9d: {  	v4 =	vadd.s32 v1, v4;
	_ =	sdelay $0x3  }
0x9e: {  	s25 =	simm.s32 $0x8200  }
0x9f: {  	[hbm4b:s3+s2] =	stream.indirect_vreg.scatter [tilespmem:s25], [sflag:$0x4], $0x80, v4, vm0, $0xb8;
	[tilespmem:$0x10200] =	vst v63  }
0xa0: {  	s26 =	simm.s32 $0x8A00;
	v3 =	vperm.xlane v3, v2  }
0xa1: {  	[hbm4b:s4+s2] =	stream.indirect_vreg.scatter [tilespmem:s26], [sflag:$0x4], $0x80, v4, vm0, $0xb8;
	[tilespmem:$0x10200] =	vst v63  }
0xa2: {  	s1 =	simm.s32 $0x9200;
	v3 =	vadd.s32 v1, v3  }
0xa3: {  	[hbm4b:s5+s2] =	stream.indirect_vreg.scatter [tilespmem:s1], [sflag:$0x4], $0x80, v4, vm0, $0xb8;
	[tilespmem:$0x10200] =	vst v63  }
0xa4: {  	s7 =	simm.s32 $0x9A00  }
0xa5: {  	[hbm4b:s6+s2] =	stream.indirect_vreg.scatter [tilespmem:s7], [sflag:$0x4], $0x80, v4, vm0, $0xb8;
	[tilespmem:$0x10200] =	vst v63  }
0xa6: {  	s8 =	simm.s32 $0xA200  }
0xa7: {  	[hbm4b:s3+s2] =	stream.indirect_vreg.scatter [tilespmem:s8], [sflag:$0x4], $0x80, v3, vm0, $0xb8;
	[tilespmem:$0x10200] =	vst v63  }
0xa8: {  	s9 =	simm.s32 $0xAA00  }
0xa9: {  	[hbm4b:s4+s2] =	stream.indirect_vreg.scatter [tilespmem:s9], [sflag:$0x4], $0x80, v3, vm0, $0xb8;
	[tilespmem:$0x10200] =	vst v63  }
0xaa: {  	s11 =	simm.s32 $0xB200  }
0xab: {  	[hbm4b:s5+s2] =	stream.indirect_vreg.scatter [tilespmem:s11], [sflag:$0x4], $0x80, v3, vm0, $0xb8;
	[tilespmem:$0x10200] =	vst v63  }
0xac: {  	s12 =	simm.s32 $0xBA00  }
0xad: {  	[hbm4b:s6+s2] =	stream.indirect_vreg.scatter [tilespmem:s12], [sflag:$0x4], $0x80, v3, vm0, $0xb8;
	[tilespmem:$0x10200] =	vst v63  }
0xae: {  	v3 =	vld [tilespmem:$0x90];
	_ =	sdelay $0x4  }
0xaf: {  	v53 =	vshll.u32 v3, $0x3  }
0xb0: {  	v3 =	vand.u32 $0x7, v3;
	v4 =	vand.u32 $0xFFFFFFC0, v53  }
0xb1: {  	v3 =	vor.u32 v3, v4  }
0xb2: {  	v4 =	vperm.xlane v3, v0;
	_ =	sdelay $0x1  }
0xb3: {  	v4 =	vadd.s32 v1, v4;
	_ =	sdelay $0x3  }
0xb4: {  	s13 =	simm.s32 $0xC200  }
0xb5: {  	[hbm4b:s3+s2] =	stream.indirect_vreg.scatter [tilespmem:s13], [sflag:$0x4], $0x80, v4, vm0, $0xb8;
	[tilespmem:$0x10200] =	vst v63  }
0xb6: {  	s21 =	simm.s32 $0xCA00;
	v3 =	vperm.xlane v3, v2  }
0xb7: {  	[hbm4b:s4+s2] =	stream.indirect_vreg.scatter [tilespmem:s21], [sflag:$0x4], $0x80, v4, vm0, $0xb8;
	[tilespmem:$0x10200] =	vst v63  }
0xb8: {  	s16 =	simm.s32 $0xD200;
	v3 =	vadd.s32 v1, v3  }
0xb9: {  	[hbm4b:s5+s2] =	stream.indirect_vreg.scatter [tilespmem:s16], [sflag:$0x4], $0x80, v4, vm0, $0xb8;
	[tilespmem:$0x10200] =	vst v63  }
0xba: {  	s17 =	simm.s32 $0xDA00  }
0xbb: {  	[hbm4b:s6+s2] =	stream.indirect_vreg.scatter [tilespmem:s17], [sflag:$0x4], $0x80, v4, vm0, $0xb8;
	[tilespmem:$0x10200] =	vst v63  }
0xbc: {  	s18 =	simm.s32 $0xE200  }
0xbd: {  	[hbm4b:s3+s2] =	stream.indirect_vreg.scatter [tilespmem:s18], [sflag:$0x4], $0x80, v3, vm0, $0xb8;
	[tilespmem:$0x10200] =	vst v63  }
0xbe: {  	s19 =	simm.s32 $0xEA00  }
0xbf: {  	[hbm4b:s4+s2] =	stream.indirect_vreg.scatter [tilespmem:s19], [sflag:$0x4], $0x80, v3, vm0, $0xb8;
	[tilespmem:$0x10200] =	vst v63  }
0xc0: {  	s20 =	simm.s32 $0xF200  }
0xc1: {  	[hbm4b:s5+s2] =	stream.indirect_vreg.scatter [tilespmem:s20], [sflag:$0x4], $0x80, v3, vm0, $0xb8;
	[tilespmem:$0x10200] =	vst v63  }
0xc2: {  	s21 =	simm.s32 $0xFA00  }
0xc3: {  	[hbm4b:s6+s2] =	stream.indirect_vreg.scatter [tilespmem:s21], [sflag:$0x4], $0x80, v3, vm0, $0xb8;
	[tilespmem:$0x10200] =	vst v63  }
0xc4: {  	v3 =	vld [tilespmem:$0x180];
	_ =	sdelay $0x4  }
0xc5: {  	v54 =	vshll.u32 v3, $0x3  }
0xc6: {  	v3 =	vand.u32 $0x7, v3;
	v4 =	vand.u32 $0xFFFFFFC0, v54  }
0xc7: {  	v3 =	vor.u32 v3, v4  }
0xc8: {  	v4 =	vperm.xlane v3, v0;
	_ =	sdelay $0x1  }
0xc9: {  	v4 =	vadd.s32 v1, v4;
	_ =	sdelay $0x4  }
0xca: {  	[hbm4b:s3+s2] =	stream.indirect_vreg.scatter [tilespmem:s25], [sflag:$0x4], $0x80, v4, vm0, $0xb8;
	[tilespmem:$0x10200] =	vst v63  }
0xcb: {  	s22 =	simm.s32 $0x8A00;
	v3 =	vperm.xlane v3, v2  }
0xcc: {  	[hbm4b:s4+s2] =	stream.indirect_vreg.scatter [tilespmem:s22], [sflag:$0x4], $0x80, v4, vm0, $0xb8;
	[tilespmem:$0x10200] =	vst v63  }
0xcd: {  	s0 =	simm.s32 $0x9200;
	v3 =	vadd.s32 v1, v3  }
0xce: {  	[hbm4b:s5+s2] =	stream.indirect_vreg.scatter [tilespmem:s0], [sflag:$0x4], $0x80, v4, vm0, $0xb8;
	[tilespmem:$0x10200] =	vst v63  }
0xcf: {  	s1 =	simm.s32 $0x9A00  }
0xd0: {  	[hbm4b:s6+s2] =	stream.indirect_vreg.scatter [tilespmem:s1], [sflag:$0x4], $0x80, v4, vm0, $0xb8;
	[tilespmem:$0x10200] =	vst v63  }
0xd1: {  	s7 =	simm.s32 $0xA200  }
0xd2: {  	[hbm4b:s3+s2] =	stream.indirect_vreg.scatter [tilespmem:s7], [sflag:$0x4], $0x80, v3, vm0, $0xb8;
	[tilespmem:$0x10200] =	vst v63  }
0xd3: {  	s8 =	simm.s32 $0xAA00  }
0xd4: {  	[hbm4b:s4+s2] =	stream.indirect_vreg.scatter [tilespmem:s8], [sflag:$0x4], $0x80, v3, vm0, $0xb8;
	[tilespmem:$0x10200] =	vst v63  }
0xd5: {  	s9 =	simm.s32 $0xB200  }
0xd6: {  	[hbm4b:s5+s2] =	stream.indirect_vreg.scatter [tilespmem:s9], [sflag:$0x4], $0x80, v3, vm0, $0xb8;
	[tilespmem:$0x10200] =	vst v63  }
0xd7: {  	s11 =	simm.s32 $0xBA00  }
0xd8: {  	[hbm4b:s6+s2] =	stream.indirect_vreg.scatter [tilespmem:s11], [sflag:$0x4], $0x80, v3, vm0, $0xb8;
	[tilespmem:$0x10200] =	vst v63  }
0xd9: {  	v3 =	vld [tilespmem:$0x190];
	_ =	sdelay $0x4  }
0xda: {  	v55 =	vshll.u32 v3, $0x3  }
0xdb: {  	v3 =	vand.u32 $0x7, v3;
	v4 =	vand.u32 $0xFFFFFFC0, v55  }
0xdc: {  	v3 =	vor.u32 v3, v4  }
0xdd: {  	v4 =	vperm.xlane v3, v0;
	_ =	sdelay $0x1  }
0xde: {  	v4 =	vadd.s32 v1, v4;
	_ =	sdelay $0x3  }
0xdf: {  	s14 =	simm.s32 $0xC200  }
0xe0: {  	[hbm4b:s3+s2] =	stream.indirect_vreg.scatter [tilespmem:s14], [sflag:$0x4], $0x80, v4, vm0, $0xb8;
	[tilespmem:$0x10200] =	vst v63  }
0xe1: {  	s23 =	simm.s32 $0xCA00;
	v3 =	vperm.xlane v3, v2  }
0xe2: {  	[hbm4b:s4+s2] =	stream.indirect_vreg.scatter [tilespmem:s23], [sflag:$0x4], $0x80, v4, vm0, $0xb8;
	[tilespmem:$0x10200] =	vst v63  }
0xe3: {  	v3 =	vadd.s32 v1, v3  }
0xe4: {  	[hbm4b:s5+s2] =	stream.indirect_vreg.scatter [tilespmem:s16], [sflag:$0x4], $0x80, v4, vm0, $0xb8;
	[tilespmem:$0x10200] =	vst v63  }
0xe5: {  	_ = 	snop  }
0xe6: {  	[hbm4b:s6+s2] =	stream.indirect_vreg.scatter [tilespmem:s17], [sflag:$0x4], $0x80, v4, vm0, $0xb8;
	[tilespmem:$0x10200] =	vst v63  }
0xe7: {  	_ = 	snop  }
0xe8: {  	[hbm4b:s3+s2] =	stream.indirect_vreg.scatter [tilespmem:s18], [sflag:$0x4], $0x80, v3, vm0, $0xb8;
	[tilespmem:$0x10200] =	vst v63  }
0xe9: {  	_ = 	snop  }
0xea: {  	[hbm4b:s4+s2] =	stream.indirect_vreg.scatter [tilespmem:s19], [sflag:$0x4], $0x80, v3, vm0, $0xb8;
	[tilespmem:$0x10200] =	vst v63  }
0xeb: {  	_ = 	snop  }
0xec: {  	[hbm4b:s5+s2] =	stream.indirect_vreg.scatter [tilespmem:s20], [sflag:$0x4], $0x80, v3, vm0, $0xb8;
	[tilespmem:$0x10200] =	vst v63  }
0xed: {  	s7 =	simm.s32 $0x4  }
0xee: {  	[hbm4b:s6+s2] =	stream.indirect_vreg.scatter [tilespmem:s21], [sflag:$0x4], $0x80, v3, vm0, $0xb8;
	[tilespmem:$0x10200] =	vst v63  }
0xef: {  	_ =	swait.ge [sflag:s7], $0x8000  }
0xf0: {  	[sflag:s7] =	ssyncset.done $0x0  }
0xf1: {  	[sflag:s7] =	ssyncadd.s32 $0xFFFF8000  }
0xf2: {  	_ =	swait.ge [sflag:s7], $0x8000  }
0xf3: {  	[sflag:s7] =	ssyncset.done $0x0  }
0xf4: {  	s26 =	simm.s32 $0x8200;
	s11 =	rddreg [dreg:$0xc];
	[sflag:s7] =	ssyncadd.s32 $0xFFFF8000  }
0xf5: {  	[tilespmem:s26], [sflag:$0x2] =	stream.linear.gather [hbm4b:s11+s2], $0x8000, $0x38;
	[tilespmem:$0x10200] =	vst v63  }
0xf6: {  	s23 =	simm.s32 $0x80;
	s12 =	rddreg [dreg:$0xd]  }
0xf7: {  	[tilespmem:s23], [sflag:$0x2] =	stream.linear.gather [hbm4b:s12+s2], $0x20, $0x38;
	[tilespmem:$0x10200] =	vst v63  }
0xf8: {  	s10 =	simm.s32 $0x180;
	s14 =	rddreg [dreg:$0xe]  }
0xf9: {  	[tilespmem:s10], [sflag:$0x2] =	stream.linear.gather [hbm4b:s14+s2], $0x20, $0x38;
	[tilespmem:$0x10200] =	vst v63  }
0xfa: {  	_ =	swait.ge [sflag:s15], $0x8000  }
0xfb: {  	[sflag:s15] =	ssyncset.done $0x0  }
0xfc: {  	[sflag:s15] =	ssyncadd.s32 $0xFFFF8000  }
0xfd: {  	_ =	swait.ge [sflag:s15], $0x20  }
0xfe: {  	[sflag:s15] =	ssyncset.done $0x0  }
0xff: {  	[sflag:s15] =	ssyncadd.s32 $0xFFFFFFE0  }
0x100: {  	_ =	swait.ge [sflag:s15], $0x20  }
0x101: {  	[sflag:s15] =	ssyncset.done $0x0  }
0x102: {  	[sflag:s15] =	ssyncadd.s32 $0xFFFFFFE0  }
0x103: {  	v3 =	vld [tilespmem:$0x0];
	_ =	sdelay $0x4  }
0x104: {  	v56 =	vshll.u32 v3, $0x3  }
0x105: {  	v3 =	vand.u32 $0x7, v3;
	v4 =	vand.u32 $0xFFFFFFC0, v56  }
0x106: {  	v3 =	vor.u32 v3, v4  }
0x107: {  	v4 =	vperm.xlane v3, v0;
	_ =	sdelay $0x1  }
0x108: {  	v4 =	vadd.s32 v1, v4;
	_ =	sdelay $0x3  }
0x109: {  	s14 =	simm.s32 $0x200  }
0x10a: {  	[hbm4b:s3+s2] =	stream.indirect_vreg.scatter [tilespmem:s14], [sflag:$0x3], $0x80, v4, vm0, $0xb8;
	[tilespmem:$0x10200] =	vst v63  }
0x10b: {  	s13 =	simm.s32 $0xA00;
	v3 =	vperm.xlane v3, v2  }
0x10c: {  	[hbm4b:s4+s2] =	stream.indirect_vreg.scatter [tilespmem:s13], [sflag:$0x3], $0x80, v4, vm0, $0xb8;
	[tilespmem:$0x10200] =	vst v63  }
0x10d: {  	s25 =	simm.s32 $0x1200;
	v3 =	vadd.s32 v1, v3  }
0x10e: {  	[hbm4b:s5+s2] =	stream.indirect_vreg.scatter [tilespmem:s25], [sflag:$0x3], $0x80, v4, vm0, $0xb8;
	[tilespmem:$0x10200] =	vst v63  }
0x10f: {  	s26 =	simm.s32 $0x1A00  }
0x110: {  	[hbm4b:s6+s2] =	stream.indirect_vreg.scatter [tilespmem:s26], [sflag:$0x3], $0x80, v4, vm0, $0xb8;
	[tilespmem:$0x10200] =	vst v63  }
0x111: {  	s22 =	simm.s32 $0x2200  }
0x112: {  	[hbm4b:s3+s2] =	stream.indirect_vreg.scatter [tilespmem:s22], [sflag:$0x3], $0x80, v3, vm0, $0xb8;
	[tilespmem:$0x10200] =	vst v63  }
0x113: {  	s0 =	simm.s32 $0x2A00  }
0x114: {  	[hbm4b:s4+s2] =	stream.indirect_vreg.scatter [tilespmem:s0], [sflag:$0x3], $0x80, v3, vm0, $0xb8;
	[tilespmem:$0x10200] =	vst v63  }
0x115: {  	s1 =	simm.s32 $0x3200  }
0x116: {  	[hbm4b:s5+s2] =	stream.indirect_vreg.scatter [tilespmem:s1], [sflag:$0x3], $0x80, v3, vm0, $0xb8;
	[tilespmem:$0x10200] =	vst v63  }
0x117: {  	_ = 	snop  }
0x118: {  	[hbm4b:s6+s2] =	stream.indirect_vreg.scatter [tilespmem:s28], [sflag:$0x3], $0x80, v3, vm0, $0xb8;
	[tilespmem:$0x10200] =	vst v63  }
0x119: {  	v3 =	vld [tilespmem:$0x10];
	_ =	sdelay $0x4  }
0x11a: {  	v57 =	vshll.u32 v3, $0x3  }
0x11b: {  	v3 =	vand.u32 $0x7, v3;
	v4 =	vand.u32 $0xFFFFFFC0, v57  }
0x11c: {  	v3 =	vor.u32 v3, v4  }
0x11d: {  	v4 =	vperm.xlane v3, v0;
	_ =	sdelay $0x1  }
0x11e: {  	v4 =	vadd.s32 v1, v4;
	_ =	sdelay $0x3  }
0x11f: {  	s8 =	simm.s32 $0x4200  }
0x120: {  	[hbm4b:s3+s2] =	stream.indirect_vreg.scatter [tilespmem:s8], [sflag:$0x3], $0x80, v4, vm0, $0xb8;
	[tilespmem:$0x10200] =	vst v63  }
0x121: {  	s9 =	simm.s32 $0x4A00;
	v3 =	vperm.xlane v3, v2  }
0x122: {  	[hbm4b:s4+s2] =	stream.indirect_vreg.scatter [tilespmem:s9], [sflag:$0x3], $0x80, v4, vm0, $0xb8;
	[tilespmem:$0x10200] =	vst v63  }
0x123: {  	v3 =	vadd.s32 v1, v3  }
0x124: {  	[hbm4b:s5+s2] =	stream.indirect_vreg.scatter [tilespmem:s30], [sflag:$0x3], $0x80, v4, vm0, $0xb8;
	[tilespmem:$0x10200] =	vst v63  }
0x125: {  	s23 =	simm.s32 $0x5A00  }
0x126: {  	[hbm4b:s6+s2] =	stream.indirect_vreg.scatter [tilespmem:s23], [sflag:$0x3], $0x80, v4, vm0, $0xb8;
	[tilespmem:$0x10200] =	vst v63  }
0x127: {  	_ = 	snop  }
0x128: {  	[hbm4b:s3+s2] =	stream.indirect_vreg.scatter [tilespmem:s29], [sflag:$0x3], $0x80, v3, vm0, $0xb8;
	[tilespmem:$0x10200] =	vst v63  }
0x129: {  	s11 =	simm.s32 $0x6A00  }
0x12a: {  	[hbm4b:s4+s2] =	stream.indirect_vreg.scatter [tilespmem:s11], [sflag:$0x3], $0x80, v3, vm0, $0xb8;
	[tilespmem:$0x10200] =	vst v63  }
0x12b: {  	s12 =	simm.s32 $0x7200  }
0x12c: {  	[hbm4b:s5+s2] =	stream.indirect_vreg.scatter [tilespmem:s12], [sflag:$0x3], $0x80, v3, vm0, $0xb8;
	[tilespmem:$0x10200] =	vst v63  }
0x12d: {  	s10 =	simm.s32 $0x7A00  }
0x12e: {  	[hbm4b:s6+s2] =	stream.indirect_vreg.scatter [tilespmem:s10], [sflag:$0x3], $0x80, v3, vm0, $0xb8;
	[tilespmem:$0x10200] =	vst v63  }
0x12f: {  	v3 =	vld [tilespmem:$0x100];
	_ =	sdelay $0x4  }
0x130: {  	v58 =	vshll.u32 v3, $0x3  }
0x131: {  	v3 =	vand.u32 $0x7, v3;
	v4 =	vand.u32 $0xFFFFFFC0, v58  }
0x132: {  	v3 =	vor.u32 v3, v4  }
0x133: {  	v4 =	vperm.xlane v3, v0;
	_ =	sdelay $0x1  }
0x134: {  	v4 =	vadd.s32 v1, v4;
	_ =	sdelay $0x4  }
0x135: {  	[hbm4b:s3+s2] =	stream.indirect_vreg.scatter [tilespmem:s14], [sflag:$0x3], $0x80, v4, vm0, $0xb8;
	[tilespmem:$0x10200] =	vst v63  }
0x136: {  	v3 =	vperm.xlane v3, v2  }
0x137: {  	[hbm4b:s4+s2] =	stream.indirect_vreg.scatter [tilespmem:s13], [sflag:$0x3], $0x80, v4, vm0, $0xb8;
	[tilespmem:$0x10200] =	vst v63  }
0x138: {  	v3 =	vadd.s32 v1, v3  }
0x139: {  	[hbm4b:s5+s2] =	stream.indirect_vreg.scatter [tilespmem:s25], [sflag:$0x3], $0x80, v4, vm0, $0xb8;
	[tilespmem:$0x10200] =	vst v63  }
0x13a: {  	_ = 	snop  }
0x13b: {  	[hbm4b:s6+s2] =	stream.indirect_vreg.scatter [tilespmem:s26], [sflag:$0x3], $0x80, v4, vm0, $0xb8;
	[tilespmem:$0x10200] =	vst v63  }
0x13c: {  	_ = 	snop  }
0x13d: {  	[hbm4b:s3+s2] =	stream.indirect_vreg.scatter [tilespmem:s22], [sflag:$0x3], $0x80, v3, vm0, $0xb8;
	[tilespmem:$0x10200] =	vst v63  }
0x13e: {  	_ = 	snop  }
0x13f: {  	[hbm4b:s4+s2] =	stream.indirect_vreg.scatter [tilespmem:s0], [sflag:$0x3], $0x80, v3, vm0, $0xb8;
	[tilespmem:$0x10200] =	vst v63  }
0x140: {  	_ = 	snop  }
0x141: {  	[hbm4b:s5+s2] =	stream.indirect_vreg.scatter [tilespmem:s1], [sflag:$0x3], $0x80, v3, vm0, $0xb8;
	[tilespmem:$0x10200] =	vst v63  }
0x142: {  	_ = 	snop  }
0x143: {  	[hbm4b:s6+s2] =	stream.indirect_vreg.scatter [tilespmem:s28], [sflag:$0x3], $0x80, v3, vm0, $0xb8;
	[tilespmem:$0x10200] =	vst v63  }
0x144: {  	v3 =	vld [tilespmem:$0x110];
	_ =	sdelay $0x4  }
0x145: {  	v59 =	vshll.u32 v3, $0x3  }
0x146: {  	v3 =	vand.u32 $0x7, v3;
	v4 =	vand.u32 $0xFFFFFFC0, v59  }
0x147: {  	v3 =	vor.u32 v3, v4  }
0x148: {  	v4 =	vperm.xlane v3, v0;
	_ =	sdelay $0x1  }
0x149: {  	v4 =	vadd.s32 v1, v4;
	_ =	sdelay $0x4  }
0x14a: {  	[hbm4b:s3+s2] =	stream.indirect_vreg.scatter [tilespmem:s8], [sflag:$0x3], $0x80, v4, vm0, $0xb8;
	[tilespmem:$0x10200] =	vst v63  }
0x14b: {  	v3 =	vperm.xlane v3, v2  }
0x14c: {  	[hbm4b:s4+s2] =	stream.indirect_vreg.scatter [tilespmem:s9], [sflag:$0x3], $0x80, v4, vm0, $0xb8;
	[tilespmem:$0x10200] =	vst v63  }
0x14d: {  	v3 =	vadd.s32 v1, v3  }
0x14e: {  	[hbm4b:s5+s2] =	stream.indirect_vreg.scatter [tilespmem:s30], [sflag:$0x3], $0x80, v4, vm0, $0xb8;
	[tilespmem:$0x10200] =	vst v63  }
0x14f: {  	_ = 	snop  }
0x150: {  	[hbm4b:s6+s2] =	stream.indirect_vreg.scatter [tilespmem:s23], [sflag:$0x3], $0x80, v4, vm0, $0xb8;
	[tilespmem:$0x10200] =	vst v63  }
0x151: {  	_ = 	snop  }
0x152: {  	[hbm4b:s3+s2] =	stream.indirect_vreg.scatter [tilespmem:s29], [sflag:$0x3], $0x80, v3, vm0, $0xb8;
	[tilespmem:$0x10200] =	vst v63  }
0x153: {  	_ = 	snop  }
0x154: {  	[hbm4b:s4+s2] =	stream.indirect_vreg.scatter [tilespmem:s11], [sflag:$0x3], $0x80, v3, vm0, $0xb8;
	[tilespmem:$0x10200] =	vst v63  }
0x155: {  	_ = 	snop  }
0x156: {  	[hbm4b:s5+s2] =	stream.indirect_vreg.scatter [tilespmem:s12], [sflag:$0x3], $0x80, v3, vm0, $0xb8;
	[tilespmem:$0x10200] =	vst v63  }
0x157: {  	_ = 	snop  }
0x158: {  	[hbm4b:s6+s2] =	stream.indirect_vreg.scatter [tilespmem:s10], [sflag:$0x3], $0x80, v3, vm0, $0xb8;
	[tilespmem:$0x10200] =	vst v63  }
0x159: {  	_ =	swait.ge [sflag:s31], $0x8000  }
0x15a: {  	[sflag:s31] =	ssyncset.done $0x0  }
0x15b: {  	[sflag:s31] =	ssyncadd.s32 $0xFFFF8000  }
0x15c: {  	_ =	swait.ge [sflag:s31], $0x20  }
0x15d: {  	[sflag:s31] =	ssyncset.done $0x0  }
0x15e: {  	[sflag:s31] =	ssyncadd.s32 $0xFFFFFFE0  }
0x15f: {  	_ =	swait.ge [sflag:s31], $0x20  }
0x160: {  	[sflag:s31] =	ssyncset.done $0x0  }
0x161: {  	[sflag:s31] =	ssyncadd.s32 $0xFFFFFFE0  }
0x162: {  	v3 =	vld [tilespmem:$0x80];
	_ =	sdelay $0x4  }
0x163: {  	v60 =	vshll.u32 v3, $0x3  }
0x164: {  	v3 =	vand.u32 $0x7, v3;
	v4 =	vand.u32 $0xFFFFFFC0, v60  }
0x165: {  	v3 =	vor.u32 v3, v4  }
0x166: {  	v4 =	vperm.xlane v3, v0;
	_ =	sdelay $0x1  }
0x167: {  	v4 =	vadd.s32 v1, v4;
	_ =	sdelay $0x3  }
0x168: {  	s0 =	simm.s32 $0x8200  }
0x169: {  	[hbm4b:s3+s2] =	stream.indirect_vreg.scatter [tilespmem:s0], [sflag:$0x4], $0x80, v4, vm0, $0xb8;
	[tilespmem:$0x10200] =	vst v63  }
0x16a: {  	s1 =	simm.s32 $0x8A00;
	v3 =	vperm.xlane v3, v2  }
0x16b: {  	[hbm4b:s4+s2] =	stream.indirect_vreg.scatter [tilespmem:s1], [sflag:$0x4], $0x80, v4, vm0, $0xb8;
	[tilespmem:$0x10200] =	vst v63  }
0x16c: {  	s8 =	simm.s32 $0x9200;
	v3 =	vadd.s32 v1, v3  }
0x16d: {  	[hbm4b:s5+s2] =	stream.indirect_vreg.scatter [tilespmem:s8], [sflag:$0x4], $0x80, v4, vm0, $0xb8;
	[tilespmem:$0x10200] =	vst v63  }
0x16e: {  	s9 =	simm.s32 $0x9A00  }
0x16f: {  	[hbm4b:s6+s2] =	stream.indirect_vreg.scatter [tilespmem:s9], [sflag:$0x4], $0x80, v4, vm0, $0xb8;
	[tilespmem:$0x10200] =	vst v63  }
0x170: {  	s11 =	simm.s32 $0xA200  }
0x171: {  	[hbm4b:s3+s2] =	stream.indirect_vreg.scatter [tilespmem:s11], [sflag:$0x4], $0x80, v3, vm0, $0xb8;
	[tilespmem:$0x10200] =	vst v63  }
0x172: {  	s12 =	simm.s32 $0xAA00  }
0x173: {  	[hbm4b:s4+s2] =	stream.indirect_vreg.scatter [tilespmem:s12], [sflag:$0x4], $0x80, v3, vm0, $0xb8;
	[tilespmem:$0x10200] =	vst v63  }
0x174: {  	s13 =	simm.s32 $0xB200  }
0x175: {  	[hbm4b:s5+s2] =	stream.indirect_vreg.scatter [tilespmem:s13], [sflag:$0x4], $0x80, v3, vm0, $0xb8;
	[tilespmem:$0x10200] =	vst v63  }
0x176: {  	s14 =	simm.s32 $0xBA00  }
0x177: {  	[hbm4b:s6+s2] =	stream.indirect_vreg.scatter [tilespmem:s14], [sflag:$0x4], $0x80, v3, vm0, $0xb8;
	[tilespmem:$0x10200] =	vst v63  }
0x178: {  	v3 =	vld [tilespmem:$0x90];
	_ =	sdelay $0x4  }
0x179: {  	v61 =	vshll.u32 v3, $0x3  }
0x17a: {  	v3 =	vand.u32 $0x7, v3;
	v4 =	vand.u32 $0xFFFFFFC0, v61  }
0x17b: {  	v3 =	vor.u32 v3, v4  }
0x17c: {  	v4 =	vperm.xlane v3, v0;
	_ =	sdelay $0x1  }
0x17d: {  	v4 =	vadd.s32 v1, v4;
	_ =	sdelay $0x3  }
0x17e: {  	s23 =	simm.s32 $0xC200  }
0x17f: {  	[hbm4b:s3+s2] =	stream.indirect_vreg.scatter [tilespmem:s23], [sflag:$0x4], $0x80, v4, vm0, $0xb8;
	[tilespmem:$0x10200] =	vst v63  }
0x180: {  	s25 =	simm.s32 $0xCA00;
	v3 =	vperm.xlane v3, v2  }
0x181: {  	[hbm4b:s4+s2] =	stream.indirect_vreg.scatter [tilespmem:s25], [sflag:$0x4], $0x80, v4, vm0, $0xb8;
	[tilespmem:$0x10200] =	vst v63  }
0x182: {  	v3 =	vadd.s32 v1, v3  }
0x183: {  	[hbm4b:s5+s2] =	stream.indirect_vreg.scatter [tilespmem:s16], [sflag:$0x4], $0x80, v4, vm0, $0xb8;
	[tilespmem:$0x10200] =	vst v63  }
0x184: {  	_ = 	snop  }
0x185: {  	[hbm4b:s6+s2] =	stream.indirect_vreg.scatter [tilespmem:s17], [sflag:$0x4], $0x80, v4, vm0, $0xb8;
	[tilespmem:$0x10200] =	vst v63  }
0x186: {  	_ = 	snop  }
0x187: {  	[hbm4b:s3+s2] =	stream.indirect_vreg.scatter [tilespmem:s18], [sflag:$0x4], $0x80, v3, vm0, $0xb8;
	[tilespmem:$0x10200] =	vst v63  }
0x188: {  	_ = 	snop  }
0x189: {  	[hbm4b:s4+s2] =	stream.indirect_vreg.scatter [tilespmem:s19], [sflag:$0x4], $0x80, v3, vm0, $0xb8;
	[tilespmem:$0x10200] =	vst v63  }
0x18a: {  	_ = 	snop  }
0x18b: {  	[hbm4b:s5+s2] =	stream.indirect_vreg.scatter [tilespmem:s20], [sflag:$0x4], $0x80, v3, vm0, $0xb8;
	[tilespmem:$0x10200] =	vst v63  }
0x18c: {  	_ = 	snop  }
0x18d: {  	[hbm4b:s6+s2] =	stream.indirect_vreg.scatter [tilespmem:s21], [sflag:$0x4], $0x80, v3, vm0, $0xb8;
	[tilespmem:$0x10200] =	vst v63  }
0x18e: {  	v3 =	vld [tilespmem:$0x180];
	_ =	sdelay $0x4  }
0x18f: {  	v62 =	vshll.u32 v3, $0x3  }
0x190: {  	v3 =	vand.u32 $0x7, v3;
	v4 =	vand.u32 $0xFFFFFFC0, v62  }
0x191: {  	v3 =	vor.u32 v3, v4  }
0x192: {  	v4 =	vperm.xlane v3, v0;
	_ =	sdelay $0x1  }
0x193: {  	v4 =	vadd.s32 v1, v4;
	_ =	sdelay $0x4  }
0x194: {  	[hbm4b:s3+s2] =	stream.indirect_vreg.scatter [tilespmem:s0], [sflag:$0x4], $0x80, v4, vm0, $0xb8;
	[tilespmem:$0x10200] =	vst v63  }
0x195: {  	v3 =	vperm.xlane v3, v2  }
0x196: {  	[hbm4b:s4+s2] =	stream.indirect_vreg.scatter [tilespmem:s1], [sflag:$0x4], $0x80, v4, vm0, $0xb8;
	[tilespmem:$0x10200] =	vst v63  }
0x197: {  	v3 =	vadd.s32 v1, v3  }
0x198: {  	[hbm4b:s5+s2] =	stream.indirect_vreg.scatter [tilespmem:s8], [sflag:$0x4], $0x80, v4, vm0, $0xb8;
	[tilespmem:$0x10200] =	vst v63  }
0x199: {  	_ = 	snop  }
0x19a: {  	[hbm4b:s6+s2] =	stream.indirect_vreg.scatter [tilespmem:s9], [sflag:$0x4], $0x80, v4, vm0, $0xb8;
	[tilespmem:$0x10200] =	vst v63  }
0x19b: {  	_ = 	snop  }
0x19c: {  	[hbm4b:s3+s2] =	stream.indirect_vreg.scatter [tilespmem:s11], [sflag:$0x4], $0x80, v3, vm0, $0xb8;
	[tilespmem:$0x10200] =	vst v63  }
0x19d: {  	_ = 	snop  }
0x19e: {  	[hbm4b:s4+s2] =	stream.indirect_vreg.scatter [tilespmem:s12], [sflag:$0x4], $0x80, v3, vm0, $0xb8;
	[tilespmem:$0x10200] =	vst v63  }
0x19f: {  	_ = 	snop  }
0x1a0: {  	[hbm4b:s5+s2] =	stream.indirect_vreg.scatter [tilespmem:s13], [sflag:$0x4], $0x80, v3, vm0, $0xb8;
	[tilespmem:$0x10200] =	vst v63  }
0x1a1: {  	_ = 	snop  }
0x1a2: {  	[hbm4b:s6+s2] =	stream.indirect_vreg.scatter [tilespmem:s14], [sflag:$0x4], $0x80, v3, vm0, $0xb8;
	[tilespmem:$0x10200] =	vst v63  }
0x1a3: {  	v3 =	vld [tilespmem:$0x190];
	_ =	sdelay $0x4  }
0x1a4: {  	v63 =	vshll.u32 v3, $0x3  }
0x1a5: {  	v3 =	vand.u32 $0x7, v3;
	v4 =	vand.u32 $0xFFFFFFC0, v63  }
0x1a6: {  	v3 =	vor.u32 v3, v4  }
0x1a7: {  	v4 =	vperm.xlane v3, v0;
	_ =	sdelay $0x1  }
0x1a8: {  	v4 =	vadd.s32 v1, v4;
	_ =	sdelay $0x4  }
0x1a9: {  	[hbm4b:s3+s2] =	stream.indirect_vreg.scatter [tilespmem:s23], [sflag:$0x4], $0x80, v4, vm0, $0xb8;
	[tilespmem:$0x10200] =	vst v63  }
0x1aa: {  	v3 =	vperm.xlane v3, v2  }
0x1ab: {  	[hbm4b:s4+s2] =	stream.indirect_vreg.scatter [tilespmem:s25], [sflag:$0x4], $0x80, v4, vm0, $0xb8;
	[tilespmem:$0x10200] =	vst v63  }
0x1ac: {  	v3 =	vadd.s32 v1, v3  }
0x1ad: {  	[hbm4b:s5+s2] =	stream.indirect_vreg.scatter [tilespmem:s16], [sflag:$0x4], $0x80, v4, vm0, $0xb8;
	[tilespmem:$0x10200] =	vst v63  }
0x1ae: {  	_ = 	snop  }
0x1af: {  	[hbm4b:s6+s2] =	stream.indirect_vreg.scatter [tilespmem:s17], [sflag:$0x4], $0x80, v4, vm0, $0xb8;
	[tilespmem:$0x10200] =	vst v63  }
0x1b0: {  	_ = 	snop  }
0x1b1: {  	[hbm4b:s3+s2] =	stream.indirect_vreg.scatter [tilespmem:s18], [sflag:$0x4], $0x80, v3, vm0, $0xb8;
	[tilespmem:$0x10200] =	vst v63  }
0x1b2: {  	_ = 	snop  }
0x1b3: {  	[hbm4b:s4+s2] =	stream.indirect_vreg.scatter [tilespmem:s19], [sflag:$0x4], $0x80, v3, vm0, $0xb8;
	[tilespmem:$0x10200] =	vst v63  }
0x1b4: {  	_ = 	snop  }
0x1b5: {  	[hbm4b:s5+s2] =	stream.indirect_vreg.scatter [tilespmem:s20], [sflag:$0x4], $0x80, v3, vm0, $0xb8;
	[tilespmem:$0x10200] =	vst v63  }
0x1b6: {  	_ = 	snop  }
0x1b7: {  	[hbm4b:s6+s2] =	stream.indirect_vreg.scatter [tilespmem:s21], [sflag:$0x4], $0x80, v3, vm0, $0xb8;
	[tilespmem:$0x10200] =	vst v63  }
0x1b8: {  	s26 =	rddreg [dreg:$0xf];
	_ =	swait.ge [sflag:s24], $0x8000  }
0x1b9: {  	[sflag:s24] =	ssyncset.done $0x0  }
0x1ba: {  	[sflag:s24] =	ssyncadd.s32 $0xFFFF8000  }
0x1bb: {  	_ =	swait.ge [sflag:s24], $0x8000  }
0x1bc: {  	[sflag:s24] =	ssyncset.done $0x0  }
0x1bd: {  	[sflag:s24] =	ssyncadd.s32 $0xFFFF8000  }
0x1be: {  	p0 =	sne.s32 s26, $0x1;
	_ =	swait.ge [sflag:s7], $0x8000  }
.Ltmp0:
0x1bf: {  	[sflag:s7] =	ssyncset.done $0x0;
	(pc) =	sbr.rel @p0 .LBB2_1-.Ltmp0, $4  }
0x1c0: {  	[sflag:s7] =	ssyncadd.s32 $0xFFFF8000  }
0x1c1: {  	_ =	swait.ge [sflag:s7], $0x8000  }
0x1c2: {  	[sflag:s7] =	ssyncset.done $0x0  }
0x1c3: {  	s0 =	sadd.s32 $0xFFFFFFFF, s26;
	[sflag:s7] =	ssyncadd.s32 $0xFFFF8000  }
0x1c4: {  	_ =	sfence.sel $0x180000  }
0x1c5: {  	[bflag:$0x0] =	sbarrier.arrive $0xFFFF  }
0x1c6: {  	_ =	strace $0x90000047  }
0x1c7: {  	s0 =	stileid.u32;
	[bflag:$0x2] =	sbarrier.arrive $0xFFFF  }
0x1c8: {  	p0 =	sne.s32 s0, $0x0;
	s0 =	rddreg [dreg:$0x2]  }
0x1c9: {  	s0 =	sadd.s32 @!p0 $0x100000, s0  }
0x1ca: {  	[sflag:s0] =	ssyncadd.tile.s32 @!p0 $0x1;
	_ =	shalt  }
.Lfunc_end2:
_tile_overlayer_lowered:
.L_overlay_start_2:
0x1cb: {  	(tag) =	ssettag $0x2  }
0x1cc: {  	s0 =	rddreg [dreg:$0x0];
	s2 =	stileid.u32  }
0x1cd: {  	s1 =	rddreg [dreg:$0x1];
	p0 =	sne.s32 s2, $0x0  }
0x1ce: {  	s3 =	rddreg [dreg:$0x2];
	[bflag:$0x3] =	sbarrier.arrive $0xFFFF;
	s2 =	simm.s32 @!p0 $0x1C05  }
0x1cf: {  	[timem:s3], [sflag:s2] =	dma.local @!p0 [hbm:s0], s1  }
0x1d0: {  	s0 =	simm.s32 @!p0 $0x5  }
0x1d1: {  	_ =	swait.ge @!p0 [sflag:s0], s1  }
0x1d2: {  	s1 =	ssub.s32 @!p0 $0x0, s1;
	[sflag:s0] =	ssyncset.done @!p0 $0x0  }
0x1d3: {  	[sflag:s0] =	ssyncadd.s32 @!p0 s1  }
0x1d4: {  	[bflag:$0x3] =	sbarrier.arrive $0xFFFF  }
0x1d5: {  	_ =	shalt  }

</sc_bundles>
